<compile_context>
chip_gen: v7x
topology: tpu7x:2x2x1
jax: 0.10.2.dev20260603
libtpu: 0.0.44.dev20260713+nightly
codegen_flags: <defaults>
</compile_context>

<pallas_src>
import functools

import jax
import jax.numpy as jnp
from jax import lax
from jax.experimental import pallas as pl
from jax.experimental.pallas import tpu as pltpu
from jax.experimental.pallas import tpu_sc as plsc

TOP_K = 8
Z_LOSS_COEF = 0.001
NUM_CORES = 2
NUM_SUBCORES = 16
NUM_WORKERS = NUM_CORES * NUM_SUBCORES
LANES = 16
CHUNKS = (6144, 6144, 4096)
TM = 512


def _softmax_body(x_ref, w_ref, probs_ref, zsq_ref):
    logits = lax.dot_general(
        x_ref[...], w_ref[...], (((1,), (1,)), ((), ())),
        preferred_element_type=jnp.float32)
    m = jnp.max(logits, axis=-1, keepdims=True)
    e = jnp.exp(logits - m)
    s = jnp.sum(e, axis=-1, keepdims=True)
    probs_ref[...] = e / s
    z = m + jnp.log(s)
    part = jnp.reshape(jnp.sum(z * z), (1, 1))
    @pl.when(pl.program_id(0) == 0)
    def _init():
        zsq_ref[...] = part
    @pl.when(pl.program_id(0) != 0)
    def _acc():
        zsq_ref[...] += part


def _softmax_tc_chunk(x_flat, w, tok_base, chunk_tokens):
    h = x_flat.shape[1]
    e_dim = w.shape[0]
    steps = chunk_tokens // TM
    base = tok_base // TM
    probs, zsq = pl.pallas_call(
        _softmax_body,
        grid=(steps,),
        in_specs=[
            pl.BlockSpec((TM, h), lambda i: (base + i, 0)),
            pl.BlockSpec((e_dim, h), lambda i: (0, 0)),
        ],
        out_specs=[
            pl.BlockSpec((TM, e_dim), lambda i: (i, 0)),
            pl.BlockSpec((1, 1), lambda i: (0, 0)),
        ],
        out_shape=[
            jax.ShapeDtypeStruct((chunk_tokens, e_dim), jnp.float32),
            jax.ShapeDtypeStruct((1, 1), jnp.float32),
        ],
    )(x_flat, w)
    return probs, zsq


def _merge16(ka, va, kb, vb):
    krb = lax.rev(kb, (0,))
    vrb = lax.rev(vb, (0,))
    c = ka >= krb
    tk = jnp.where(c, ka, krb)
    tv = jnp.where(c, va, vrb)
    return plsc.sort_key_val(tk, tv, descending=True)


def _make_sc_topk(t, e_dim):
    rows_per_w = t // NUM_WORKERS
    mesh = plsc.VectorSubcoreMesh(
        core_axis_name="c", subcore_axis_name="s")

    @functools.partial(
        pl.kernel,
        out_type=[
            jax.ShapeDtypeStruct((t, TOP_K), jnp.int32),
            jax.ShapeDtypeStruct((t, TOP_K), jnp.float32),
        ],
        mesh=mesh,
        compiler_params=pltpu.CompilerParams(needs_layout_passes=False),
        scratch_types=[
            pltpu.VMEM((rows_per_w, e_dim), jnp.float32),
            pltpu.VMEM((rows_per_w, TOP_K), jnp.int32),
            pltpu.VMEM((rows_per_w, TOP_K), jnp.float32),
        ],
    )
    def sc_topk(probs_hbm, idx_hbm, val_hbm, pbuf, ibuf, vbuf):
        wid = lax.axis_index("s") * NUM_CORES + lax.axis_index("c")
        pltpu.sync_copy(
            probs_hbm.at[pl.ds(wid * rows_per_w, rows_per_w), :],
            pbuf)
        iot = lax.iota(jnp.int32, LANES)
        msk = iot < TOP_K

        @plsc.parallel_loop(0, rows_per_w, 1, unroll=4)
        def row(r):
            ks, vs = [], []
            for j in range(e_dim // LANES):
                kj, vj = plsc.sort_key_val(
                    pbuf[r, pl.ds(j * LANES, LANES)], iot + j * LANES,
                    descending=True)
                ks.append(kj)
                vs.append(vj)
            k01, v01 = _merge16(ks[0], vs[0], ks[1], vs[1])
            k23, v23 = _merge16(ks[2], vs[2], ks[3], vs[3])
            kt, vt = _merge16(k01, v01, k23, v23)
            ssum = jnp.sum(jnp.where(msk, kt, 0.0))
            vn = kt / (ssum + 1e-9)
            rvec = jnp.full((LANES,), r, jnp.int32)
            plsc.store_scatter(vbuf, [rvec, iot], vn, mask=msk)
            plsc.store_scatter(ibuf, [rvec, iot], vt, mask=msk)

        out_base = wid * rows_per_w
        pltpu.sync_copy(ibuf, idx_hbm.at[pl.ds(out_base, rows_per_w), :])
        pltpu.sync_copy(vbuf, val_hbm.at[pl.ds(out_base, rows_per_w), :])

    return sc_topk


@jax.jit
def _router(x_flat, w):
    t, _ = x_flat.shape
    e_dim = w.shape[0]
    sc_topk = {n: _make_sc_topk(n, e_dim) for n in set(CHUNKS)}
    probs_c, idx_c, val_c, zsq_c = [], [], [], []
    tok_base = 0
    for chunk_tokens in CHUNKS:
        p, zs = _softmax_tc_chunk(x_flat, w, tok_base, chunk_tokens)
        tok_base += chunk_tokens
        i_f, v_f = sc_topk[chunk_tokens](p)
        probs_c.append(p)
        idx_c.append(i_f)
        val_c.append(v_f)
        zsq_c.append(zs)
    probs = jnp.concatenate(probs_c, axis=0)
    idx = jnp.concatenate(idx_c, axis=0)
    val = jnp.concatenate(val_c, axis=0)
    zsq = sum(z[0, 0] for z in zsq_c)
    z_loss = Z_LOSS_COEF * zsq / t
    return idx, val, probs, z_loss


def kernel(x_flat, W):
    return _router(x_flat, W)

# --- scband reference (transcript-rebuilt; emitter-appended) ---
"""Pipeline reference for scband-top-krouter-24051816858171 (READ-ONLY COPY).

The authoritative reference and input builder live on the scoring server;
editing this copy changes nothing except your own understanding.
"""

import jax, jax.numpy as jnp
import numpy as np

TOKENS = 16384
HIDDEN = 4096
NUM_EXPERTS = 64
TOP_K = 8
Z_LOSS_COEF = 0.001

def setup_inputs(seed: int = 0) -> dict:
    key = jax.random.key(seed)
    k1, k2 = jax.random.split(key)
    x_flat = jax.random.normal(k1, (TOKENS, HIDDEN), dtype=jnp.float32)
    # nn.Linear(hidden_size, num_experts, bias=False) -> weight shape (E, H)
    W = jax.random.normal(k2, (NUM_EXPERTS, HIDDEN), dtype=jnp.float32) * (1.0 / np.sqrt(HIDDEN))
    return {"x_flat": x_flat, "W": W}

def reference(x_flat, W):
    logits = x_flat @ W.T                              # (T, E)
    probs = jax.nn.softmax(logits, axis=-1)            # (T, E)
    topk_prob, topk_idx = jax.lax.top_k(probs, TOP_K)  # (T, k), (T, k)
    topk_prob = topk_prob / (jnp.sum(topk_prob, axis=-1, keepdims=True) + 1e-09)
    z = jax.nn.logsumexp(logits, axis=-1)
    z_loss = Z_LOSS_COEF * jnp.mean(z * z)
    return (topk_idx, topk_prob, probs, z_loss)

if __name__ == "__main__":
    import jax
    _d = setup_inputs()
    print(jax.jit(kernel)(*tuple(_d.values())))

</pallas_src>

<mosaic_0001>
#map = affine_map<(d0, d1) -> (0, 0)>
module attributes {stable_mosaic.version = 14 : i64} {
  func.func @sc_topk(%arg0: i32, %arg1: i32, %arg2: memref<4096x64xf32, #tpu.memory_space<hbm>>, %arg3: memref<4096x8xi32, #tpu.memory_space<hbm>>, %arg4: memref<4096x8xf32, #tpu.memory_space<hbm>>, %arg5: memref<128x64xf32, #tpu.memory_space<vmem>>, %arg6: memref<128x8xi32, #tpu.memory_space<vmem>>, %arg7: memref<128x8xf32, #tpu.memory_space<vmem>>) attributes {dimension_semantics = [#tpu.dimension_semantics<core_parallel>, #tpu.dimension_semantics<subcore_parallel>], iteration_bounds = array<i64: 2, 16>, scalar_prefetch = 0 : i64, scratch_operands = 3 : i64, tpu.core_type = #tpu.core_type<sc_vector_subcore>, window_params = [{transform_indices = #map}, {transform_indices = #map}, {transform_indices = #map}]} {
    %mul3A = arith.constant 2 : i32
    %mul3A_0 = arith.muli %arg1, %mul3A : i32
    %add3A = arith.addi %mul3A_0, %arg0 : i32
    %mul3A_1 = arith.constant 128 : i32
    %mul3A_2 = arith.muli %add3A, %mul3A_1 : i32
    "tpu.region"() ({
      %run_scoped3A = tpu.sem_alloc : memref<!tpu.dma_semaphore, #tpu.memory_space<semaphore_mem>>
      %dma_start3A = arith.constant 0 : i32
      %dma_start3A_9 = tpu.memref_slice %arg2[%mul3A_2, %dma_start3A] : memref<4096x64xf32, #tpu.memory_space<hbm>> -> memref<128x64xf32, #tpu.memory_space<hbm>>
      %dma_start3A_10 = arith.constant 0 : i32
      %dma_start3A_11 = tpu.memref_slice %arg2[%mul3A_2, %dma_start3A_10] : memref<4096x64xf32, #tpu.memory_space<hbm>> -> memref<128x64xf32, #tpu.memory_space<hbm>>
      tpu.enqueue_dma source(%dma_start3A_11 : memref<128x64xf32, #tpu.memory_space<hbm>>) target(%arg5 : memref<128x64xf32, #tpu.memory_space<vmem>>) target_semaphore(%run_scoped3A : memref<!tpu.dma_semaphore, #tpu.memory_space<semaphore_mem>>)
      %dma_wait3A = arith.constant 0 : i32
      %dma_wait3A_12 = tpu.memref_slice %arg2[%mul3A_2, %dma_wait3A] : memref<4096x64xf32, #tpu.memory_space<hbm>> -> memref<128x64xf32, #tpu.memory_space<hbm>>
      %dma_wait3A_13 = arith.constant 0 : i32
      %dma_wait3A_14 = tpu.memref_slice %arg2[%mul3A_2, %dma_wait3A_13] : memref<4096x64xf32, #tpu.memory_space<hbm>> -> memref<128x64xf32, #tpu.memory_space<hbm>>
      tpu.wait_dma2 semaphore(%run_scoped3A : memref<!tpu.dma_semaphore, #tpu.memory_space<semaphore_mem>>) src(%dma_wait3A_14 : memref<128x64xf32, #tpu.memory_space<hbm>>) dst(%arg5 : memref<128x64xf32, #tpu.memory_space<vmem>>)
      tpu.yield
    }) : () -> ()
    %iota3A = tpu.iota {dimensions = array<i32: 0>} : vector<16xi32>
    %lt3A = arith.constant 8 : i32
    %lt3A_3 = vector.broadcast %lt3A : i32 to vector<16xi32>
    %lt3A_4 = arith.cmpi slt, %iota3A, %lt3A_3 : vector<16xi32>
    %parallel_loop3A = arith.constant 0 : i32
    %parallel_loop3A_5 = arith.constant 128 : i32
    %parallel_loop3A_6 = arith.constant 1 : i32
    scf.for %parallel_loop3A_9 = %parallel_loop3A to %parallel_loop3A_5 step %parallel_loop3A_6  : i32 {
      %parallel_loop3A_10 = arith.index_cast %parallel_loop3A_9 : i32 to index
      %parallel_loop3A_11 = arith.constant 0 : index
      %parallel_loop3A_12 = tpu.vector_load %arg5[%parallel_loop3A_10, %parallel_loop3A_11] {strides = array<i32>} : memref<128x64xf32, #tpu.memory_space<vmem>>, vector<16xf32>,
      %parallel_loop3A_13 = arith.constant 0 : i32
      %parallel_loop3A_14 = vector.broadcast %parallel_loop3A_13 : i32 to vector<16xi32>
      %parallel_loop3A_15 = arith.addi %iota3A, %parallel_loop3A_14 : vector<16xi32>
      %parallel_loop3A_16 = arith.constant dense<true> : vector<16xi1>
      %parallel_loop3A_17, %parallel_loop3A_18, %parallel_loop3A_19 = tpu.sort %parallel_loop3A_12, %parallel_loop3A_15 masked %parallel_loop3A_16 {descending = true} : (vector<16xf32>, vector<16xi32>, vector<16xi1>) -> (vector<16xi1>, vector<16xf32>, vector<16xi32>)
      %parallel_loop3A_20 = arith.index_cast %parallel_loop3A_9 : i32 to index
      %parallel_loop3A_21 = arith.constant 16 : index
      %parallel_loop3A_22 = tpu.vector_load %arg5[%parallel_loop3A_20, %parallel_loop3A_21] {strides = array<i32>} : memref<128x64xf32, #tpu.memory_space<vmem>>, vector<16xf32>,
      %parallel_loop3A_23 = arith.constant 16 : i32
      %parallel_loop3A_24 = vector.broadcast %parallel_loop3A_23 : i32 to vector<16xi32>
      %parallel_loop3A_25 = arith.addi %iota3A, %parallel_loop3A_24 : vector<16xi32>
      %parallel_loop3A_26 = arith.constant dense<true> : vector<16xi1>
      %parallel_loop3A_27, %parallel_loop3A_28, %parallel_loop3A_29 = tpu.sort %parallel_loop3A_22, %parallel_loop3A_25 masked %parallel_loop3A_26 {descending = true} : (vector<16xf32>, vector<16xi32>, vector<16xi1>) -> (vector<16xi1>, vector<16xf32>, vector<16xi32>)
      %parallel_loop3A_30 = arith.index_cast %parallel_loop3A_9 : i32 to index
      %parallel_loop3A_31 = arith.constant 32 : index
      %parallel_loop3A_32 = tpu.vector_load %arg5[%parallel_loop3A_30, %parallel_loop3A_31] {strides = array<i32>} : memref<128x64xf32, #tpu.memory_space<vmem>>, vector<16xf32>,
      %parallel_loop3A_33 = arith.constant 32 : i32
      %parallel_loop3A_34 = vector.broadcast %parallel_loop3A_33 : i32 to vector<16xi32>
      %parallel_loop3A_35 = arith.addi %iota3A, %parallel_loop3A_34 : vector<16xi32>
      %parallel_loop3A_36 = arith.constant dense<true> : vector<16xi1>
      %parallel_loop3A_37, %parallel_loop3A_38, %parallel_loop3A_39 = tpu.sort %parallel_loop3A_32, %parallel_loop3A_35 masked %parallel_loop3A_36 {descending = true} : (vector<16xf32>, vector<16xi32>, vector<16xi1>) -> (vector<16xi1>, vector<16xf32>, vector<16xi32>)
      %parallel_loop3A_40 = arith.index_cast %parallel_loop3A_9 : i32 to index
      %parallel_loop3A_41 = arith.constant 48 : index
      %parallel_loop3A_42 = tpu.vector_load %arg5[%parallel_loop3A_40, %parallel_loop3A_41] {strides = array<i32>} : memref<128x64xf32, #tpu.memory_space<vmem>>, vector<16xf32>,
      %parallel_loop3A_43 = arith.constant 48 : i32
      %parallel_loop3A_44 = vector.broadcast %parallel_loop3A_43 : i32 to vector<16xi32>
      %parallel_loop3A_45 = arith.addi %iota3A, %parallel_loop3A_44 : vector<16xi32>
      %parallel_loop3A_46 = arith.constant dense<true> : vector<16xi1>
      %parallel_loop3A_47, %parallel_loop3A_48, %parallel_loop3A_49 = tpu.sort %parallel_loop3A_42, %parallel_loop3A_45 masked %parallel_loop3A_46 {descending = true} : (vector<16xf32>, vector<16xi32>, vector<16xi1>) -> (vector<16xi1>, vector<16xf32>, vector<16xi32>)
      %parallel_loop3A_50 = arith.constant 15 : i32
      %parallel_loop3A_51 = vector.broadcast %parallel_loop3A_50 : i32 to vector<16xi32>
      %parallel_loop3A_52 = tpu.iota {dimensions = array<i32: 0>} : vector<16xi32>
      %parallel_loop3A_53 = arith.subi %parallel_loop3A_51, %parallel_loop3A_52 : vector<16xi32>
      %parallel_loop3A_54 = tpu.dynamic_gather %parallel_loop3A_28[%parallel_loop3A_53] in [0] : vector<16xf32>, vector<16xi32> -> vector<16xf32>
      %parallel_loop3A_55 = arith.constant 15 : i32
      %parallel_loop3A_56 = vector.broadcast %parallel_loop3A_55 : i32 to vector<16xi32>
      %parallel_loop3A_57 = tpu.iota {dimensions = array<i32: 0>} : vector<16xi32>
      %parallel_loop3A_58 = arith.subi %parallel_loop3A_56, %parallel_loop3A_57 : vector<16xi32>
      %parallel_loop3A_59 = tpu.dynamic_gather %parallel_loop3A_29[%parallel_loop3A_58] in [0] : vector<16xi32>, vector<16xi32> -> vector<16xi32>
      %parallel_loop3A_60 = arith.cmpf oge, %parallel_loop3A_18, %parallel_loop3A_54 : vector<16xf32>
      %parallel_loop3A_61 = arith.select %parallel_loop3A_60, %parallel_loop3A_18, %parallel_loop3A_54 : vector<16xi1>, vector<16xf32>
      %parallel_loop3A_62 = arith.select %parallel_loop3A_60, %parallel_loop3A_19, %parallel_loop3A_59 : vector<16xi1>, vector<16xi32>
      %parallel_loop3A_63 = arith.constant dense<true> : vector<16xi1>
      %parallel_loop3A_64, %parallel_loop3A_65, %parallel_loop3A_66 = tpu.sort %parallel_loop3A_61, %parallel_loop3A_62 masked %parallel_loop3A_63 {descending = true} : (vector<16xf32>, vector<16xi32>, vector<16xi1>) -> (vector<16xi1>, vector<16xf32>, vector<16xi32>)
      %parallel_loop3A_67 = arith.constant 15 : i32
      %parallel_loop3A_68 = vector.broadcast %parallel_loop3A_67 : i32 to vector<16xi32>
      %parallel_loop3A_69 = tpu.iota {dimensions = array<i32: 0>} : vector<16xi32>
      %parallel_loop3A_70 = arith.subi %parallel_loop3A_68, %parallel_loop3A_69 : vector<16xi32>
      %parallel_loop3A_71 = tpu.dynamic_gather %parallel_loop3A_48[%parallel_loop3A_70] in [0] : vector<16xf32>, vector<16xi32> -> vector<16xf32>
      %parallel_loop3A_72 = arith.constant 15 : i32
      %parallel_loop3A_73 = vector.broadcast %parallel_loop3A_72 : i32 to vector<16xi32>
      %parallel_loop3A_74 = tpu.iota {dimensions = array<i32: 0>} : vector<16xi32>
      %parallel_loop3A_75 = arith.subi %parallel_loop3A_73, %parallel_loop3A_74 : vector<16xi32>
      %parallel_loop3A_76 = tpu.dynamic_gather %parallel_loop3A_49[%parallel_loop3A_75] in [0] : vector<16xi32>, vector<16xi32> -> vector<16xi32>
      %parallel_loop3A_77 = arith.cmpf oge, %parallel_loop3A_38, %parallel_loop3A_71 : vector<16xf32>
      %parallel_loop3A_78 = arith.select %parallel_loop3A_77, %parallel_loop3A_38, %parallel_loop3A_71 : vector<16xi1>, vector<16xf32>
      %parallel_loop3A_79 = arith.select %parallel_loop3A_77, %parallel_loop3A_39, %parallel_loop3A_76 : vector<16xi1>, vector<16xi32>
      %parallel_loop3A_80 = arith.constant dense<true> : vector<16xi1>
      %parallel_loop3A_81, %parallel_loop3A_82, %parallel_loop3A_83 = tpu.sort %parallel_loop3A_78, %parallel_loop3A_79 masked %parallel_loop3A_80 {descending = true} : (vector<16xf32>, vector<16xi32>, vector<16xi1>) -> (vector<16xi1>, vector<16xf32>, vector<16xi32>)
      %parallel_loop3A_84 = arith.constant 15 : i32
      %parallel_loop3A_85 = vector.broadcast %parallel_loop3A_84 : i32 to vector<16xi32>
      %parallel_loop3A_86 = tpu.iota {dimensions = array<i32: 0>} : vector<16xi32>
      %parallel_loop3A_87 = arith.subi %parallel_loop3A_85, %parallel_loop3A_86 : vector<16xi32>
      %parallel_loop3A_88 = tpu.dynamic_gather %parallel_loop3A_82[%parallel_loop3A_87] in [0] : vector<16xf32>, vector<16xi32> -> vector<16xf32>
      %parallel_loop3A_89 = arith.constant 15 : i32
      %parallel_loop3A_90 = vector.broadcast %parallel_loop3A_89 : i32 to vector<16xi32>
      %parallel_loop3A_91 = tpu.iota {dimensions = array<i32: 0>} : vector<16xi32>
      %parallel_loop3A_92 = arith.subi %parallel_loop3A_90, %parallel_loop3A_91 : vector<16xi32>
      %parallel_loop3A_93 = tpu.dynamic_gather %parallel_loop3A_83[%parallel_loop3A_92] in [0] : vector<16xi32>, vector<16xi32> -> vector<16xi32>
      %parallel_loop3A_94 = arith.cmpf oge, %parallel_loop3A_65, %parallel_loop3A_88 : vector<16xf32>
      %parallel_loop3A_95 = arith.select %parallel_loop3A_94, %parallel_loop3A_65, %parallel_loop3A_88 : vector<16xi1>, vector<16xf32>
      %parallel_loop3A_96 = arith.select %parallel_loop3A_94, %parallel_loop3A_66, %parallel_loop3A_93 : vector<16xi1>, vector<16xi32>
      %parallel_loop3A_97 = arith.constant dense<true> : vector<16xi1>
      %parallel_loop3A_98, %parallel_loop3A_99, %parallel_loop3A_100 = tpu.sort %parallel_loop3A_95, %parallel_loop3A_96 masked %parallel_loop3A_97 {descending = true} : (vector<16xf32>, vector<16xi32>, vector<16xi1>) -> (vector<16xi1>, vector<16xf32>, vector<16xi32>)
      %parallel_loop3A_101 = arith.constant 0.000000e+00 : f32
      %parallel_loop3A_102 = vector.broadcast %parallel_loop3A_101 : f32 to vector<16xf32>
      %parallel_loop3A_103 = arith.select %lt3A_4, %parallel_loop3A_99, %parallel_loop3A_102 : vector<16xi1>, vector<16xf32>
      %parallel_loop3A_104 = arith.constant true
      %parallel_loop3A_105 = vector.broadcast %parallel_loop3A_104 : i1 to vector<16xi1>
      %parallel_loop3A_106 = tpu.scan <sum>, %parallel_loop3A_103 masked %parallel_loop3A_105 : vector<16xf32>, vector<16xi1> -> vector<16xf32>
      %parallel_loop3A_107 = vector.extract %parallel_loop3A_106[15] : f32 from vector<16xf32>
      %parallel_loop3A_108 = arith.constant 9.99999971E-10 : f32
      %parallel_loop3A_109 = arith.addf %parallel_loop3A_107, %parallel_loop3A_108 : f32
      %parallel_loop3A_110 = vector.broadcast %parallel_loop3A_109 : f32 to vector<16xf32>
      %parallel_loop3A_111 = arith.divf %parallel_loop3A_99, %parallel_loop3A_110 : vector<16xf32>
      %parallel_loop3A_112 = vector.broadcast %parallel_loop3A_9 : i32 to vector<16xi32>
      tpu.vector_store_idx %arg7[%parallel_loop3A_112, %iota3A], %parallel_loop3A_111 masked %lt3A_4 : memref<128x8xf32, #tpu.memory_space<vmem>>[vector<16xi32>, vector<16xi32>], vector<16xf32>, vector<16xi1>
      tpu.vector_store_idx %arg6[%parallel_loop3A_112, %iota3A], %parallel_loop3A_100 masked %lt3A_4 : memref<128x8xi32, #tpu.memory_space<vmem>>[vector<16xi32>, vector<16xi32>], vector<16xi32>, vector<16xi1>
    } {sc.loop_unroll_factor = 4 : i64, sc.parallel_access}
    %mul3A_7 = arith.constant 128 : i32
    %mul3A_8 = arith.muli %add3A, %mul3A_7 : i32
    "tpu.region"() ({
      %run_scoped3A = tpu.sem_alloc : memref<!tpu.dma_semaphore, #tpu.memory_space<semaphore_mem>>
      %dma_start3A = arith.constant 0 : i32
      %dma_start3A_9 = tpu.memref_slice %arg3[%mul3A_8, %dma_start3A] : memref<4096x8xi32, #tpu.memory_space<hbm>> -> memref<128x8xi32, #tpu.memory_space<hbm>>
      %dma_start3A_10 = arith.constant 0 : i32
      %dma_start3A_11 = tpu.memref_slice %arg3[%mul3A_8, %dma_start3A_10] : memref<4096x8xi32, #tpu.memory_space<hbm>> -> memref<128x8xi32, #tpu.memory_space<hbm>>
      tpu.enqueue_dma source(%arg6 : memref<128x8xi32, #tpu.memory_space<vmem>>) target(%dma_start3A_11 : memref<128x8xi32, #tpu.memory_space<hbm>>) target_semaphore(%run_scoped3A : memref<!tpu.dma_semaphore, #tpu.memory_space<semaphore_mem>>)
      %dma_wait3A = arith.constant 0 : i32
      %dma_wait3A_12 = tpu.memref_slice %arg3[%mul3A_8, %dma_wait3A] : memref<4096x8xi32, #tpu.memory_space<hbm>> -> memref<128x8xi32, #tpu.memory_space<hbm>>
      %dma_wait3A_13 = arith.constant 0 : i32
      %dma_wait3A_14 = tpu.memref_slice %arg3[%mul3A_8, %dma_wait3A_13] : memref<4096x8xi32, #tpu.memory_space<hbm>> -> memref<128x8xi32, #tpu.memory_space<hbm>>
      tpu.wait_dma2 semaphore(%run_scoped3A : memref<!tpu.dma_semaphore, #tpu.memory_space<semaphore_mem>>) src(%arg6 : memref<128x8xi32, #tpu.memory_space<vmem>>) dst(%dma_wait3A_14 : memref<128x8xi32, #tpu.memory_space<hbm>>)
      tpu.yield
    }) : () -> ()
    "tpu.region"() ({
      %run_scoped3A = tpu.sem_alloc : memref<!tpu.dma_semaphore, #tpu.memory_space<semaphore_mem>>
      %dma_start3A = arith.constant 0 : i32
      %dma_start3A_9 = tpu.memref_slice %arg4[%mul3A_8, %dma_start3A] : memref<4096x8xf32, #tpu.memory_space<hbm>> -> memref<128x8xf32, #tpu.memory_space<hbm>>
      %dma_start3A_10 = arith.constant 0 : i32
      %dma_start3A_11 = tpu.memref_slice %arg4[%mul3A_8, %dma_start3A_10] : memref<4096x8xf32, #tpu.memory_space<hbm>> -> memref<128x8xf32, #tpu.memory_space<hbm>>
      tpu.enqueue_dma source(%arg7 : memref<128x8xf32, #tpu.memory_space<vmem>>) target(%dma_start3A_11 : memref<128x8xf32, #tpu.memory_space<hbm>>) target_semaphore(%run_scoped3A : memref<!tpu.dma_semaphore, #tpu.memory_space<semaphore_mem>>)
      %dma_wait3A = arith.constant 0 : i32
      %dma_wait3A_12 = tpu.memref_slice %arg4[%mul3A_8, %dma_wait3A] : memref<4096x8xf32, #tpu.memory_space<hbm>> -> memref<128x8xf32, #tpu.memory_space<hbm>>
      %dma_wait3A_13 = arith.constant 0 : i32
      %dma_wait3A_14 = tpu.memref_slice %arg4[%mul3A_8, %dma_wait3A_13] : memref<4096x8xf32, #tpu.memory_space<hbm>> -> memref<128x8xf32, #tpu.memory_space<hbm>>
      tpu.wait_dma2 semaphore(%run_scoped3A : memref<!tpu.dma_semaphore, #tpu.memory_space<semaphore_mem>>) src(%arg7 : memref<128x8xf32, #tpu.memory_space<vmem>>) dst(%dma_wait3A_14 : memref<128x8xf32, #tpu.memory_space<hbm>>)
      tpu.yield
    }) : () -> ()
    return
  }
}

#map = affine_map<(d0, d1) -> (0, 0)>
module attributes {stable_mosaic.version = 14 : i64} {
  func.func @sc_topk(%arg0: i32, %arg1: i32, %arg2: memref<6144x64xf32, #tpu.memory_space<hbm>>, %arg3: memref<6144x8xi32, #tpu.memory_space<hbm>>, %arg4: memref<6144x8xf32, #tpu.memory_space<hbm>>, %arg5: memref<192x64xf32, #tpu.memory_space<vmem>>, %arg6: memref<192x8xi32, #tpu.memory_space<vmem>>, %arg7: memref<192x8xf32, #tpu.memory_space<vmem>>) attributes {dimension_semantics = [#tpu.dimension_semantics<core_parallel>, #tpu.dimension_semantics<subcore_parallel>], iteration_bounds = array<i64: 2, 16>, scalar_prefetch = 0 : i64, scratch_operands = 3 : i64, tpu.core_type = #tpu.core_type<sc_vector_subcore>, window_params = [{transform_indices = #map}, {transform_indices = #map}, {transform_indices = #map}]} {
    %mul3A = arith.constant 2 : i32
    %mul3A_0 = arith.muli %arg1, %mul3A : i32
    %add3A = arith.addi %mul3A_0, %arg0 : i32
    %mul3A_1 = arith.constant 192 : i32
    %mul3A_2 = arith.muli %add3A, %mul3A_1 : i32
    "tpu.region"() ({
      %run_scoped3A = tpu.sem_alloc : memref<!tpu.dma_semaphore, #tpu.memory_space<semaphore_mem>>
      %dma_start3A = arith.constant 0 : i32
      %dma_start3A_9 = tpu.memref_slice %arg2[%mul3A_2, %dma_start3A] : memref<6144x64xf32, #tpu.memory_space<hbm>> -> memref<192x64xf32, #tpu.memory_space<hbm>>
      %dma_start3A_10 = arith.constant 0 : i32
      %dma_start3A_11 = tpu.memref_slice %arg2[%mul3A_2, %dma_start3A_10] : memref<6144x64xf32, #tpu.memory_space<hbm>> -> memref<192x64xf32, #tpu.memory_space<hbm>>
      tpu.enqueue_dma source(%dma_start3A_11 : memref<192x64xf32, #tpu.memory_space<hbm>>) target(%arg5 : memref<192x64xf32, #tpu.memory_space<vmem>>) target_semaphore(%run_scoped3A : memref<!tpu.dma_semaphore, #tpu.memory_space<semaphore_mem>>)
      %dma_wait3A = arith.constant 0 : i32
      %dma_wait3A_12 = tpu.memref_slice %arg2[%mul3A_2, %dma_wait3A] : memref<6144x64xf32, #tpu.memory_space<hbm>> -> memref<192x64xf32, #tpu.memory_space<hbm>>
      %dma_wait3A_13 = arith.constant 0 : i32
      %dma_wait3A_14 = tpu.memref_slice %arg2[%mul3A_2, %dma_wait3A_13] : memref<6144x64xf32, #tpu.memory_space<hbm>> -> memref<192x64xf32, #tpu.memory_space<hbm>>
      tpu.wait_dma2 semaphore(%run_scoped3A : memref<!tpu.dma_semaphore, #tpu.memory_space<semaphore_mem>>) src(%dma_wait3A_14 : memref<192x64xf32, #tpu.memory_space<hbm>>) dst(%arg5 : memref<192x64xf32, #tpu.memory_space<vmem>>)
      tpu.yield
    }) : () -> ()
    %iota3A = tpu.iota {dimensions = array<i32: 0>} : vector<16xi32>
    %lt3A = arith.constant 8 : i32
    %lt3A_3 = vector.broadcast %lt3A : i32 to vector<16xi32>
    %lt3A_4 = arith.cmpi slt, %iota3A, %lt3A_3 : vector<16xi32>
    %parallel_loop3A = arith.constant 0 : i32
    %parallel_loop3A_5 = arith.constant 192 : i32
    %parallel_loop3A_6 = arith.constant 1 : i32
    scf.for %parallel_loop3A_9 = %parallel_loop3A to %parallel_loop3A_5 step %parallel_loop3A_6  : i32 {
      %parallel_loop3A_10 = arith.index_cast %parallel_loop3A_9 : i32 to index
      %parallel_loop3A_11 = arith.constant 0 : index
      %parallel_loop3A_12 = tpu.vector_load %arg5[%parallel_loop3A_10, %parallel_loop3A_11] {strides = array<i32>} : memref<192x64xf32, #tpu.memory_space<vmem>>, vector<16xf32>,
      %parallel_loop3A_13 = arith.constant 0 : i32
      %parallel_loop3A_14 = vector.broadcast %parallel_loop3A_13 : i32 to vector<16xi32>
      %parallel_loop3A_15 = arith.addi %iota3A, %parallel_loop3A_14 : vector<16xi32>
      %parallel_loop3A_16 = arith.constant dense<true> : vector<16xi1>
      %parallel_loop3A_17, %parallel_loop3A_18, %parallel_loop3A_19 = tpu.sort %parallel_loop3A_12, %parallel_loop3A_15 masked %parallel_loop3A_16 {descending = true} : (vector<16xf32>, vector<16xi32>, vector<16xi1>) -> (vector<16xi1>, vector<16xf32>, vector<16xi32>)
      %parallel_loop3A_20 = arith.index_cast %parallel_loop3A_9 : i32 to index
      %parallel_loop3A_21 = arith.constant 16 : index
      %parallel_loop3A_22 = tpu.vector_load %arg5[%parallel_loop3A_20, %parallel_loop3A_21] {strides = array<i32>} : memref<192x64xf32, #tpu.memory_space<vmem>>, vector<16xf32>,
      %parallel_loop3A_23 = arith.constant 16 : i32
      %parallel_loop3A_24 = vector.broadcast %parallel_loop3A_23 : i32 to vector<16xi32>
      %parallel_loop3A_25 = arith.addi %iota3A, %parallel_loop3A_24 : vector<16xi32>
      %parallel_loop3A_26 = arith.constant dense<true> : vector<16xi1>
      %parallel_loop3A_27, %parallel_loop3A_28, %parallel_loop3A_29 = tpu.sort %parallel_loop3A_22, %parallel_loop3A_25 masked %parallel_loop3A_26 {descending = true} : (vector<16xf32>, vector<16xi32>, vector<16xi1>) -> (vector<16xi1>, vector<16xf32>, vector<16xi32>)
      %parallel_loop3A_30 = arith.index_cast %parallel_loop3A_9 : i32 to index
      %parallel_loop3A_31 = arith.constant 32 : index
      %parallel_loop3A_32 = tpu.vector_load %arg5[%parallel_loop3A_30, %parallel_loop3A_31] {strides = array<i32>} : memref<192x64xf32, #tpu.memory_space<vmem>>, vector<16xf32>,
      %parallel_loop3A_33 = arith.constant 32 : i32
      %parallel_loop3A_34 = vector.broadcast %parallel_loop3A_33 : i32 to vector<16xi32>
      %parallel_loop3A_35 = arith.addi %iota3A, %parallel_loop3A_34 : vector<16xi32>
      %parallel_loop3A_36 = arith.constant dense<true> : vector<16xi1>
      %parallel_loop3A_37, %parallel_loop3A_38, %parallel_loop3A_39 = tpu.sort %parallel_loop3A_32, %parallel_loop3A_35 masked %parallel_loop3A_36 {descending = true} : (vector<16xf32>, vector<16xi32>, vector<16xi1>) -> (vector<16xi1>, vector<16xf32>, vector<16xi32>)
      %parallel_loop3A_40 = arith.index_cast %parallel_loop3A_9 : i32 to index
      %parallel_loop3A_41 = arith.constant 48 : index
      %parallel_loop3A_42 = tpu.vector_load %arg5[%parallel_loop3A_40, %parallel_loop3A_41] {strides = array<i32>} : memref<192x64xf32, #tpu.memory_space<vmem>>, vector<16xf32>,
      %parallel_loop3A_43 = arith.constant 48 : i32
      %parallel_loop3A_44 = vector.broadcast %parallel_loop3A_43 : i32 to vector<16xi32>
      %parallel_loop3A_45 = arith.addi %iota3A, %parallel_loop3A_44 : vector<16xi32>
      %parallel_loop3A_46 = arith.constant dense<true> : vector<16xi1>
      %parallel_loop3A_47, %parallel_loop3A_48, %parallel_loop3A_49 = tpu.sort %parallel_loop3A_42, %parallel_loop3A_45 masked %parallel_loop3A_46 {descending = true} : (vector<16xf32>, vector<16xi32>, vector<16xi1>) -> (vector<16xi1>, vector<16xf32>, vector<16xi32>)
      %parallel_loop3A_50 = arith.constant 15 : i32
      %parallel_loop3A_51 = vector.broadcast %parallel_loop3A_50 : i32 to vector<16xi32>
      %parallel_loop3A_52 = tpu.iota {dimensions = array<i32: 0>} : vector<16xi32>
      %parallel_loop3A_53 = arith.subi %parallel_loop3A_51, %parallel_loop3A_52 : vector<16xi32>
      %parallel_loop3A_54 = tpu.dynamic_gather %parallel_loop3A_28[%parallel_loop3A_53] in [0] : vector<16xf32>, vector<16xi32> -> vector<16xf32>
      %parallel_loop3A_55 = arith.constant 15 : i32
      %parallel_loop3A_56 = vector.broadcast %parallel_loop3A_55 : i32 to vector<16xi32>
      %parallel_loop3A_57 = tpu.iota {dimensions = array<i32: 0>} : vector<16xi32>
      %parallel_loop3A_58 = arith.subi %parallel_loop3A_56, %parallel_loop3A_57 : vector<16xi32>
      %parallel_loop3A_59 = tpu.dynamic_gather %parallel_loop3A_29[%parallel_loop3A_58] in [0] : vector<16xi32>, vector<16xi32> -> vector<16xi32>
      %parallel_loop3A_60 = arith.cmpf oge, %parallel_loop3A_18, %parallel_loop3A_54 : vector<16xf32>
      %parallel_loop3A_61 = arith.select %parallel_loop3A_60, %parallel_loop3A_18, %parallel_loop3A_54 : vector<16xi1>, vector<16xf32>
      %parallel_loop3A_62 = arith.select %parallel_loop3A_60, %parallel_loop3A_19, %parallel_loop3A_59 : vector<16xi1>, vector<16xi32>
      %parallel_loop3A_63 = arith.constant dense<true> : vector<16xi1>
      %parallel_loop3A_64, %parallel_loop3A_65, %parallel_loop3A_66 = tpu.sort %parallel_loop3A_61, %parallel_loop3A_62 masked %parallel_loop3A_63 {descending = true} : (vector<16xf32>, vector<16xi32>, vector<16xi1>) -> (vector<16xi1>, vector<16xf32>, vector<16xi32>)
      %parallel_loop3A_67 = arith.constant 15 : i32
      %parallel_loop3A_68 = vector.broadcast %parallel_loop3A_67 : i32 to vector<16xi32>
      %parallel_loop3A_69 = tpu.iota {dimensions = array<i32: 0>} : vector<16xi32>
      %parallel_loop3A_70 = arith.subi %parallel_loop3A_68, %parallel_loop3A_69 : vector<16xi32>
      %parallel_loop3A_71 = tpu.dynamic_gather %parallel_loop3A_48[%parallel_loop3A_70] in [0] : vector<16xf32>, vector<16xi32> -> vector<16xf32>
      %parallel_loop3A_72 = arith.constant 15 : i32
      %parallel_loop3A_73 = vector.broadcast %parallel_loop3A_72 : i32 to vector<16xi32>
      %parallel_loop3A_74 = tpu.iota {dimensions = array<i32: 0>} : vector<16xi32>
      %parallel_loop3A_75 = arith.subi %parallel_loop3A_73, %parallel_loop3A_74 : vector<16xi32>
      %parallel_loop3A_76 = tpu.dynamic_gather %parallel_loop3A_49[%parallel_loop3A_75] in [0] : vector<16xi32>, vector<16xi32> -> vector<16xi32>
      %parallel_loop3A_77 = arith.cmpf oge, %parallel_loop3A_38, %parallel_loop3A_71 : vector<16xf32>
      %parallel_loop3A_78 = arith.select %parallel_loop3A_77, %parallel_loop3A_38, %parallel_loop3A_71 : vector<16xi1>, vector<16xf32>
      %parallel_loop3A_79 = arith.select %parallel_loop3A_77, %parallel_loop3A_39, %parallel_loop3A_76 : vector<16xi1>, vector<16xi32>
      %parallel_loop3A_80 = arith.constant dense<true> : vector<16xi1>
      %parallel_loop3A_81, %parallel_loop3A_82, %parallel_loop3A_83 = tpu.sort %parallel_loop3A_78, %parallel_loop3A_79 masked %parallel_loop3A_80 {descending = true} : (vector<16xf32>, vector<16xi32>, vector<16xi1>) -> (vector<16xi1>, vector<16xf32>, vector<16xi32>)
      %parallel_loop3A_84 = arith.constant 15 : i32
      %parallel_loop3A_85 = vector.broadcast %parallel_loop3A_84 : i32 to vector<16xi32>
      %parallel_loop3A_86 = tpu.iota {dimensions = array<i32: 0>} : vector<16xi32>
      %parallel_loop3A_87 = arith.subi %parallel_loop3A_85, %parallel_loop3A_86 : vector<16xi32>
      %parallel_loop3A_88 = tpu.dynamic_gather %parallel_loop3A_82[%parallel_loop3A_87] in [0] : vector<16xf32>, vector<16xi32> -> vector<16xf32>
      %parallel_loop3A_89 = arith.constant 15 : i32
      %parallel_loop3A_90 = vector.broadcast %parallel_loop3A_89 : i32 to vector<16xi32>
      %parallel_loop3A_91 = tpu.iota {dimensions = array<i32: 0>} : vector<16xi32>
      %parallel_loop3A_92 = arith.subi %parallel_loop3A_90, %parallel_loop3A_91 : vector<16xi32>
      %parallel_loop3A_93 = tpu.dynamic_gather %parallel_loop3A_83[%parallel_loop3A_92] in [0] : vector<16xi32>, vector<16xi32> -> vector<16xi32>
      %parallel_loop3A_94 = arith.cmpf oge, %parallel_loop3A_65, %parallel_loop3A_88 : vector<16xf32>
      %parallel_loop3A_95 = arith.select %parallel_loop3A_94, %parallel_loop3A_65, %parallel_loop3A_88 : vector<16xi1>, vector<16xf32>
      %parallel_loop3A_96 = arith.select %parallel_loop3A_94, %parallel_loop3A_66, %parallel_loop3A_93 : vector<16xi1>, vector<16xi32>
      %parallel_loop3A_97 = arith.constant dense<true> : vector<16xi1>
      %parallel_loop3A_98, %parallel_loop3A_99, %parallel_loop3A_100 = tpu.sort %parallel_loop3A_95, %parallel_loop3A_96 masked %parallel_loop3A_97 {descending = true} : (vector<16xf32>, vector<16xi32>, vector<16xi1>) -> (vector<16xi1>, vector<16xf32>, vector<16xi32>)
      %parallel_loop3A_101 = arith.constant 0.000000e+00 : f32
      %parallel_loop3A_102 = vector.broadcast %parallel_loop3A_101 : f32 to vector<16xf32>
      %parallel_loop3A_103 = arith.select %lt3A_4, %parallel_loop3A_99, %parallel_loop3A_102 : vector<16xi1>, vector<16xf32>
      %parallel_loop3A_104 = arith.constant true
      %parallel_loop3A_105 = vector.broadcast %parallel_loop3A_104 : i1 to vector<16xi1>
      %parallel_loop3A_106 = tpu.scan <sum>, %parallel_loop3A_103 masked %parallel_loop3A_105 : vector<16xf32>, vector<16xi1> -> vector<16xf32>
      %parallel_loop3A_107 = vector.extract %parallel_loop3A_106[15] : f32 from vector<16xf32>
      %parallel_loop3A_108 = arith.constant 9.99999971E-10 : f32
      %parallel_loop3A_109 = arith.addf %parallel_loop3A_107, %parallel_loop3A_108 : f32
      %parallel_loop3A_110 = vector.broadcast %parallel_loop3A_109 : f32 to vector<16xf32>
      %parallel_loop3A_111 = arith.divf %parallel_loop3A_99, %parallel_loop3A_110 : vector<16xf32>
      %parallel_loop3A_112 = vector.broadcast %parallel_loop3A_9 : i32 to vector<16xi32>
      tpu.vector_store_idx %arg7[%parallel_loop3A_112, %iota3A], %parallel_loop3A_111 masked %lt3A_4 : memref<192x8xf32, #tpu.memory_space<vmem>>[vector<16xi32>, vector<16xi32>], vector<16xf32>, vector<16xi1>
      tpu.vector_store_idx %arg6[%parallel_loop3A_112, %iota3A], %parallel_loop3A_100 masked %lt3A_4 : memref<192x8xi32, #tpu.memory_space<vmem>>[vector<16xi32>, vector<16xi32>], vector<16xi32>, vector<16xi1>
    } {sc.loop_unroll_factor = 4 : i64, sc.parallel_access}
    %mul3A_7 = arith.constant 192 : i32
    %mul3A_8 = arith.muli %add3A, %mul3A_7 : i32
    "tpu.region"() ({
      %run_scoped3A = tpu.sem_alloc : memref<!tpu.dma_semaphore, #tpu.memory_space<semaphore_mem>>
      %dma_start3A = arith.constant 0 : i32
      %dma_start3A_9 = tpu.memref_slice %arg3[%mul3A_8, %dma_start3A] : memref<6144x8xi32, #tpu.memory_space<hbm>> -> memref<192x8xi32, #tpu.memory_space<hbm>>
      %dma_start3A_10 = arith.constant 0 : i32
      %dma_start3A_11 = tpu.memref_slice %arg3[%mul3A_8, %dma_start3A_10] : memref<6144x8xi32, #tpu.memory_space<hbm>> -> memref<192x8xi32, #tpu.memory_space<hbm>>
      tpu.enqueue_dma source(%arg6 : memref<192x8xi32, #tpu.memory_space<vmem>>) target(%dma_start3A_11 : memref<192x8xi32, #tpu.memory_space<hbm>>) target_semaphore(%run_scoped3A : memref<!tpu.dma_semaphore, #tpu.memory_space<semaphore_mem>>)
      %dma_wait3A = arith.constant 0 : i32
      %dma_wait3A_12 = tpu.memref_slice %arg3[%mul3A_8, %dma_wait3A] : memref<6144x8xi32, #tpu.memory_space<hbm>> -> memref<192x8xi32, #tpu.memory_space<hbm>>
      %dma_wait3A_13 = arith.constant 0 : i32
      %dma_wait3A_14 = tpu.memref_slice %arg3[%mul3A_8, %dma_wait3A_13] : memref<6144x8xi32, #tpu.memory_space<hbm>> -> memref<192x8xi32, #tpu.memory_space<hbm>>
      tpu.wait_dma2 semaphore(%run_scoped3A : memref<!tpu.dma_semaphore, #tpu.memory_space<semaphore_mem>>) src(%arg6 : memref<192x8xi32, #tpu.memory_space<vmem>>) dst(%dma_wait3A_14 : memref<192x8xi32, #tpu.memory_space<hbm>>)
      tpu.yield
    }) : () -> ()
    "tpu.region"() ({
      %run_scoped3A = tpu.sem_alloc : memref<!tpu.dma_semaphore, #tpu.memory_space<semaphore_mem>>
      %dma_start3A = arith.constant 0 : i32
      %dma_start3A_9 = tpu.memref_slice %arg4[%mul3A_8, %dma_start3A] : memref<6144x8xf32, #tpu.memory_space<hbm>> -> memref<192x8xf32, #tpu.memory_space<hbm>>
      %dma_start3A_10 = arith.constant 0 : i32
      %dma_start3A_11 = tpu.memref_slice %arg4[%mul3A_8, %dma_start3A_10] : memref<6144x8xf32, #tpu.memory_space<hbm>> -> memref<192x8xf32, #tpu.memory_space<hbm>>
      tpu.enqueue_dma source(%arg7 : memref<192x8xf32, #tpu.memory_space<vmem>>) target(%dma_start3A_11 : memref<192x8xf32, #tpu.memory_space<hbm>>) target_semaphore(%run_scoped3A : memref<!tpu.dma_semaphore, #tpu.memory_space<semaphore_mem>>)
      %dma_wait3A = arith.constant 0 : i32
      %dma_wait3A_12 = tpu.memref_slice %arg4[%mul3A_8, %dma_wait3A] : memref<6144x8xf32, #tpu.memory_space<hbm>> -> memref<192x8xf32, #tpu.memory_space<hbm>>
      %dma_wait3A_13 = arith.constant 0 : i32
      %dma_wait3A_14 = tpu.memref_slice %arg4[%mul3A_8, %dma_wait3A_13] : memref<6144x8xf32, #tpu.memory_space<hbm>> -> memref<192x8xf32, #tpu.memory_space<hbm>>
      tpu.wait_dma2 semaphore(%run_scoped3A : memref<!tpu.dma_semaphore, #tpu.memory_space<semaphore_mem>>) src(%arg7 : memref<192x8xf32, #tpu.memory_space<vmem>>) dst(%dma_wait3A_14 : memref<192x8xf32, #tpu.memory_space<hbm>>)
      tpu.yield
    }) : () -> ()
    return
  }
}

#map = affine_map<(d0, d1) -> (0, 0)>
module attributes {stable_mosaic.version = 14 : i64} {
  func.func @sc_topk(%arg0: i32, %arg1: i32, %arg2: memref<6144x64xf32, #tpu.memory_space<hbm>>, %arg3: memref<6144x8xi32, #tpu.memory_space<hbm>>, %arg4: memref<6144x8xf32, #tpu.memory_space<hbm>>, %arg5: memref<192x64xf32, #tpu.memory_space<vmem>>, %arg6: memref<192x8xi32, #tpu.memory_space<vmem>>, %arg7: memref<192x8xf32, #tpu.memory_space<vmem>>) attributes {dimension_semantics = [#tpu.dimension_semantics<core_parallel>, #tpu.dimension_semantics<subcore_parallel>], iteration_bounds = array<i64: 2, 16>, scalar_prefetch = 0 : i64, scratch_operands = 3 : i64, tpu.core_type = #tpu.core_type<sc_vector_subcore>, window_params = [{transform_indices = #map}, {transform_indices = #map}, {transform_indices = #map}]} {
    %mul3A = arith.constant 2 : i32
    %mul3A_0 = arith.muli %arg1, %mul3A : i32
    %add3A = arith.addi %mul3A_0, %arg0 : i32
    %mul3A_1 = arith.constant 192 : i32
    %mul3A_2 = arith.muli %add3A, %mul3A_1 : i32
    "tpu.region"() ({
      %run_scoped3A = tpu.sem_alloc : memref<!tpu.dma_semaphore, #tpu.memory_space<semaphore_mem>>
      %dma_start3A = arith.constant 0 : i32
      %dma_start3A_9 = tpu.memref_slice %arg2[%mul3A_2, %dma_start3A] : memref<6144x64xf32, #tpu.memory_space<hbm>> -> memref<192x64xf32, #tpu.memory_space<hbm>>
      %dma_start3A_10 = arith.constant 0 : i32
      %dma_start3A_11 = tpu.memref_slice %arg2[%mul3A_2, %dma_start3A_10] : memref<6144x64xf32, #tpu.memory_space<hbm>> -> memref<192x64xf32, #tpu.memory_space<hbm>>
      tpu.enqueue_dma source(%dma_start3A_11 : memref<192x64xf32, #tpu.memory_space<hbm>>) target(%arg5 : memref<192x64xf32, #tpu.memory_space<vmem>>) target_semaphore(%run_scoped3A : memref<!tpu.dma_semaphore, #tpu.memory_space<semaphore_mem>>)
      %dma_wait3A = arith.constant 0 : i32
      %dma_wait3A_12 = tpu.memref_slice %arg2[%mul3A_2, %dma_wait3A] : memref<6144x64xf32, #tpu.memory_space<hbm>> -> memref<192x64xf32, #tpu.memory_space<hbm>>
      %dma_wait3A_13 = arith.constant 0 : i32
      %dma_wait3A_14 = tpu.memref_slice %arg2[%mul3A_2, %dma_wait3A_13] : memref<6144x64xf32, #tpu.memory_space<hbm>> -> memref<192x64xf32, #tpu.memory_space<hbm>>
      tpu.wait_dma2 semaphore(%run_scoped3A : memref<!tpu.dma_semaphore, #tpu.memory_space<semaphore_mem>>) src(%dma_wait3A_14 : memref<192x64xf32, #tpu.memory_space<hbm>>) dst(%arg5 : memref<192x64xf32, #tpu.memory_space<vmem>>)
      tpu.yield
    }) : () -> ()
    %iota3A = tpu.iota {dimensions = array<i32: 0>} : vector<16xi32>
    %lt3A = arith.constant 8 : i32
    %lt3A_3 = vector.broadcast %lt3A : i32 to vector<16xi32>
    %lt3A_4 = arith.cmpi slt, %iota3A, %lt3A_3 : vector<16xi32>
    %parallel_loop3A = arith.constant 0 : i32
    %parallel_loop3A_5 = arith.constant 192 : i32
    %parallel_loop3A_6 = arith.constant 1 : i32
    scf.for %parallel_loop3A_9 = %parallel_loop3A to %parallel_loop3A_5 step %parallel_loop3A_6  : i32 {
      %parallel_loop3A_10 = arith.index_cast %parallel_loop3A_9 : i32 to index
      %parallel_loop3A_11 = arith.constant 0 : index
      %parallel_loop3A_12 = tpu.vector_load %arg5[%parallel_loop3A_10, %parallel_loop3A_11] {strides = array<i32>} : memref<192x64xf32, #tpu.memory_space<vmem>>, vector<16xf32>,
      %parallel_loop3A_13 = arith.constant 0 : i32
      %parallel_loop3A_14 = vector.broadcast %parallel_loop3A_13 : i32 to vector<16xi32>
      %parallel_loop3A_15 = arith.addi %iota3A, %parallel_loop3A_14 : vector<16xi32>
      %parallel_loop3A_16 = arith.constant dense<true> : vector<16xi1>
      %parallel_loop3A_17, %parallel_loop3A_18, %parallel_loop3A_19 = tpu.sort %parallel_loop3A_12, %parallel_loop3A_15 masked %parallel_loop3A_16 {descending = true} : (vector<16xf32>, vector<16xi32>, vector<16xi1>) -> (vector<16xi1>, vector<16xf32>, vector<16xi32>)
      %parallel_loop3A_20 = arith.index_cast %parallel_loop3A_9 : i32 to index
      %parallel_loop3A_21 = arith.constant 16 : index
      %parallel_loop3A_22 = tpu.vector_load %arg5[%parallel_loop3A_20, %parallel_loop3A_21] {strides = array<i32>} : memref<192x64xf32, #tpu.memory_space<vmem>>, vector<16xf32>,
      %parallel_loop3A_23 = arith.constant 16 : i32
      %parallel_loop3A_24 = vector.broadcast %parallel_loop3A_23 : i32 to vector<16xi32>
      %parallel_loop3A_25 = arith.addi %iota3A, %parallel_loop3A_24 : vector<16xi32>
      %parallel_loop3A_26 = arith.constant dense<true> : vector<16xi1>
      %parallel_loop3A_27, %parallel_loop3A_28, %parallel_loop3A_29 = tpu.sort %parallel_loop3A_22, %parallel_loop3A_25 masked %parallel_loop3A_26 {descending = true} : (vector<16xf32>, vector<16xi32>, vector<16xi1>) -> (vector<16xi1>, vector<16xf32>, vector<16xi32>)
      %parallel_loop3A_30 = arith.index_cast %parallel_loop3A_9 : i32 to index
      %parallel_loop3A_31 = arith.constant 32 : index
      %parallel_loop3A_32 = tpu.vector_load %arg5[%parallel_loop3A_30, %parallel_loop3A_31] {strides = array<i32>} : memref<192x64xf32, #tpu.memory_space<vmem>>, vector<16xf32>,
      %parallel_loop3A_33 = arith.constant 32 : i32
      %parallel_loop3A_34 = vector.broadcast %parallel_loop3A_33 : i32 to vector<16xi32>
      %parallel_loop3A_35 = arith.addi %iota3A, %parallel_loop3A_34 : vector<16xi32>
      %parallel_loop3A_36 = arith.constant dense<true> : vector<16xi1>
      %parallel_loop3A_37, %parallel_loop3A_38, %parallel_loop3A_39 = tpu.sort %parallel_loop3A_32, %parallel_loop3A_35 masked %parallel_loop3A_36 {descending = true} : (vector<16xf32>, vector<16xi32>, vector<16xi1>) -> (vector<16xi1>, vector<16xf32>, vector<16xi32>)
      %parallel_loop3A_40 = arith.index_cast %parallel_loop3A_9 : i32 to index
      %parallel_loop3A_41 = arith.constant 48 : index
      %parallel_loop3A_42 = tpu.vector_load %arg5[%parallel_loop3A_40, %parallel_loop3A_41] {strides = array<i32>} : memref<192x64xf32, #tpu.memory_space<vmem>>, vector<16xf32>,
      %parallel_loop3A_43 = arith.constant 48 : i32
      %parallel_loop3A_44 = vector.broadcast %parallel_loop3A_43 : i32 to vector<16xi32>
      %parallel_loop3A_45 = arith.addi %iota3A, %parallel_loop3A_44 : vector<16xi32>
      %parallel_loop3A_46 = arith.constant dense<true> : vector<16xi1>
      %parallel_loop3A_47, %parallel_loop3A_48, %parallel_loop3A_49 = tpu.sort %parallel_loop3A_42, %parallel_loop3A_45 masked %parallel_loop3A_46 {descending = true} : (vector<16xf32>, vector<16xi32>, vector<16xi1>) -> (vector<16xi1>, vector<16xf32>, vector<16xi32>)
      %parallel_loop3A_50 = arith.constant 15 : i32
      %parallel_loop3A_51 = vector.broadcast %parallel_loop3A_50 : i32 to vector<16xi32>
      %parallel_loop3A_52 = tpu.iota {dimensions = array<i32: 0>} : vector<16xi32>
      %parallel_loop3A_53 = arith.subi %parallel_loop3A_51, %parallel_loop3A_52 : vector<16xi32>
      %parallel_loop3A_54 = tpu.dynamic_gather %parallel_loop3A_28[%parallel_loop3A_53] in [0] : vector<16xf32>, vector<16xi32> -> vector<16xf32>
      %parallel_loop3A_55 = arith.constant 15 : i32
      %parallel_loop3A_56 = vector.broadcast %parallel_loop3A_55 : i32 to vector<16xi32>
      %parallel_loop3A_57 = tpu.iota {dimensions = array<i32: 0>} : vector<16xi32>
      %parallel_loop3A_58 = arith.subi %parallel_loop3A_56, %parallel_loop3A_57 : vector<16xi32>
      %parallel_loop3A_59 = tpu.dynamic_gather %parallel_loop3A_29[%parallel_loop3A_58] in [0] : vector<16xi32>, vector<16xi32> -> vector<16xi32>
      %parallel_loop3A_60 = arith.cmpf oge, %parallel_loop3A_18, %parallel_loop3A_54 : vector<16xf32>
      %parallel_loop3A_61 = arith.select %parallel_loop3A_60, %parallel_loop3A_18, %parallel_loop3A_54 : vector<16xi1>, vector<16xf32>
      %parallel_loop3A_62 = arith.select %parallel_loop3A_60, %parallel_loop3A_19, %parallel_loop3A_59 : vector<16xi1>, vector<16xi32>
      %parallel_loop3A_63 = arith.constant dense<true> : vector<16xi1>
      %parallel_loop3A_64, %parallel_loop3A_65, %parallel_loop3A_66 = tpu.sort %parallel_loop3A_61, %parallel_loop3A_62 masked %parallel_loop3A_63 {descending = true} : (vector<16xf32>, vector<16xi32>, vector<16xi1>) -> (vector<16xi1>, vector<16xf32>, vector<16xi32>)
      %parallel_loop3A_67 = arith.constant 15 : i32
      %parallel_loop3A_68 = vector.broadcast %parallel_loop3A_67 : i32 to vector<16xi32>
      %parallel_loop3A_69 = tpu.iota {dimensions = array<i32: 0>} : vector<16xi32>
      %parallel_loop3A_70 = arith.subi %parallel_loop3A_68, %parallel_loop3A_69 : vector<16xi32>
      %parallel_loop3A_71 = tpu.dynamic_gather %parallel_loop3A_48[%parallel_loop3A_70] in [0] : vector<16xf32>, vector<16xi32> -> vector<16xf32>
      %parallel_loop3A_72 = arith.constant 15 : i32
      %parallel_loop3A_73 = vector.broadcast %parallel_loop3A_72 : i32 to vector<16xi32>
      %parallel_loop3A_74 = tpu.iota {dimensions = array<i32: 0>} : vector<16xi32>
      %parallel_loop3A_75 = arith.subi %parallel_loop3A_73, %parallel_loop3A_74 : vector<16xi32>
      %parallel_loop3A_76 = tpu.dynamic_gather %parallel_loop3A_49[%parallel_loop3A_75] in [0] : vector<16xi32>, vector<16xi32> -> vector<16xi32>
      %parallel_loop3A_77 = arith.cmpf oge, %parallel_loop3A_38, %parallel_loop3A_71 : vector<16xf32>
      %parallel_loop3A_78 = arith.select %parallel_loop3A_77, %parallel_loop3A_38, %parallel_loop3A_71 : vector<16xi1>, vector<16xf32>
      %parallel_loop3A_79 = arith.select %parallel_loop3A_77, %parallel_loop3A_39, %parallel_loop3A_76 : vector<16xi1>, vector<16xi32>
      %parallel_loop3A_80 = arith.constant dense<true> : vector<16xi1>
      %parallel_loop3A_81, %parallel_loop3A_82, %parallel_loop3A_83 = tpu.sort %parallel_loop3A_78, %parallel_loop3A_79 masked %parallel_loop3A_80 {descending = true} : (vector<16xf32>, vector<16xi32>, vector<16xi1>) -> (vector<16xi1>, vector<16xf32>, vector<16xi32>)
      %parallel_loop3A_84 = arith.constant 15 : i32
      %parallel_loop3A_85 = vector.broadcast %parallel_loop3A_84 : i32 to vector<16xi32>
      %parallel_loop3A_86 = tpu.iota {dimensions = array<i32: 0>} : vector<16xi32>
      %parallel_loop3A_87 = arith.subi %parallel_loop3A_85, %parallel_loop3A_86 : vector<16xi32>
      %parallel_loop3A_88 = tpu.dynamic_gather %parallel_loop3A_82[%parallel_loop3A_87] in [0] : vector<16xf32>, vector<16xi32> -> vector<16xf32>
      %parallel_loop3A_89 = arith.constant 15 : i32
      %parallel_loop3A_90 = vector.broadcast %parallel_loop3A_89 : i32 to vector<16xi32>
      %parallel_loop3A_91 = tpu.iota {dimensions = array<i32: 0>} : vector<16xi32>
      %parallel_loop3A_92 = arith.subi %parallel_loop3A_90, %parallel_loop3A_91 : vector<16xi32>
      %parallel_loop3A_93 = tpu.dynamic_gather %parallel_loop3A_83[%parallel_loop3A_92] in [0] : vector<16xi32>, vector<16xi32> -> vector<16xi32>
      %parallel_loop3A_94 = arith.cmpf oge, %parallel_loop3A_65, %parallel_loop3A_88 : vector<16xf32>
      %parallel_loop3A_95 = arith.select %parallel_loop3A_94, %parallel_loop3A_65, %parallel_loop3A_88 : vector<16xi1>, vector<16xf32>
      %parallel_loop3A_96 = arith.select %parallel_loop3A_94, %parallel_loop3A_66, %parallel_loop3A_93 : vector<16xi1>, vector<16xi32>
      %parallel_loop3A_97 = arith.constant dense<true> : vector<16xi1>
      %parallel_loop3A_98, %parallel_loop3A_99, %parallel_loop3A_100 = tpu.sort %parallel_loop3A_95, %parallel_loop3A_96 masked %parallel_loop3A_97 {descending = true} : (vector<16xf32>, vector<16xi32>, vector<16xi1>) -> (vector<16xi1>, vector<16xf32>, vector<16xi32>)
      %parallel_loop3A_101 = arith.constant 0.000000e+00 : f32
      %parallel_loop3A_102 = vector.broadcast %parallel_loop3A_101 : f32 to vector<16xf32>
      %parallel_loop3A_103 = arith.select %lt3A_4, %parallel_loop3A_99, %parallel_loop3A_102 : vector<16xi1>, vector<16xf32>
      %parallel_loop3A_104 = arith.constant true
      %parallel_loop3A_105 = vector.broadcast %parallel_loop3A_104 : i1 to vector<16xi1>
      %parallel_loop3A_106 = tpu.scan <sum>, %parallel_loop3A_103 masked %parallel_loop3A_105 : vector<16xf32>, vector<16xi1> -> vector<16xf32>
      %parallel_loop3A_107 = vector.extract %parallel_loop3A_106[15] : f32 from vector<16xf32>
      %parallel_loop3A_108 = arith.constant 9.99999971E-10 : f32
      %parallel_loop3A_109 = arith.addf %parallel_loop3A_107, %parallel_loop3A_108 : f32
      %parallel_loop3A_110 = vector.broadcast %parallel_loop3A_109 : f32 to vector<16xf32>
      %parallel_loop3A_111 = arith.divf %parallel_loop3A_99, %parallel_loop3A_110 : vector<16xf32>
      %parallel_loop3A_112 = vector.broadcast %parallel_loop3A_9 : i32 to vector<16xi32>
      tpu.vector_store_idx %arg7[%parallel_loop3A_112, %iota3A], %parallel_loop3A_111 masked %lt3A_4 : memref<192x8xf32, #tpu.memory_space<vmem>>[vector<16xi32>, vector<16xi32>], vector<16xf32>, vector<16xi1>
      tpu.vector_store_idx %arg6[%parallel_loop3A_112, %iota3A], %parallel_loop3A_100 masked %lt3A_4 : memref<192x8xi32, #tpu.memory_space<vmem>>[vector<16xi32>, vector<16xi32>], vector<16xi32>, vector<16xi1>
    } {sc.loop_unroll_factor = 4 : i64, sc.parallel_access}
    %mul3A_7 = arith.constant 192 : i32
    %mul3A_8 = arith.muli %add3A, %mul3A_7 : i32
    "tpu.region"() ({
      %run_scoped3A = tpu.sem_alloc : memref<!tpu.dma_semaphore, #tpu.memory_space<semaphore_mem>>
      %dma_start3A = arith.constant 0 : i32
      %dma_start3A_9 = tpu.memref_slice %arg3[%mul3A_8, %dma_start3A] : memref<6144x8xi32, #tpu.memory_space<hbm>> -> memref<192x8xi32, #tpu.memory_space<hbm>>
      %dma_start3A_10 = arith.constant 0 : i32
      %dma_start3A_11 = tpu.memref_slice %arg3[%mul3A_8, %dma_start3A_10] : memref<6144x8xi32, #tpu.memory_space<hbm>> -> memref<192x8xi32, #tpu.memory_space<hbm>>
      tpu.enqueue_dma source(%arg6 : memref<192x8xi32, #tpu.memory_space<vmem>>) target(%dma_start3A_11 : memref<192x8xi32, #tpu.memory_space<hbm>>) target_semaphore(%run_scoped3A : memref<!tpu.dma_semaphore, #tpu.memory_space<semaphore_mem>>)
      %dma_wait3A = arith.constant 0 : i32
      %dma_wait3A_12 = tpu.memref_slice %arg3[%mul3A_8, %dma_wait3A] : memref<6144x8xi32, #tpu.memory_space<hbm>> -> memref<192x8xi32, #tpu.memory_space<hbm>>
      %dma_wait3A_13 = arith.constant 0 : i32
      %dma_wait3A_14 = tpu.memref_slice %arg3[%mul3A_8, %dma_wait3A_13] : memref<6144x8xi32, #tpu.memory_space<hbm>> -> memref<192x8xi32, #tpu.memory_space<hbm>>
      tpu.wait_dma2 semaphore(%run_scoped3A : memref<!tpu.dma_semaphore, #tpu.memory_space<semaphore_mem>>) src(%arg6 : memref<192x8xi32, #tpu.memory_space<vmem>>) dst(%dma_wait3A_14 : memref<192x8xi32, #tpu.memory_space<hbm>>)
      tpu.yield
    }) : () -> ()
    "tpu.region"() ({
      %run_scoped3A = tpu.sem_alloc : memref<!tpu.dma_semaphore, #tpu.memory_space<semaphore_mem>>
      %dma_start3A = arith.constant 0 : i32
      %dma_start3A_9 = tpu.memref_slice %arg4[%mul3A_8, %dma_start3A] : memref<6144x8xf32, #tpu.memory_space<hbm>> -> memref<192x8xf32, #tpu.memory_space<hbm>>
      %dma_start3A_10 = arith.constant 0 : i32
      %dma_start3A_11 = tpu.memref_slice %arg4[%mul3A_8, %dma_start3A_10] : memref<6144x8xf32, #tpu.memory_space<hbm>> -> memref<192x8xf32, #tpu.memory_space<hbm>>
      tpu.enqueue_dma source(%arg7 : memref<192x8xf32, #tpu.memory_space<vmem>>) target(%dma_start3A_11 : memref<192x8xf32, #tpu.memory_space<hbm>>) target_semaphore(%run_scoped3A : memref<!tpu.dma_semaphore, #tpu.memory_space<semaphore_mem>>)
      %dma_wait3A = arith.constant 0 : i32
      %dma_wait3A_12 = tpu.memref_slice %arg4[%mul3A_8, %dma_wait3A] : memref<6144x8xf32, #tpu.memory_space<hbm>> -> memref<192x8xf32, #tpu.memory_space<hbm>>
      %dma_wait3A_13 = arith.constant 0 : i32
      %dma_wait3A_14 = tpu.memref_slice %arg4[%mul3A_8, %dma_wait3A_13] : memref<6144x8xf32, #tpu.memory_space<hbm>> -> memref<192x8xf32, #tpu.memory_space<hbm>>
      tpu.wait_dma2 semaphore(%run_scoped3A : memref<!tpu.dma_semaphore, #tpu.memory_space<semaphore_mem>>) src(%arg7 : memref<192x8xf32, #tpu.memory_space<vmem>>) dst(%dma_wait3A_14 : memref<192x8xf32, #tpu.memory_space<hbm>>)
      tpu.yield
    }) : () -> ()
    return
  }
}

module attributes {stable_mosaic.version = 14 : i64} {
  func.func @_softmax_body(%arg0: i32, %arg1: memref<512x4096xf32, #tpu.memory_space<vmem>>, %arg2: memref<64x4096xf32, #tpu.memory_space<vmem>>, %arg3: memref<512x64xf32, #tpu.memory_space<vmem>>, %arg4: memref<1x1xf32, #tpu.memory_space<vmem>>) attributes {dimension_semantics = [#tpu.dimension_semantics<arbitrary>], iteration_bounds = array<i64: 8>, scalar_prefetch = 0 : i64, scratch_operands = 0 : i64, tpu.core_type = #tpu.core_type<tc>, window_params = [{transform_indices = @transform_0, window_bounds = array<i64: 512, 4096>}, {pipeline_mode = #tpu.pipeline_mode<synchronous>, transform_indices = @transform_1, window_bounds = array<i64: 64, 4096>}, {transform_indices = @transform_2, window_bounds = array<i64: 512, 64>}, {pipeline_mode = #tpu.pipeline_mode<synchronous>, transform_indices = @transform_3, window_bounds = array<i64: 1, 1>}]} {
    %get3A = arith.constant 0 : index
    %get3A_0 = arith.constant 0 : index
    %get3A_1 = vector.load %arg1[%get3A, %get3A_0] : memref<512x4096xf32, #tpu.memory_space<vmem>>, vector<512x4096xf32>
    %get3A_2 = arith.constant 0 : index
    %get3A_3 = arith.constant 0 : index
    %get3A_4 = vector.load %arg2[%get3A_2, %get3A_3] : memref<64x4096xf32, #tpu.memory_space<vmem>>, vector<64x4096xf32>
    %dot_general3A = arith.constant dense<0.000000e+00> : vector<512x64xf32>
    %dot_general3A_5 = tpu.matmul %get3A_1, %get3A_4, %dot_general3A {dimension_numbers = #tpu.dot_dimension_numbers<[1], [1], [0], [0], [0, 0, 1, 0], [], []>, transpose_lhs_hint = false} : vector<512x4096xf32>, vector<64x4096xf32>, vector<512x64xf32> -> vector<512x64xf32>
    %reduce_max3A = arith.constant dense<0xFF800000> : vector<512xf32>
    %reduce_max3A_6 = vector.multi_reduction <maximumf>, %dot_general3A_5, %reduce_max3A [1] : vector<512x64xf32> to vector<512xf32>
    %broadcast_in_dim3A = vector.shape_cast %reduce_max3A_6 : vector<512xf32> to vector<512x1xf32>
    %sub3A = vector.broadcast %broadcast_in_dim3A : vector<512x1xf32> to vector<512x64xf32>
    %sub3A_7 = arith.subf %dot_general3A_5, %sub3A : vector<512x64xf32>
    %exp3A = math.exp %sub3A_7 : vector<512x64xf32>
    %reduce_sum3A = arith.constant dense<0.000000e+00> : vector<512xf32>
    %reduce_sum3A_8 = vector.multi_reduction <add>, %exp3A, %reduce_sum3A [1] : vector<512x64xf32> to vector<512xf32>
    %broadcast_in_dim3A_9 = vector.shape_cast %reduce_sum3A_8 : vector<512xf32> to vector<512x1xf32>
    %div3A = vector.broadcast %broadcast_in_dim3A_9 : vector<512x1xf32> to vector<512x64xf32>
    %div3A_10 = arith.divf %exp3A, %div3A : vector<512x64xf32>
    %swap3A = arith.constant 0 : index
    %swap3A_11 = arith.constant 0 : index
    %swap3A_12 = vector.load %arg3[%swap3A, %swap3A_11] : memref<512x64xf32, #tpu.memory_space<vmem>>, vector<512x64xf32>
    tpu.vector_store %arg3[%swap3A, %swap3A_11], %div3A_10 {strides = array<i32>} : memref<512x64xf32, #tpu.memory_space<vmem>>, vector<512x64xf32>,
    %log3A = math.log %broadcast_in_dim3A_9 : vector<512x1xf32>
    %add3A = arith.addf %broadcast_in_dim3A, %log3A : vector<512x1xf32>
    %mul3A = arith.mulf %add3A, %add3A : vector<512x1xf32>
    %reduce_sum3A_13 = vector.shape_cast %mul3A : vector<512x1xf32> to vector<1x512x1xf32>
    %reduce_sum3A_14 = arith.constant dense<0.000000e+00> : vector<1xf32>
    %reduce_sum3A_15 = vector.multi_reduction <add>, %reduce_sum3A_13, %reduce_sum3A_14 [1, 2] : vector<1x512x1xf32> to vector<1xf32>
    %reduce_sum3A_16 = vector.shape_cast %reduce_sum3A_15 : vector<1xf32> to vector<1x1x1xf32>
    %reduce_sum3A_17 = vector.extract %reduce_sum3A_16[0, 0, 0] : f32 from vector<1x1x1xf32>
    %reshape3A = vector.broadcast %reduce_sum3A_17 : f32 to vector<1x1xf32>
    %eq3A = arith.constant 0 : i32
    %eq3A_18 = arith.cmpi eq, %arg0, %eq3A : i32
    %convert_element_type3A = arith.extui %eq3A_18 : i1 to i32
    %cond3A = arith.constant 0 : i32
    %cond3A_19 = arith.cmpi ne, %convert_element_type3A, %cond3A : i32
    scf.if %cond3A_19 {
      %swap3A_24 = arith.constant 0 : index
      %swap3A_25 = arith.constant 0 : index
      %swap3A_26 = vector.load %arg4[%swap3A_24, %swap3A_25] : memref<1x1xf32, #tpu.memory_space<vmem>>, vector<1x1xf32>
      tpu.vector_store %arg4[%swap3A_24, %swap3A_25], %reshape3A {strides = array<i32>} : memref<1x1xf32, #tpu.memory_space<vmem>>, vector<1x1xf32>,
    } else {
    }
    %ne3A = arith.constant 0 : i32
    %ne3A_20 = arith.cmpi ne, %arg0, %ne3A : i32
    %convert_element_type3A_21 = arith.extui %ne3A_20 : i1 to i32
    %cond3A_22 = arith.constant 0 : i32
    %cond3A_23 = arith.cmpi ne, %convert_element_type3A_21, %cond3A_22 : i32
    scf.if %cond3A_23 {
      %get3A_24 = arith.constant 0 : index
      %get3A_25 = arith.constant 0 : index
      %get3A_26 = vector.load %arg4[%get3A_24, %get3A_25] : memref<1x1xf32, #tpu.memory_space<vmem>>, vector<1x1xf32>
      %add3A_27 = arith.addf %get3A_26, %reshape3A : vector<1x1xf32>
      %swap3A_28 = arith.constant 0 : index
      %swap3A_29 = arith.constant 0 : index
      %swap3A_30 = vector.load %arg4[%swap3A_28, %swap3A_29] : memref<1x1xf32, #tpu.memory_space<vmem>>, vector<1x1xf32>
      tpu.vector_store %arg4[%swap3A_28, %swap3A_29], %add3A_27 {strides = array<i32>} : memref<1x1xf32, #tpu.memory_space<vmem>>, vector<1x1xf32>,
    } else {
    }
    return
  }
  func.func @transform_0(%arg0: i32) -> (i32, i32) {
    %add3A = arith.constant 24 : i32
    %add3A_0 = arith.addi %add3A, %arg0 : i32
    %c0_i32 = arith.constant 0 : i32
    %c0_i32_1 = arith.constant 0 : i32
    return %add3A_0, %c0_i32 : i32, i32
  }
  func.func @transform_1(%arg0: i32) -> (i32, i32) {
    %c0_i32 = arith.constant 0 : i32
    %c0_i32_0 = arith.constant 0 : i32
    %c0_i32_1 = arith.constant 0 : i32
    return %c0_i32, %c0_i32_0 : i32, i32
  }
  func.func @transform_2(%arg0: i32) -> (i32, i32) {
    %c0_i32 = arith.constant 0 : i32
    %c0_i32_0 = arith.constant 0 : i32
    return %arg0, %c0_i32 : i32, i32
  }
  func.func @transform_3(%arg0: i32) -> (i32, i32) {
    %c0_i32 = arith.constant 0 : i32
    %c0_i32_0 = arith.constant 0 : i32
    %c0_i32_1 = arith.constant 0 : i32
    return %c0_i32, %c0_i32_0 : i32, i32
  }
}

module attributes {stable_mosaic.version = 14 : i64} {
  func.func @_softmax_body(%arg0: i32, %arg1: memref<512x4096xf32, #tpu.memory_space<vmem>>, %arg2: memref<64x4096xf32, #tpu.memory_space<vmem>>, %arg3: memref<512x64xf32, #tpu.memory_space<vmem>>, %arg4: memref<1x1xf32, #tpu.memory_space<vmem>>) attributes {dimension_semantics = [#tpu.dimension_semantics<arbitrary>], iteration_bounds = array<i64: 12>, scalar_prefetch = 0 : i64, scratch_operands = 0 : i64, tpu.core_type = #tpu.core_type<tc>, window_params = [{transform_indices = @transform_0, window_bounds = array<i64: 512, 4096>}, {pipeline_mode = #tpu.pipeline_mode<synchronous>, transform_indices = @transform_1, window_bounds = array<i64: 64, 4096>}, {transform_indices = @transform_2, window_bounds = array<i64: 512, 64>}, {pipeline_mode = #tpu.pipeline_mode<synchronous>, transform_indices = @transform_3, window_bounds = array<i64: 1, 1>}]} {
    %get3A = arith.constant 0 : index
    %get3A_0 = arith.constant 0 : index
    %get3A_1 = vector.load %arg1[%get3A, %get3A_0] : memref<512x4096xf32, #tpu.memory_space<vmem>>, vector<512x4096xf32>
    %get3A_2 = arith.constant 0 : index
    %get3A_3 = arith.constant 0 : index
    %get3A_4 = vector.load %arg2[%get3A_2, %get3A_3] : memref<64x4096xf32, #tpu.memory_space<vmem>>, vector<64x4096xf32>
    %dot_general3A = arith.constant dense<0.000000e+00> : vector<512x64xf32>
    %dot_general3A_5 = tpu.matmul %get3A_1, %get3A_4, %dot_general3A {dimension_numbers = #tpu.dot_dimension_numbers<[1], [1], [0], [0], [0, 0, 1, 0], [], []>, transpose_lhs_hint = false} : vector<512x4096xf32>, vector<64x4096xf32>, vector<512x64xf32> -> vector<512x64xf32>
    %reduce_max3A = arith.constant dense<0xFF800000> : vector<512xf32>
    %reduce_max3A_6 = vector.multi_reduction <maximumf>, %dot_general3A_5, %reduce_max3A [1] : vector<512x64xf32> to vector<512xf32>
    %broadcast_in_dim3A = vector.shape_cast %reduce_max3A_6 : vector<512xf32> to vector<512x1xf32>
    %sub3A = vector.broadcast %broadcast_in_dim3A : vector<512x1xf32> to vector<512x64xf32>
    %sub3A_7 = arith.subf %dot_general3A_5, %sub3A : vector<512x64xf32>
    %exp3A = math.exp %sub3A_7 : vector<512x64xf32>
    %reduce_sum3A = arith.constant dense<0.000000e+00> : vector<512xf32>
    %reduce_sum3A_8 = vector.multi_reduction <add>, %exp3A, %reduce_sum3A [1] : vector<512x64xf32> to vector<512xf32>
    %broadcast_in_dim3A_9 = vector.shape_cast %reduce_sum3A_8 : vector<512xf32> to vector<512x1xf32>
    %div3A = vector.broadcast %broadcast_in_dim3A_9 : vector<512x1xf32> to vector<512x64xf32>
    %div3A_10 = arith.divf %exp3A, %div3A : vector<512x64xf32>
    %swap3A = arith.constant 0 : index
    %swap3A_11 = arith.constant 0 : index
    %swap3A_12 = vector.load %arg3[%swap3A, %swap3A_11] : memref<512x64xf32, #tpu.memory_space<vmem>>, vector<512x64xf32>
    tpu.vector_store %arg3[%swap3A, %swap3A_11], %div3A_10 {strides = array<i32>} : memref<512x64xf32, #tpu.memory_space<vmem>>, vector<512x64xf32>,
    %log3A = math.log %broadcast_in_dim3A_9 : vector<512x1xf32>
    %add3A = arith.addf %broadcast_in_dim3A, %log3A : vector<512x1xf32>
    %mul3A = arith.mulf %add3A, %add3A : vector<512x1xf32>
    %reduce_sum3A_13 = vector.shape_cast %mul3A : vector<512x1xf32> to vector<1x512x1xf32>
    %reduce_sum3A_14 = arith.constant dense<0.000000e+00> : vector<1xf32>
    %reduce_sum3A_15 = vector.multi_reduction <add>, %reduce_sum3A_13, %reduce_sum3A_14 [1, 2] : vector<1x512x1xf32> to vector<1xf32>
    %reduce_sum3A_16 = vector.shape_cast %reduce_sum3A_15 : vector<1xf32> to vector<1x1x1xf32>
    %reduce_sum3A_17 = vector.extract %reduce_sum3A_16[0, 0, 0] : f32 from vector<1x1x1xf32>
    %reshape3A = vector.broadcast %reduce_sum3A_17 : f32 to vector<1x1xf32>
    %eq3A = arith.constant 0 : i32
    %eq3A_18 = arith.cmpi eq, %arg0, %eq3A : i32
    %convert_element_type3A = arith.extui %eq3A_18 : i1 to i32
    %cond3A = arith.constant 0 : i32
    %cond3A_19 = arith.cmpi ne, %convert_element_type3A, %cond3A : i32
    scf.if %cond3A_19 {
      %swap3A_24 = arith.constant 0 : index
      %swap3A_25 = arith.constant 0 : index
      %swap3A_26 = vector.load %arg4[%swap3A_24, %swap3A_25] : memref<1x1xf32, #tpu.memory_space<vmem>>, vector<1x1xf32>
      tpu.vector_store %arg4[%swap3A_24, %swap3A_25], %reshape3A {strides = array<i32>} : memref<1x1xf32, #tpu.memory_space<vmem>>, vector<1x1xf32>,
    } else {
    }
    %ne3A = arith.constant 0 : i32
    %ne3A_20 = arith.cmpi ne, %arg0, %ne3A : i32
    %convert_element_type3A_21 = arith.extui %ne3A_20 : i1 to i32
    %cond3A_22 = arith.constant 0 : i32
    %cond3A_23 = arith.cmpi ne, %convert_element_type3A_21, %cond3A_22 : i32
    scf.if %cond3A_23 {
      %get3A_24 = arith.constant 0 : index
      %get3A_25 = arith.constant 0 : index
      %get3A_26 = vector.load %arg4[%get3A_24, %get3A_25] : memref<1x1xf32, #tpu.memory_space<vmem>>, vector<1x1xf32>
      %add3A_27 = arith.addf %get3A_26, %reshape3A : vector<1x1xf32>
      %swap3A_28 = arith.constant 0 : index
      %swap3A_29 = arith.constant 0 : index
      %swap3A_30 = vector.load %arg4[%swap3A_28, %swap3A_29] : memref<1x1xf32, #tpu.memory_space<vmem>>, vector<1x1xf32>
      tpu.vector_store %arg4[%swap3A_28, %swap3A_29], %add3A_27 {strides = array<i32>} : memref<1x1xf32, #tpu.memory_space<vmem>>, vector<1x1xf32>,
    } else {
    }
    return
  }
  func.func @transform_0(%arg0: i32) -> (i32, i32) {
    %add3A = arith.constant 12 : i32
    %add3A_0 = arith.addi %add3A, %arg0 : i32
    %c0_i32 = arith.constant 0 : i32
    %c0_i32_1 = arith.constant 0 : i32
    return %add3A_0, %c0_i32 : i32, i32
  }
  func.func @transform_1(%arg0: i32) -> (i32, i32) {
    %c0_i32 = arith.constant 0 : i32
    %c0_i32_0 = arith.constant 0 : i32
    %c0_i32_1 = arith.constant 0 : i32
    return %c0_i32, %c0_i32_0 : i32, i32
  }
  func.func @transform_2(%arg0: i32) -> (i32, i32) {
    %c0_i32 = arith.constant 0 : i32
    %c0_i32_0 = arith.constant 0 : i32
    return %arg0, %c0_i32 : i32, i32
  }
  func.func @transform_3(%arg0: i32) -> (i32, i32) {
    %c0_i32 = arith.constant 0 : i32
    %c0_i32_0 = arith.constant 0 : i32
    %c0_i32_1 = arith.constant 0 : i32
    return %c0_i32, %c0_i32_0 : i32, i32
  }
}

module attributes {stable_mosaic.version = 14 : i64} {
  func.func @_softmax_body(%arg0: i32, %arg1: memref<512x4096xf32, #tpu.memory_space<vmem>>, %arg2: memref<64x4096xf32, #tpu.memory_space<vmem>>, %arg3: memref<512x64xf32, #tpu.memory_space<vmem>>, %arg4: memref<1x1xf32, #tpu.memory_space<vmem>>) attributes {dimension_semantics = [#tpu.dimension_semantics<arbitrary>], iteration_bounds = array<i64: 12>, scalar_prefetch = 0 : i64, scratch_operands = 0 : i64, tpu.core_type = #tpu.core_type<tc>, window_params = [{transform_indices = @transform_0, window_bounds = array<i64: 512, 4096>}, {pipeline_mode = #tpu.pipeline_mode<synchronous>, transform_indices = @transform_1, window_bounds = array<i64: 64, 4096>}, {transform_indices = @transform_2, window_bounds = array<i64: 512, 64>}, {pipeline_mode = #tpu.pipeline_mode<synchronous>, transform_indices = @transform_3, window_bounds = array<i64: 1, 1>}]} {
    %get3A = arith.constant 0 : index
    %get3A_0 = arith.constant 0 : index
    %get3A_1 = vector.load %arg1[%get3A, %get3A_0] : memref<512x4096xf32, #tpu.memory_space<vmem>>, vector<512x4096xf32>
    %get3A_2 = arith.constant 0 : index
    %get3A_3 = arith.constant 0 : index
    %get3A_4 = vector.load %arg2[%get3A_2, %get3A_3] : memref<64x4096xf32, #tpu.memory_space<vmem>>, vector<64x4096xf32>
    %dot_general3A = arith.constant dense<0.000000e+00> : vector<512x64xf32>
    %dot_general3A_5 = tpu.matmul %get3A_1, %get3A_4, %dot_general3A {dimension_numbers = #tpu.dot_dimension_numbers<[1], [1], [0], [0], [0, 0, 1, 0], [], []>, transpose_lhs_hint = false} : vector<512x4096xf32>, vector<64x4096xf32>, vector<512x64xf32> -> vector<512x64xf32>
    %reduce_max3A = arith.constant dense<0xFF800000> : vector<512xf32>
    %reduce_max3A_6 = vector.multi_reduction <maximumf>, %dot_general3A_5, %reduce_max3A [1] : vector<512x64xf32> to vector<512xf32>
    %broadcast_in_dim3A = vector.shape_cast %reduce_max3A_6 : vector<512xf32> to vector<512x1xf32>
    %sub3A = vector.broadcast %broadcast_in_dim3A : vector<512x1xf32> to vector<512x64xf32>
    %sub3A_7 = arith.subf %dot_general3A_5, %sub3A : vector<512x64xf32>
    %exp3A = math.exp %sub3A_7 : vector<512x64xf32>
    %reduce_sum3A = arith.constant dense<0.000000e+00> : vector<512xf32>
    %reduce_sum3A_8 = vector.multi_reduction <add>, %exp3A, %reduce_sum3A [1] : vector<512x64xf32> to vector<512xf32>
    %broadcast_in_dim3A_9 = vector.shape_cast %reduce_sum3A_8 : vector<512xf32> to vector<512x1xf32>
    %div3A = vector.broadcast %broadcast_in_dim3A_9 : vector<512x1xf32> to vector<512x64xf32>
    %div3A_10 = arith.divf %exp3A, %div3A : vector<512x64xf32>
    %swap3A = arith.constant 0 : index
    %swap3A_11 = arith.constant 0 : index
    %swap3A_12 = vector.load %arg3[%swap3A, %swap3A_11] : memref<512x64xf32, #tpu.memory_space<vmem>>, vector<512x64xf32>
    tpu.vector_store %arg3[%swap3A, %swap3A_11], %div3A_10 {strides = array<i32>} : memref<512x64xf32, #tpu.memory_space<vmem>>, vector<512x64xf32>,
    %log3A = math.log %broadcast_in_dim3A_9 : vector<512x1xf32>
    %add3A = arith.addf %broadcast_in_dim3A, %log3A : vector<512x1xf32>
    %mul3A = arith.mulf %add3A, %add3A : vector<512x1xf32>
    %reduce_sum3A_13 = vector.shape_cast %mul3A : vector<512x1xf32> to vector<1x512x1xf32>
    %reduce_sum3A_14 = arith.constant dense<0.000000e+00> : vector<1xf32>
    %reduce_sum3A_15 = vector.multi_reduction <add>, %reduce_sum3A_13, %reduce_sum3A_14 [1, 2] : vector<1x512x1xf32> to vector<1xf32>
    %reduce_sum3A_16 = vector.shape_cast %reduce_sum3A_15 : vector<1xf32> to vector<1x1x1xf32>
    %reduce_sum3A_17 = vector.extract %reduce_sum3A_16[0, 0, 0] : f32 from vector<1x1x1xf32>
    %reshape3A = vector.broadcast %reduce_sum3A_17 : f32 to vector<1x1xf32>
    %eq3A = arith.constant 0 : i32
    %eq3A_18 = arith.cmpi eq, %arg0, %eq3A : i32
    %convert_element_type3A = arith.extui %eq3A_18 : i1 to i32
    %cond3A = arith.constant 0 : i32
    %cond3A_19 = arith.cmpi ne, %convert_element_type3A, %cond3A : i32
    scf.if %cond3A_19 {
      %swap3A_24 = arith.constant 0 : index
      %swap3A_25 = arith.constant 0 : index
      %swap3A_26 = vector.load %arg4[%swap3A_24, %swap3A_25] : memref<1x1xf32, #tpu.memory_space<vmem>>, vector<1x1xf32>
      tpu.vector_store %arg4[%swap3A_24, %swap3A_25], %reshape3A {strides = array<i32>} : memref<1x1xf32, #tpu.memory_space<vmem>>, vector<1x1xf32>,
    } else {
    }
    %ne3A = arith.constant 0 : i32
    %ne3A_20 = arith.cmpi ne, %arg0, %ne3A : i32
    %convert_element_type3A_21 = arith.extui %ne3A_20 : i1 to i32
    %cond3A_22 = arith.constant 0 : i32
    %cond3A_23 = arith.cmpi ne, %convert_element_type3A_21, %cond3A_22 : i32
    scf.if %cond3A_23 {
      %get3A_24 = arith.constant 0 : index
      %get3A_25 = arith.constant 0 : index
      %get3A_26 = vector.load %arg4[%get3A_24, %get3A_25] : memref<1x1xf32, #tpu.memory_space<vmem>>, vector<1x1xf32>
      %add3A_27 = arith.addf %get3A_26, %reshape3A : vector<1x1xf32>
      %swap3A_28 = arith.constant 0 : index
      %swap3A_29 = arith.constant 0 : index
      %swap3A_30 = vector.load %arg4[%swap3A_28, %swap3A_29] : memref<1x1xf32, #tpu.memory_space<vmem>>, vector<1x1xf32>
      tpu.vector_store %arg4[%swap3A_28, %swap3A_29], %add3A_27 {strides = array<i32>} : memref<1x1xf32, #tpu.memory_space<vmem>>, vector<1x1xf32>,
    } else {
    }
    return
  }
  func.func @transform_0(%arg0: i32) -> (i32, i32) {
    %add3A = arith.constant 0 : i32
    %add3A_0 = arith.addi %add3A, %arg0 : i32
    %c0_i32 = arith.constant 0 : i32
    %c0_i32_1 = arith.constant 0 : i32
    return %add3A_0, %c0_i32 : i32, i32
  }
  func.func @transform_1(%arg0: i32) -> (i32, i32) {
    %c0_i32 = arith.constant 0 : i32
    %c0_i32_0 = arith.constant 0 : i32
    %c0_i32_1 = arith.constant 0 : i32
    return %c0_i32, %c0_i32_0 : i32, i32
  }
  func.func @transform_2(%arg0: i32) -> (i32, i32) {
    %c0_i32 = arith.constant 0 : i32
    %c0_i32_0 = arith.constant 0 : i32
    return %arg0, %c0_i32 : i32, i32
  }
  func.func @transform_3(%arg0: i32) -> (i32, i32) {
    %c0_i32 = arith.constant 0 : i32
    %c0_i32_0 = arith.constant 0 : i32
    %c0_i32_1 = arith.constant 0 : i32
    return %c0_i32, %c0_i32_0 : i32, i32
  }
}

</mosaic_0001>

<sc_bundles>
// kernel: _router.11.cloned.1.call-start
scs
__scs_entry_jumppad:
0x0: {  	(pc) =	sbr.rel $0x88, $3  }
0x1: {  	(tag) =	ssettag $0x0;
	lr =	simm.s32 $0x1  }
0x2: {  	[smem:$0x3F9F] =	sst lr;
	_ =	strace $0xD0000000  }
0x3: {  	_ = 	snop  }
0x4: {  	_ = 	snop  }
0x5: {  	_ = 	snop  }
0x6: {  	_ = 	snop  }
0x7: {  	_ = 	snop  }
__scs_overlays_trampoline_lowered:
0x8: {  	[smem:$0x3FAE] =	sst s0  }
0x9: {  	[smem:$0x3FAF] =	sst s1  }
0xa: {  	[smem:$0x3FB0] =	sst s2  }
0xb: {  	[smem:$0x3FB1] =	sst s3  }
0xc: {  	[smem:$0x3FB2] =	sst s4  }
0xd: {  	[smem:$0x3FB3] =	sst s5  }
0xe: {  	[smem:$0x3FB4] =	sst s6  }
0xf: {  	[smem:$0x3FB5] =	sst s7  }
0x10: {  	[smem:$0x3FB6] =	sst s8  }
0x11: {  	[smem:$0x3FB7] =	sst s9;
	s0 =	simm.s32 @!p0 $0x0  }
0x12: {  	s1 =	sld [smem:$0x3F9D];
	s0 =	simm.s32 @p0 $0x1  }
0x13: {  	[smem:$0x3FB8] =	sst s0;
	s0 =	simm.s32 @!p1 $0x0  }
0x14: {  	s2 =	sld [smem:$0x3F9C];
	s0 =	simm.s32 @p1 $0x1  }
0x15: {  	[smem:$0x3FB9] =	sst s0;
	s0 =	simm.s32 @!p2 $0x0  }
0x16: {  	s3 =	sld [smem:$0x3FDB];
	s0 =	simm.s32 @p2 $0x1  }
0x17: {  	s4 =	simm.s32 $0x1BF5;
	[smem:$0x3FBB] =	sst s0  }
0x18: {  	s0 =	sld [smem:$0x3F9E];
	_ =	swait.ge [sflag:s4], $0x0  }
0x19: {  	s7 =	sld [smem:$0x3F9F]  }
0x1a: {  	s8 =	sadd.s32 $0xFFFFE003, lr  }
0x1b: {  	s9 =	sadd.s32 $0xFFFFFEF7, lr;
	s5 =	simm.s32 $0xFFFFFFFF;
	p2 =	slt.u32 s8, $0xFFFFF086  }
0x1c: {  	p1 =	slt.u32 s9, $0xF7A;
	s5 =	simm.s32 @!p2 $0x0  }
0x1d: {  	s5 =	simm.s32 @p1 $0x1;
	p0 =	seq.s32 s7, s2  }
0x1e: {  	s7 =	smul.u32 @!p0 $0xF7A, s2;
	p2 =	seq.s32 @!p0 s5, $0x0  }
0x1f: {  	s9 =	smul.u32 $0xF7A, s1;
	s8 =	simm.s32 @!p0 $0x1BF5;
	p2 =	por !p2, p0  }
0x20: {  	[sflag:s8] =	ssyncset.s32 @!p0 $0xFFFFF086;
	s6 =	sadd.s32 @!p0 s3, s7;
	s7 =	simm.s32 @!p0 $0x108  }
0x21: {  	s3 =	sadd.s32 s3, s9;
	s6 =	sadd.s32 @!p0 $0x88, s6;
	s7 =	simm.s32 @p2 $0x1082  }
0x22: {  	[simem:s7], [sflag:s8] =	dma.local @!p0 [hbm:s6], $0xF7A  }
0x23: {  	s9 =	sor.u32 $0xD0000000, s2;
	s6 =	simm.s32 $0x108;
	_ =	swait.ge @!p0 [sflag:s8], $0x0  }
0x24: {  	s3 =	sadd.s32 $0x88, s3;
	s6 =	simm.s32 @!p1 $0x1082;
	[sflag:s4] =	ssyncset.s32 $0xFFFFF086  }
0x25: {  	[simem:s6], [sflag:s4] =	dma.local [hbm:s3], $0xF7A  }
0x26: {  	[smem:$0x3F9F] =	sst s1;
	(tag) =	ssettag s2;
	_ =	strace s9  }
0x27: {  	s1 =	sld [smem:$0x3FAF]  }
0x28: {  	s2 =	sld [smem:$0x3FB0]  }
0x29: {  	s4 =	sld [smem:$0x3FB2]  }
0x2a: {  	p0 =	seq.s32 s5, $0x0;
	s5 =	sld [smem:$0x3FB3]  }
0x2b: {  	s6 =	sld [smem:$0x3FB4]  }
0x2c: {  	s7 =	sld [smem:$0x3FB5]  }
0x2d: {  	s3 =	simm.s32 $0x108;
	s8 =	sld [smem:$0x3FB6]  }
0x2e: {  	s3 =	simm.s32 @!p0 $0x1082;
	s9 =	sld [smem:$0x3FB7]  }
0x2f: {  	lr =	sadd.s32 s0, s3;
	s0 =	sld [smem:$0x3FAE]  }
0x30: {  	s3 =	sld [smem:$0x3FB1]  }
0x31: {  	[smem:$0x3FBA] =	sst s10  }
0x32: {  	s10 =	sld [smem:$0x3FB8];
	_ =	sdelay $0x3  }
0x33: {  	p0 =	seq.s32 s10, $0x1;
	s10 =	sld [smem:$0x3FBA];
	_ =	sdelay $0x3  }
0x34: {  	[smem:$0x3FBA] =	sst s10  }
0x35: {  	s10 =	sld [smem:$0x3FB9];
	_ =	sdelay $0x3  }
0x36: {  	p1 =	seq.s32 s10, $0x1;
	s10 =	sld [smem:$0x3FBA];
	_ =	sdelay $0x3  }
0x37: {  	[smem:$0x3FBA] =	sst s10  }
0x38: {  	s10 =	sld [smem:$0x3FBB]  }
0x39: {  	_ = 	snop;
	(pc) =	sbr.ind lr, $3  }
0x3a: {  	_ = 	snop  }
0x3b: {  	_ = 	snop  }
0x3c: {  	p2 =	seq.s32 s10, $0x1;
	s10 =	sld [smem:$0x3FBA]  }
0x3d: {  	_ =	shalt  }
0x3e: {  	_ =	shalt  }
0x3f: {  	_ =	shalt  }
0x40: {  	_ =	shalt  }
0x41: {  	_ =	shalt  }
0x42: {  	_ =	shalt  }
0x43: {  	_ =	shalt  }
0x44: {  	_ =	shalt  }
0x45: {  	_ =	shalt  }
0x46: {  	_ =	shalt  }
0x47: {  	_ =	shalt  }
0x48: {  	_ =	shalt  }
0x49: {  	_ =	shalt  }
0x4a: {  	_ =	shalt  }
0x4b: {  	_ =	shalt  }
0x4c: {  	_ =	shalt  }
0x4d: {  	_ =	shalt  }
0x4e: {  	_ =	shalt  }
0x4f: {  	_ =	shalt  }
0x50: {  	_ =	shalt  }
0x51: {  	_ =	shalt  }
0x52: {  	_ =	shalt  }
0x53: {  	_ =	shalt  }
0x54: {  	_ =	shalt  }
0x55: {  	_ =	shalt  }
0x56: {  	_ =	shalt  }
0x57: {  	_ =	shalt  }
0x58: {  	_ =	shalt  }
0x59: {  	_ =	shalt  }
0x5a: {  	_ =	shalt  }
0x5b: {  	_ =	shalt  }
0x5c: {  	_ =	shalt  }
0x5d: {  	_ =	shalt  }
0x5e: {  	_ =	shalt  }
0x5f: {  	_ =	shalt  }
0x60: {  	_ =	shalt  }
0x61: {  	_ =	shalt  }
0x62: {  	_ =	shalt  }
0x63: {  	_ =	shalt  }
0x64: {  	_ =	shalt  }
0x65: {  	_ =	shalt  }
0x66: {  	_ =	shalt  }
0x67: {  	_ =	shalt  }
0x68: {  	_ =	shalt  }
0x69: {  	_ =	shalt  }
0x6a: {  	_ =	shalt  }
0x6b: {  	_ =	shalt  }
0x6c: {  	_ =	shalt  }
0x6d: {  	_ =	shalt  }
0x6e: {  	_ =	shalt  }
0x6f: {  	_ =	shalt  }
0x70: {  	_ =	shalt  }
0x71: {  	_ =	shalt  }
0x72: {  	_ =	shalt  }
0x73: {  	_ =	shalt  }
0x74: {  	_ =	shalt  }
0x75: {  	_ =	shalt  }
0x76: {  	_ =	shalt  }
0x77: {  	_ =	shalt  }
0x78: {  	_ =	shalt  }
0x79: {  	_ =	shalt  }
0x7a: {  	_ =	shalt  }
0x7b: {  	_ =	shalt  }
0x7c: {  	_ =	shalt  }
0x7d: {  	_ =	shalt  }
0x7e: {  	_ =	shalt  }
0x7f: {  	_ =	shalt  }
0x80: {  	_ =	shalt  }
0x81: {  	_ =	shalt  }
0x82: {  	_ =	shalt  }
0x83: {  	_ =	shalt  }
0x84: {  	_ =	shalt  }
0x85: {  	_ =	shalt  }
0x86: {  	_ =	shalt  }
0x87: {  	_ =	shalt  }
.Lfunc_end0:
.L_simem_size_0:
called_computation.1_lowered:
.L_overlay_start_0:
0x88: {  	s2 =	sld [smem:$0x3FD9]  }
0x89: {  	s3 =	sld [smem:$0x3FFE];
	_ =	sdelay $0x1  }
0x8a: {  	s1 =	srdreg.scid  }
0x8b: {  	s0 =	sand.u32 $0x1, s1  }
0x8c: {  	s17 =	sshll.u32 s0, $0xA;
	s2 =	sadd.s32 s3, s2  }
0x8d: {  	s2 =	sadd.s32 s2, s17  }
0x8e: {  	[smem:$0x3FC6] =	sst s2  }
0x8f: {  	_ = 	snop  }
0x90: {  	(tm) =	ssettm $0x1  }
0x91: {  	s18 =	sld [smem:$0x3FFB];
	_ =	sdelay $0x3  }
0x92: {  	_ =	strace s18  }
0x93: {  	s2 =	sld [smem:$0x3FFC];
	_ =	sdelay $0x3  }
0x94: {  	_ =	strace s2  }
0x95: {  	s2 =	sld [smem:$0x3FFD];
	_ =	sdelay $0x3  }
0x96: {  	_ =	strace s2  }
0x97: {  	_ =	strace $0x8FFFFFFF  }
0x98: {  	s19 =	sld [smem:$0x3FDB];
	_ =	sdelay $0x1  }
0x99: {  	s20 =	simm.s32 $_scs_section_size  }
0x9a: {  	s4 =	simm.s32 $_size__tile_overlayer_lowered;
	s5 =	simm.s32 $_tile_overlayer_lowered  }
0x9b: {  	s6 =	simm.s32 $0x1BFF;
	s21 =	sshll.u32 s5, $0x1;
	s3 =	sadd.s32 s20, s19  }
0x9c: {  	s22 =	simm.s32 $0x0;
	s4 =	sshll.u32 s4, $0x1;
	s5 =	sadd.s32 s21, s3  }
0x9d: {  	[timem:s22], [sflag:s6] =	dma.local [hbm:s5], s4  }
0x9e: {  	_ =	swait.ge [sflag:s6], s4  }
0x9f: {  	s4 =	ssub.s32 $0x0, s4;
	[sflag:s6] =	ssyncset.done $0x0  }
0xa0: {  	[sflag:s6] =	ssyncadd.s32 s4;
	_ =	sdelay $0x1  }
0xa1: {  	s23 =	simm.s32 $0x1B8B  }
0xa2: {  	_ =	swait.ge [sflag:s23], $0x1  }
0xa3: {  	[sflag:s23] =	ssyncset.done $0x0  }
0xa4: {  	[sflag:s23] =	ssyncadd.s32 $0xFFFFFFFF  }
0xa5: {  	s4 =	sld [smem:$0x0]  }
0xa6: {  	s5 =	sand.u32 $0xFFFFFFFE, s1  }
0xa7: {  	p0 =	sne.s32 s1, s5  }
0xa8: {  	s5 =	sshll.u32 @p0 s5, $0xE  }
0xa9: {  	s5 =	sadd.s32 @p0 $0x11B8D, s5;
	s6 =	sshll.u32 @p0 s4, $0x11  }
0xaa: {  	s5 =	sor.u32 @p0 s6, s5  }
0xab: {  	[sflag:s5] =	ssyncadd.remote.s32 @p0 $0x1;
	_ =	sdelay $0x1  }
0xac: {  	s5 =	simm.s32 @p0 $0x1B8D  }
0xad: {  	_ =	swait.eq @p0 [sflag:s5], $0x1  }
0xae: {  	[sflag:s5] =	ssyncadd.s32 @p0 $0xFFFFFFFF  }
0xaf: {  	s6 =	sshll.u32 @!p0 s1, $0xE  }
0xb0: {  	s6 =	sor.u32 @!p0 $0x4000, s6;
	s5 =	simm.s32 @!p0 $0x1B8D  }
0xb1: {  	s4 =	sshll.u32 @!p0 s4, $0x11;
	s6 =	sadd.s32 @!p0 $0x11B8D, s6;
	_ =	swait.eq @!p0 [sflag:s5], $0x1  }
0xb2: {  	s4 =	sor.u32 @!p0 s4, s6;
	[sflag:s5] =	ssyncadd.s32 @!p0 $0xFFFFFFFF  }
0xb3: {  	s25 =	simm.s32 $0x1B8E;
	s24 =	sld [smem:$0x3FFE];
	[sflag:s4] =	ssyncadd.remote.s32 @!p0 $0x1  }
0xb4: {  	s26 =	simm.s32 $execute0_lowered;
	[smem:$0x3FD2] =	sst s25  }
0xb5: {  	s5 =	sshll.u32 s26, $0x1;
	_ =	strace $0x8000004C;
	[dreg:$0x1] =	wrdreg $0xFFFFFFFF  }
0xb6: {  	s28 =	simm.s32 $_size_execute0_lowered;
	s3 =	sadd.s32 s3, s5;
	[dreg:$0x0] =	wrdreg $0x0  }
0xb7: {  	s5 =	sshll.u32 s28, $0x1;
	[dreg:$0x2] =	wrdreg s3  }
0xb8: {  	[dreg:$0x3] =	wrdreg s5  }
0xb9: {  	[dreg:$0x4] =	wrdreg $0xC0  }
0xba: {  	_ =	task [dreg:s22], $0x5FFFF  }
0xbb: {  	[dreg:$0x1] =	wrdreg $0xFFFFFFFF  }
0xbc: {  	[dreg:$0x0] =	wrdreg $0x60  }
0xbd: {  	[dreg:$0x2] =	wrdreg s24  }
0xbe: {  	[dreg:$0x3] =	wrdreg $0xA  }
0xbf: {  	_ =	task.clear_ibuf [dreg:s22], $0x4FFFF;
	_ =	strace $0x9000004C  }
0xc0: {  	s29 =	simm.s32 $0xA;
	_ =	strace $0x8000004E  }
0xc1: {  	_ =	swait.ge [sflag:s29], $0x1  }
0xc2: {  	[sflag:s29] =	ssyncadd.s32 $0xFFFFFFFF  }
0xc3: {  	_ =	strace $0x9000004E  }
0xc4: {  	_ =	sfence  }
0xc5: {  	s30 =	sld [smem:$0x0];
	_ =	sdelay $0x2  }
0xc6: {  	s31 =	sshll.u32 s1, $0xD;
	s1 =	sshrl.u32 s1, $0x2  }
0xc7: {  	s4 =	sand.u32 $0x4000, s31;
	s1 =	sadd.s32 s1, s30  }
0xc8: {  	s0 =	sor.u32 s4, s0;
	s1 =	sshll.u32 s1, $0x11  }
0xc9: {  	s0 =	sor.u32 s1, s0  }
0xca: {  	s0 =	sadd.s32 $0x8F2B, s0  }
0xcb: {  	[sflag:s0] =	ssyncadd.remote.s32 $0x1  }
0xcc: {  	_ =	sfence.sel $0xFFFF  }
0xcd: {  	[dreg:$0x0] =	wrdreg $0xFFFFFFFF;
	(pc) =	sbr.abs _section_cstart, $3  }
0xce: {  	[dreg:$0x1] =	wrdreg $0xFFFFFFFF  }
0xcf: {  	_ =	task.clear_ibuf [dreg:s22], $0x2FFFF;
	_ =	strace $0x9FFFFFFF  }
0xd0: {  	(tm) =	ssettm $0x7FFFFFFF  }
0xd1: {  	_ =	shalt  }
tec
execute0_lowered:
.L_overlay_start_1:
0x0: {  	(tag) =	ssettag $0x1  }
0x1: {  	s1 =	srdreg.scid;
	s0 =	stileid.u32  }
0x2: {  	s4 =	rddreg [dreg:$0x0];
	s2 =	simm.s32 $0x0;
	s7 =	simm.s32 $0x1  }
0x3: {  	s8 =	simm.s32 $0xC000;
	s3 =	sand.u32 $0x1, s1;
	s30 =	sshll.u32 s0, $0x1  }
0x4: {  	s9 =	simm.s32 $0x6000;
	s5 =	sor.u32 s3, s30;
	s3 =	ssub.s32 $0x2, s3  }
0x5: {  	v0 =	vlaneseq.u32;
	s1 =	rddreg [dreg:$0x1];
	s5 =	smul.u32 $0xC00, s5;
	s31 =	sshrl.u32 s3, $0x1  }
0x6: {  	s10 =	simm.s32 $0x0;
	[smem:$0x7FF] =	sst s2;
	v4 =	vmul.u32 $0xFFFFFFFF, v0;
	s6 =	ssub.s32 s3, s31  }
0x7: {  	vm0 =	vmmov $0xff;
	v1 =	vor.u32 $0x10, v0;
	_ =	strace $0x8000004D;
	s5 =	sadd.s32 s5, s4;
	s6 =	smax.u32 s6, $0x1  }
0x8: {  	v2 =	vor.u32 $0x20, v0;
	v3 =	vor.u32 $0x30, v0;
	v4 =	vadd.s32 $0xF, v4;
	s3 =	sadd.s32 $0x7B400, s5;
	s4 =	sadd.s32 $0x93400, s5;
	s5 =	sadd.s32 $0xAB400, s5  }
.LBB2_1:
0x9: {  	[tilespmem:s2], [sflag:$0x1] =	stream.linear.gather [hbm4b:s3+s2], $0x6000, $0x38;
	[tilespmem:$0x12000] =	vst v63  }
0xa: {  	_ =	swait.ge [sflag:s7], $0x6000  }
0xb: {  	[sflag:s7] =	ssyncset.done $0x0  }
0xc: {  	s11 =	simm.s32 $0x100;
	[sflag:s7] =	ssyncadd.s32 $0xFFFFA000  }
0xd: {  	v5 =	vld [tilespmem:s11+$0x80]  }
0xe: {  	v6 =	vld [tilespmem:s11+$0x20]  }
0xf: {  	v7 =	vld [tilespmem:s11+$0xB0]  }
0x10: {  	v8 =	vld [tilespmem:s11+$0x30];
	_ =	sdelay $0x1  }
0x11: {  	v9 =	vld [tilespmem:s11+$0xFFFFFFB0];
	(xrf1) =	vsort.dscd.msk.f32 $0xffff, v5, v0  }
0x12: {  	v5 =	vld [tilespmem:s11+$0xFFFFFF30];
	(xrf1) =	vsort.dscd.msk.f32 $0xffff, v6, v2  }
0x13: {  	(xrf1) =	vsort.dscd.msk.f32 $0xffff, v7, v3  }
0x14: {  	(xrf1) =	vsort.dscd.msk.f32 $0xffff, v8, v3  }
0x15: {  	v6 =	vld [tilespmem:s11+$0xFFFFFFA0]  }
0x16: {  	v7 =	vld [tilespmem:s11+$0xFFFFFF20];
	(xrf1) =	vsort.dscd.msk.f32 $0xffff, v9, v3  }
0x17: {  	v8 =	vld [tilespmem:s11+$0xA0];
	(xrf1) =	vsort.dscd.msk.f32 $0xffff, v5, v3  }
0x18: {  	v9 =	vld [tilespmem:s11+$0xFFFFFF00]  }
0x19: {  	v10 =	vld [tilespmem:s11+$0xFFFFFF10]  }
0x1a: {  	(xrf1) =	vsort.dscd.msk.f32 $0xffff, v6, v2  }
0x1b: {  	(xrf1) =	vsort.dscd.msk.f32 $0xffff, v7, v2  }
0x1c: {  	(xrf1) =	vsort.dscd.msk.f32 $0xffff, v8, v2  }
0x1d: {  	(xrf1) =	vsort.dscd.msk.f32 $0xffff, v9, v0  }
0x1e: {  	(xrf1) =	vsort.dscd.msk.f32 $0xffff, v10, v1  }
0x1f: {  	v5 =	vld [tilespmem:s11+$0xFFFFFF90];
	v7, v8, _ =	vpop (xrf1)  }
0x20: {  	v9, v10, _ =	vpop (xrf1)  }
0x21: {  	v12, v13, _ =	vpop (xrf1)  }
0x22: {  	v6 =	vld [tilespmem:s11+$0x90];
	v15, v16, _ =	vpop (xrf1)  }
0x23: {  	v11 =	vld [tilespmem:s11+$0xFFFFFF80];
	v15 =	vperm.xlane v15, v4  }
0x24: {  	v14 =	vld [tilespmem:s11+$0x0];
	(xrf1) =	vsort.dscd.msk.f32 $0xffff, v5, v1;
	v5, v18, _ =	vpop (xrf1)  }
0x25: {  	v16 =	vperm.xlane v16, v4;
	v19, v20, _ =	vpop (xrf1);
	vm1 =	vge.f32 v9, v15  }
0x26: {  	s28 =	simm.s32 $0x300;
	v17 =	vld [tilespmem:s11+$0x10];
	v9 =	vsel vm1, v9, v15;
	v15 =	vperm.xlane v19, v4  }
0x27: {  	(xrf1) =	vsort.dscd.msk.f32 $0xffff, v6, v1;
	v6 =	vld [tilespmem:s28+$0x80]  }
0x28: {  	v19, v21, _ =	vpop (xrf1);
	(xrf1) =	vsort.dscd.msk.f32 $0xffff, v11, v0;
	v10 =	vsel vm1, v10, v16  }
0x29: {  	v5 =	vperm.xlane v5, v4;
	v11 =	vperm.xlane v18, v4;
	v16, v18, _ =	vpop (xrf1);
	(xrf1) =	vsort.dscd.msk.f32 $0xffff, v14, v0  }
0x2a: {  	v23 =	vld [tilespmem:s28+$0x20];
	v14 =	vperm.xlane v20, v4;
	vm1 =	vge.f32 v16, v15;
	v20, v22, _ =	vpop (xrf1);
	(xrf1) =	vsort.dscd.msk.f32 $0xffff, v9, v10  }
0x2b: {  	vm2 =	vge.f32 v19, v5;
	v9 =	vsel vm1, v16, v15;
	v16 =	vld [tilespmem:s28+$0xB0];
	v10, v15, _ =	vpop (xrf1);
	(xrf1) =	vsort.dscd.msk.f32 $0xffff, v17, v1  }
0x2c: {  	v5 =	vsel vm2, v19, v5;
	v11 =	vsel vm2, v21, v11;
	v17, v19, _ =	vpop (xrf1);
	(xrf1) =	vsort.dscd.msk.f32 $0xffff, v6, v0  }
0x2d: {  	v6 =	vsel vm1, v18, v14;
	v14 =	vperm.xlane v17, v4;
	(xrf1) =	vsort.dscd.msk.f32 $0xffff, v5, v11  }
0x2e: {  	v5 =	vperm.xlane v19, v4;
	v11 =	vld [tilespmem:s28+$0x30];
	(xrf1) =	vsort.dscd.msk.f32 $0xffff, v9, v6  }
0x2f: {  	v6 =	vld [tilespmem:s28+$0xFFFFFFB0];
	vm1 =	vge.f32 v10, v14;
	(xrf1) =	vsort.dscd.msk.f32 $0xffff, v23, v2  }
0x30: {  	v9 =	vsel vm1, v10, v14;
	(xrf1) =	vsort.dscd.msk.f32 $0xffff, v16, v3;
	v5 =	vsel vm1, v15, v5  }
0x31: {  	(xrf1) =	vsort.dscd.msk.f32 $0xffff, v9, v5;
	v5 =	vld [tilespmem:s28+$0xFFFFFF30];
	v9 =	vperm.xlane v12, v4  }
0x32: {  	v10 =	vld [tilespmem:s28+$0xFFFFFFA0];
	v12 =	vperm.xlane v13, v4  }
0x33: {  	v14 =	vld [tilespmem:s28+$0xFFFFFF20];
	(xrf1) =	vsort.dscd.msk.f32 $0xffff, v11, v3;
	vm1 =	vge.f32 v20, v9  }
0x34: {  	v15 =	vld [tilespmem:s28+$0xA0];
	(xrf1) =	vsort.dscd.msk.f32 $0xffff, v6, v3;
	v9 =	vsel vm1, v20, v9;
	v12 =	vsel vm1, v22, v12  }
0x35: {  	v11, v13, _ =	vpop (xrf1);
	(xrf1) =	vsort.dscd.msk.f32 $0xffff, v9, v12  }
0x36: {  	v16, v17, _ =	vpop (xrf1);
	(xrf1) =	vsort.dscd.msk.f32 $0xffff, v5, v3  }
0x37: {  	v18, v19, _ =	vpop (xrf1);
	(xrf1) =	vsort.dscd.msk.f32 $0xffff, v10, v2  }
0x38: {  	v9 =	vld [tilespmem:s28+$0xFFFFFF00];
	v12, v20, _ =	vpop (xrf1);
	(xrf1) =	vsort.dscd.msk.f32 $0xffff, v14, v2  }
0x39: {  	v21 =	vld [tilespmem:s28+$0xFFFFFF10];
	v23, v24, _ =	vpop (xrf1);
	(xrf1) =	vsort.dscd.msk.f32 $0xffff, v15, v2;
	v15 =	vperm.xlane v17, v4  }
0x3a: {  	v22 =	vld [tilespmem:s28+$0xFFFFFF90];
	v14 =	vperm.xlane v16, v4;
	v10, v25, _ =	vpop (xrf1)  }
0x3b: {  	v5, v6, _ =	vpop (xrf1)  }
0x3c: {  	vm1 =	vge.f32 v7, v14;
	v17, v26, _ =	vpop (xrf1)  }
0x3d: {  	(xrf1) =	vsort.dscd.msk.f32 $0xffff, v9, v0;
	v9 =	vperm.xlane v11, v4;
	v8 =	vsel vm1, v8, v15;
	v11, v16, _ =	vpop (xrf1)  }
0x3e: {  	(xrf1) =	vsort.dscd.msk.f32 $0xffff, v21, v1;
	v7 =	vsel vm1, v7, v14;
	v14, v15, _ =	vpop (xrf1)  }
0x3f: {  	(xrf1) =	vsort.dscd.msk.f32 $0xffff, v22, v1;
	v11 =	vperm.xlane v11, v4;
	v21, v22, _ =	vpop (xrf1)  }
0x40: {  	(xrf1) =	vsort.dscd.msk.f32 $0xffff, v7, v8;
	v7 =	vperm.xlane v13, v4;
	v16 =	vperm.xlane v16, v4;
	v8, v13, _ =	vpop (xrf1)  }
0x41: {  	v10 =	vperm.xlane v10, v4;
	vm3 =	vge.f32 v8, v11  }
0x42: {  	v25 =	vperm.xlane v25, v4;
	v8 =	vsel vm3, v8, v11;
	v11 =	vsel vm3, v13, v16  }
0x43: {  	vm2 =	vge.f32 v12, v10  }
0x44: {  	v27 =	vld [tilespmem:s28+$0x90];
	v10 =	vsel vm2, v12, v10;
	v29, v30, _ =	vpop (xrf1);
	v16 =	vsel vm2, v20, v25;
	(xrf1) =	vsort.dscd.msk.f32 $0xffff, v8, v11  }
0x45: {  	v28 =	vld [tilespmem:s28+$0xFFFFFF80];
	v13 =	vperm.xlane v29, v4;
	(xrf1) =	vsort.dscd.msk.f32 $0xffff, v10, v16;
	v16 =	vperm.xlane v30, v4  }
0x46: {  	vm1 =	vge.f32 v18, v9;
	v12 =	vld [tilespmem:s28+$0x0];
	v8, v11, _ =	vpop (xrf1)  }
0x47: {  	v9 =	vsel vm1, v18, v9;
	v7 =	vsel vm1, v19, v7;
	vm1 =	vge.f32 v14, v13;
	v18, v19, _ =	vpop (xrf1)  }
0x48: {  	v10 =	vld [tilespmem:s28+$0x10];
	v13 =	vsel vm1, v14, v13;
	v15 =	vsel vm1, v15, v16;
	v14, v20, _ =	vpop (xrf1)  }
0x49: {  	s29 =	simm.s32 $0x500;
	v8 =	vperm.xlane v8, v4;
	(xrf1) =	vsort.dscd.msk.f32 $0xffff, v27, v1;
	v16, v25, _ =	vpop (xrf1);
	v14 =	vperm.xlane v14, v4  }
0x4a: {  	v11 =	vperm.xlane v11, v4;
	v27 =	vld [tilespmem:s29+$0x80];
	(xrf1) =	vsort.dscd.msk.f32 $0xffff, v28, v0;
	v28, v29, _ =	vpop (xrf1)  }
0x4b: {  	(xrf1) =	vsort.dscd.msk.f32 $0xffff, v12, v0;
	v12 =	vperm.xlane v20, v4;
	vm1 =	vge.f32 v16, v8;
	v20, v30, _ =	vpop (xrf1)  }
0x4c: {  	(xrf1) =	vsort.dscd.msk.f32 $0xffff, v13, v15;
	v15 =	vperm.xlane v18, v4;
	vm2 =	vge.f32 v28, v14;
	v13, v18, _ =	vpop (xrf1)  }
0x4d: {  	v31 =	vld [tilespmem:s29+$0x20];
	(xrf1) =	vsort.dscd.msk.f32 $0xffff, v10, v1;
	v10 =	vsel vm2, v28, v14;
	v12 =	vsel vm2, v29, v12;
	v14, v28, _ =	vpop (xrf1)  }
0x4e: {  	v29 =	vld [tilespmem:s29+$0xB0];
	(xrf1) =	vsort.dscd.msk.f32 $0xffff, v9, v7;
	v7 =	vsel vm1, v16, v8;
	v14 =	vperm.xlane v14, v4  }
0x4f: {  	v8 =	vsel vm1, v25, v11;
	(xrf1) =	vsort.dscd.msk.f32 $0xffff, v27, v0;
	v16 =	vperm.xlane v28, v4  }
0x50: {  	v25 =	vld [tilespmem:s29+$0x30];
	(xrf1) =	vsort.dscd.msk.f32 $0xffff, v7, v8;
	vm2 =	vge.f32 v13, v14  }
0x51: {  	v19 =	vperm.xlane v19, v4;
	v7 =	vld [tilespmem:s29+$0xFFFFFFB0];
	(xrf1) =	vsort.dscd.msk.f32 $0xffff, v10, v12;
	v16 =	vsel vm2, v18, v16  }
0x52: {  	v9, v11, _ =	vpop (xrf1);
	v10 =	vperm.xlane v21, v4;
	(xrf1) =	vsort.dscd.msk.f32 $0xffff, v31, v2;
	v12 =	vsel vm2, v13, v14  }
0x53: {  	v8 =	vperm.xlane v23, v4;
	v27, v28, _ =	vpop (xrf1);
	v21 =	vperm.xlane v24, v4;
	(xrf1) =	vsort.dscd.msk.f32 $0xffff, v29, v3  }
0x54: {  	v18 =	vperm.xlane v22, v4;
	vm2 =	vge.f32 v20, v10;
	v14, v13, _ =	vpop (xrf1);
	(xrf1) =	vsort.dscd.msk.f32 $0xffff, v12, v16  }
0x55: {  	vm1 =	vge.f32 v27, v15;
	v10 =	vsel vm2, v20, v10;
	(xrf1) =	vsort.dscd.msk.f32 $0xffff, v25, v3;
	v12, v16, _ =	vpop (xrf1)  }
0x56: {  	v18 =	vsel vm2, v30, v18;
	(xrf1) =	vsort.dscd.msk.f32 $0xffff, v7, v3;
	vm2 =	vge.f32 v12, v8  }
0x57: {  	(xrf1) =	vsort.dscd.msk.f32 $0xffff, v10, v18;
	v10 =	vsel vm2, v16, v21;
	v16 =	vsel vm1, v28, v19  }
0x58: {  	v7, v20, _ =	vpop (xrf1)  }
0x59: {  	v8 =	vsel vm2, v12, v8;
	v12 =	vld [tilespmem:s29+$0xFFFFFF30];
	v18, v21, _ =	vpop (xrf1)  }
0x5a: {  	v15 =	vsel vm1, v27, v15;
	(xrf1) =	vsort.dscd.msk.f32 $0xffff, v8, v10;
	v8 =	vld [tilespmem:s29+$0xFFFFFFA0];
	v10, v19, _ =	vpop (xrf1)  }
0x5b: {  	v27 =	vld [tilespmem:s29+$0xFFFFFF20];
	(xrf1) =	vsort.dscd.msk.f32 $0xffff, v15, v16;
	v25, v16, _ =	vpop (xrf1)  }
0x5c: {  	v28 =	vld [tilespmem:s29+$0xA0];
	v20 =	vperm.xlane v20, v4;
	v15 =	vnsel vm0, $0x0, v14;
	v29, v30, _ =	vpop (xrf1)  }
0x5d: {  	v33 =	vld [tilespmem:s29+$0xFFFFFF00];
	v7 =	vperm.xlane v7, v4;
	(xrf2) =	vadd.scan.msk.f32 $0xffff, v15;
	v31, v32, _ =	vpop (xrf1)  }
0x5e: {  	v34 =	vld [tilespmem:s29+$0xFFFFFF10];
	(xrf1) =	vsort.dscd.msk.f32 $0xffff, v12, v3;
	v22, v23, _ =	vpop (xrf1)  }
0x5f: {  	vm1 =	vge.f32 v5, v7;
	v12 =	vperm.xlane v17, v4;
	v17 =	vld [tilespmem:s29+$0xFFFFFF90];
	(xrf1) =	vsort.dscd.msk.f32 $0xffff, v8, v2;
	v15, v24, _ =	vpop (xrf1)  }
0x60: {  	v6 =	vsel vm1, v6, v20;
	v8 =	vperm.xlane v26, v4;
	(xrf1) =	vsort.dscd.msk.f32 $0xffff, v27, v2;
	v20, v26, _ =	vpop (xrf1)  }
0x61: {  	v5 =	vsel vm1, v5, v7;
	(xrf1) =	vsort.dscd.msk.f32 $0xffff, v28, v2;
	v7, v27, _ =	vpop (xrf1)  }
0x62: {  	v30 =	vperm.xlane v30, v4;
	(xrf1) =	vsort.dscd.msk.f32 $0xffff, v33, v0;
	v20 =	vperm.xlane v20, v4;
	v28, v47, _ =	vpop (xrf1)  }
0x63: {  	v29 =	vperm.xlane v29, v4;
	v26 =	vperm.xlane v26, v4;
	(xrf1) =	vsort.dscd.msk.f32 $0xffff, v34, v1;
	v48, v35, _ =	vpop (xrf1)  }
0x64: {  	(xrf1) =	vsort.dscd.msk.f32 $0xffff, v17, v1;
	vm3 =	vge.f32 v48, v20  }
0x65: {  	v17, v36, _ =	vpop (xrf1);
	(xrf1) =	vsort.dscd.msk.f32 $0xffff, v5, v6;
	v5 =	vsel vm3, v35, v26  }
0x66: {  	vm1 =	vge.f32 v31, v12;
	vm2 =	vge.f32 v10, v29;
	v6 =	vld [tilespmem:s29+$0x90];
	v37, v38, _ =	vpop (xrf1)  }
0x67: {  	v19 =	vsel vm2, v19, v30;
	v20 =	vsel vm3, v48, v20;
	v26 =	vsel vm2, v10, v29;
	v29, v30, _ =	vpop (xrf1)  }
0x68: {  	v32 =	vsel vm1, v32, v8;
	(xrf1) =	vsort.dscd.msk.f32 $0xffff, v20, v5;
	v20 =	vld [tilespmem:s29+$0xFFFFFF80];
	v10, v8, _ =	vpop (xrf1)  }
0x69: {  	v9 =	vperm.xlane v9, v4;
	v31 =	vsel vm1, v31, v12;
	(xrf1) =	vsort.dscd.msk.f32 $0xffff, v26, v19;
	v19 =	vld [tilespmem:s29+$0x0];
	v12, v5, _ =	vpop (xrf1)  }
0x6a: {  	v26, _, _ =	vpop (xrf2);
	(xrf1) =	vsort.dscd.msk.f32 $0xffff, v31, v32;
	v31 =	vnsel vm0, $0x0, v12  }
0x6b: {  	vm1 =	vge.f32 v18, v9;
	v17 =	vperm.xlane v17, v4;
	(v2sf) =	vpush v26, $0xF;
	(xrf1) =	vsort.dscd.msk.f32 $0xffff, v6, v1  }
0x6c: {  	v9 =	vsel vm1, v18, v9;
	v26 =	vld [tilespmem:s29+$0x10];
	(xrf2) =	vadd.scan.msk.f32 $0xffff, v31  }
0x6d: {  	v6 =	vperm.xlane v11, v4;
	v11 =	vperm.xlane v36, v4;
	(xrf1) =	vsort.dscd.msk.f32 $0xffff, v20, v0;
	v20 =	vnsel vm0, $0x0, v10;
	v31, v49, _ =	vpop (xrf1)  }
0x6e: {  	s14 =	simm.s32 $0x700;
	v18 =	vperm.xlane v37, v4;
	vm2 =	vge.f32 v7, v17;
	(xrf1) =	vsort.dscd.msk.f32 $0xffff, v19, v0;
	v50, v51, _ =	vpop (xrf1)  }
0x6f: {  	v52 =	vld [tilespmem:s14+$0x80];
	v7 =	vsel vm2, v7, v17;
	v11 =	vsel vm2, v27, v11;
	(xrf2) =	vadd.scan.msk.f32 $0xffff, v20;
	v17, v19, _ =	vpop (xrf1)  }
0x70: {  	v6 =	vsel vm1, v21, v6;
	vm1 =	vge.f32 v50, v18;
	v20, v21, _ =	vpop (xrf1);
	(xrf1) =	vsort.dscd.msk.f32 $0xffff, v7, v11  }
0x71: {  	v7 =	vperm.xlane v38, v4;
	v11 =	vperm.xlane v31, v4;
	v27, v31, _ =	vpop (xrf1);
	(xrf1) =	vsort.dscd.msk.f32 $0xffff, v26, v1  }
0x72: {  	v26 =	vperm.xlane v49, v4;
	v54, v55, _ =	vpop (xrf1);
	(xrf1) =	vsort.dscd.msk.f32 $0xffff, v9, v6;
	v6 =	vsel vm1, v50, v18  }
0x73: {  	v53 =	vld [tilespmem:s14+$0x20];
	v7 =	vsel vm1, v51, v7;
	vm1 =	vge.f32 v17, v11  }
0x74: {  	v18 =	vld [tilespmem:s14+$0xB0];
	v9, v56, _ =	vpop (xrf1);
	(xrf1) =	vsort.dscd.msk.f32 $0xffff, v52, v0;
	v11 =	vsel vm1, v17, v11;
	v17 =	vsel vm1, v19, v26  }
0x75: {  	v19 =	vperm.xlane v54, v4;
	v57, v58, _ =	vpop (xrf1);
	(xrf1) =	vsort.dscd.msk.f32 $0xffff, v6, v7  }
0x76: {  	v25 =	vperm.xlane v25, v4;
	v26 =	vperm.xlane v29, v4;
	v7, v6, _ =	vpop (xrf1)  }
0x77: {  	v29 =	vld [tilespmem:s14+$0x30];
	v38 =	vperm.xlane v55, v4;
	(xrf1) =	vsort.dscd.msk.f32 $0xffff, v11, v17;
	vm2 =	vge.f32 v27, v19;
	v17, v59, _ =	vpop (xrf1)  }
0x78: {  	v39 =	vperm.xlane v9, v4;
	(xrf1) =	vsort.dscd.msk.f32 $0xffff, v53, v2;
	v19 =	vsel vm2, v27, v19;
	v11, v9, _ =	vpop (xrf1)  }
0x79: {  	v40 =	vld [tilespmem:s14+$0xFFFFFFB0];
	v27 =	vperm.xlane v28, v4;
	v28 =	vsel vm2, v31, v38;
	(xrf1) =	vsort.dscd.msk.f32 $0xffff, v18, v3;
	v18 =	vnsel vm0, $0x0, v11  }
0x7a: {  	v16 =	vperm.xlane v16, v4;
	v60, _, _ =	vpop (xrf2);
	s30 =	spop (v2sf);
	(xrf2) =	vadd.scan.msk.f32 $0xffff, v18;
	v18 =	vperm.xlane v47, v4  }
0x7b: {  	v43 =	vperm.xlane v15, v4;
	v38, _, _ =	vpop (xrf2);
	(xrf1) =	vsort.dscd.msk.f32 $0xffff, v19, v28;
	vm2 =	vge.f32 v20, v27;
	s11 =	sadd.f32 $9.999999710e-10, s30  }
0x7c: {  	v30 =	vperm.xlane v30, v4;
	v28, v31, _ =	vpop (xrf1);
	(xrf1) =	vsort.dscd.msk.f32 $0xffff, v29, v3;
	v20 =	vsel vm2, v20, v27  }
0x7d: {  	v27, v29, _ =	vpop (xrf1);
	v62 =	vmov s11;
	v21 =	vsel vm2, v21, v18;
	vm2 =	vge.f32 v17, v25  }
0x7e: {  	v61 =	vld [tilespmem:s14+$0xFFFFFF30];
	(v2sf) =	vpush v60, $0xF;
	(xrf1) =	vsort.dscd.msk.f32 $0xffff, v40, v3;
	v41, v42, _ =	vpop (xrf1);
	(erf) = vrcp.f32 v62;
	v17 =	vsel vm2, v17, v25  }
0x7f: {  	v63 =	vld [tilespmem:s14+$0xFFFFFFA0];
	vm1 =	vge.f32 v57, v26;
	v50 =	vnsel vm0, $0x0, v7;
	(xrf1) =	vsort.dscd.msk.f32 $0xffff, v20, v21;
	v16 =	vsel vm2, v59, v16;
	v19, v18, _ =	vpop (xrf1)  }
0x80: {  	(v2sf) =	vpush v38, $0xF;
	v28 =	vperm.xlane v28, v4;
	v20 =	vsel vm1, v57, v26;
	v25 =	vld [tilespmem:s14+$0xFFFFFF20];
	(xrf1) =	vsort.dscd.msk.f32 $0xffff, v17, v16;
	v48, v49, _ =	vpop (xrf1)  }
0x81: {  	v31 =	vperm.xlane v31, v4;
	(xrf2) =	vadd.scan.msk.f32 $0xffff, v50;
	v21 =	vsel vm1, v58, v30;
	v30 =	vperm.xlane v56, v4;
	v51, v52, _ =	vpop (xrf1)  }
0x82: {  	v26 =	vld [tilespmem:s14+$0xA0];
	vm1 =	vge.f32 v27, v39;
	vm2 =	vge.f32 v22, v28;
	(xrf1) =	vsort.dscd.msk.f32 $0xffff, v20, v21;
	v16, v17, _ =	vpop (xrf1)  }
0x83: {  	v44 =	vld [tilespmem:s14+$0xFFFFFF00];
	v54 =	vsel vm2, v23, v31;
	v23 =	vperm.xlane v24, v4;
	(xrf1) =	vsort.dscd.msk.f32 $0xffff, v61, v3;
	v20, v15, _ =	vpop (xrf1)  }
0x84: {  	v21 =	vsel vm1, v29, v30;
	v30 =	vld [tilespmem:s14+$0xFFFFFF10];
	v29 =	vsel vm1, v27, v39;
	(xrf1) =	vsort.dscd.msk.f32 $0xffff, v63, v2;
	v45, _, _ =	vpop (xrf2)  }
0x85: {  	s31 =	simm.s32 $0x0;
	v53 =	vld [tilespmem:s14+$0xFFFFFF90];
	v27 =	vperm.xlane v48, v4;
	vm1 =	vge.f32 v51, v43;
	(xrf1) =	vsort.dscd.msk.f32 $0xffff, v25, v2;
	v24, v25, _ =	vpop (xrf1)  }
0x86: {  	v55 =	vor.u32 s31, v0;
	v22 =	vsel vm2, v22, v28;
	v31 =	vsel vm1, v51, v43;
	v46, v32, _ =	vpop (xrf1)  }
0x87: {  	v35 =	vsel vm1, v52, v23;
	vm1 =	vge.f32 v41, v27;
	(xrf1) =	vsort.dscd.msk.f32 $0xffff, v26, v2;
	v28 =	vpop (erf);
	(v2sf) =	vpush v45, $0xF  }
0x88: {  	(xrf1) =	vsort.dscd.msk.f32 $0xffff, v44, v0;
	v24 =	vperm.xlane v24, v4;
	v60 =	vperm.xlane v25, v4;
	v26, v23, _ =	vpop (xrf1)  }
0x89: {  	(xrf1) =	vsort.dscd.msk.f32 $0xffff, v30, v1;
	v30 =	vperm.xlane v49, v4;
	v14 =	vmul.f32 v28, v14;
	v57, v56, _ =	vpop (xrf1)  }
0x8a: {  	v28 =	vsel vm1, v41, v27;
	(xrf1) =	vsort.dscd.msk.f32 $0xffff, v53, v1;
	v59, v58, _ =	vpop (xrf1);
	vm2 =	vge.f32 v57, v24  }
0x8b: {  	v25 =	vld [tilespmem:s14+$0x0];
	v63, _, _ =	vpop (xrf2);
	(xrf1) =	vsort.dscd.msk.f32 $0xffff, v22, v54;
	v39 =	vsel vm1, v42, v30;
	v61 =	vperm.xlane v59, v4  }
0x8c: {  	s13 =	simm.s32 $0x4;
	s12 =	simm.s32 $0x8;
	s18 =	simm.s32 $0x10;
	v27 =	vld [tilespmem:s14+$0x90];
	[tilespmem:v55+s8+$0x0] =	vst.idx.msk $0xff, v14;
	v62, v33, _ =	vpop (xrf1);
	v24 =	vsel vm2, v57, v24;
	v43 =	vsel vm2, v56, v60  }
0x8d: {  	s15 =	simm.s32 $0x80;
	s16 =	simm.s32 $0x100;
	s19 =	spop (v2sf);
	v22 =	vld [tilespmem:s14+$0x10];
	v40 =	vperm.xlane v58, v4;
	[tilespmem:v55+s9+$0x0] =	vst.idx.msk $0xff, v13;
	vm1 =	vge.f32 v46, v61;
	v34, v37, _ =	vpop (xrf1)  }
0x8e: {  	s17 =	simm.s32 $0x180;
	s11 =	simm.s32 $0xC;
	(v2sf) =	vpush v63, $0xF;
	s20 =	sadd.f32 $9.999999710e-10, s19;
	v30 =	vld [tilespmem:s14+$0xFFFFFF80];
	v38 =	vperm.xlane v62, v4;
	(xrf1) =	vsort.dscd.msk.f32 $0xffff, v24, v43;
	v36 =	vsel vm1, v46, v61;
	v14, v13, _ =	vpop (xrf1)  }
.LBB2_2:
0x8f: {  	p0 =	slt.u32 s18, $0xBC  }
0x90: {  	v24 =	vperm.xlane v33, v4;
	v40 =	vsel vm1, v32, v40;
	(xrf1) =	vsort.dscd.msk.f32 $0xffff, v28, v39;
	v39 =	vnsel vm0, $0x0, v14;
	v33, v32, _ =	vpop (xrf1);
	s21 =	spop (v2sf);
	s19 =	smov.u32 s18;
	s18 =	sadd.s32 $0x4, s18  }
0x91: {  	v28 =	vperm.xlane v37, v4;
	v42 =	vnsel vm0, $0x0, v33;
	(xrf1) =	vsort.dscd.msk.f32 $0xffff, v31, v35;
	s21 =	sadd.f32 $9.999999710e-10, s21;
	v31 =	vmov s20  }
0x92: {  	v35, v41, _ =	vpop (xrf1);
	(xrf2) =	vadd.scan.msk.f32 $0xffff, v42;
	(erf) = vrcp.f32 v31  }
0x93: {  	v31 =	vperm.xlane v35, v4;
	v35, v37, _ =	vpop (xrf1);
	v42 =	vmov s21  }
0x94: {  	v41 =	vperm.xlane v41, v4;
	vm1 =	vge.f32 v35, v38;
	v43, v44, _ =	vpop (xrf1);
	(xrf1) =	vsort.dscd.msk.f32 $0xffff, v27, v1  }
0x95: {  	s14 =	sadd.s32 $0x200, s14;
	v34 =	vperm.xlane v34, v4;
	vm2 =	vge.f32 v43, v31;
	(xrf1) =	vsort.dscd.msk.f32 $0xffff, v30, v0;
	v30, v45, _ =	vpop (xrf1)  }
0x96: {  	v27 =	vld [tilespmem:s14+$0x80];
	v43 =	vsel vm2, v43, v31;
	v41 =	vsel vm2, v44, v41;
	v44, v46, _ =	vpop (xrf1);
	(xrf1) =	vsort.dscd.msk.f32 $0xffff, v25, v0;
	s20 =	spop (v2sf)  }
0x97: {  	v24 =	vsel vm1, v37, v24;
	v25 =	vsel vm1, v35, v38;
	v47 =	vld [tilespmem:s14+$0x20];
	v35, v37, _ =	vpop (xrf1);
	(xrf2) =	vadd.scan.msk.f32 $0xffff, v39;
	s20 =	sadd.f32 $9.999999710e-10, s20;
	(erf) = vrcp.f32 v42  }
0x98: {  	v31 =	vld [tilespmem:s14+$0xA0];
	v35 =	vperm.xlane v35, v4;
	v38, v39, _ =	vpop (xrf1);
	(xrf1) =	vsort.dscd.msk.f32 $0xffff, v36, v40;
	v36 =	vor.u32 s17, v0  }
0x99: {  	v37 =	vperm.xlane v37, v4;
	v40 =	vld [tilespmem:s14+$0xB0];
	v38 =	vperm.xlane v38, v4;
	(xrf1) =	vsort.dscd.msk.f32 $0xffff, v22, v1;
	v22 =	vmov s20  }
0x9a: {  	v39 =	vperm.xlane v39, v4;
	v42 =	vld [tilespmem:s14+$0x30];
	(xrf1) =	vsort.dscd.msk.f32 $0xffff, v29, v21;
	v21, v29, _ =	vpop (xrf1)  }
0x9b: {  	v48 =	vld [tilespmem:s14+$0xFFFFFFB0];
	(xrf1) =	vsort.dscd.msk.f32 $0xffff, v27, v0;
	v27 =	vpop (erf)  }
0x9c: {  	vm1 =	vge.f32 v21, v34;
	v49 =	vld [tilespmem:s14+$0xFFFFFF30];
	(xrf1) =	vsort.dscd.msk.f32 $0xffff, v25, v24;
	v50, _, _ =	vpop (xrf2);
	v12 =	vmul.f32 v27, v12;
	(erf) = vrcp.f32 v22  }
0x9d: {  	v51 =	vperm.xlane v20, v4;
	v20 =	vperm.xlane v19, v4;
	v52 =	vsel vm1, v21, v34;
	v27 =	vld [tilespmem:s14+$0x90];
	v34, v24, _ =	vpop (xrf1);
	s17 =	spop (v2sf)  }
0x9e: {  	vm2 =	vge.f32 v44, v35;
	v25 =	vld [tilespmem:s14+$0x0];
	(xrf1) =	vsort.dscd.msk.f32 $0xffff, v43, v41;
	v41 =	vnsel vm0, $0x0, v34;
	v43, v53, _ =	vpop (xrf1);
	s17 =	sadd.f32 $9.999999710e-10, s17;
	[tilespmem:v36+s8+$0x0] =	vst.idx.msk $0xff, v12  }
0x9f: {  	v19 =	vperm.xlane v26, v4;
	v12 =	vsel vm2, v44, v35;
	v35 =	vor.u32 s16, v0;
	v22 =	vld [tilespmem:s14+$0x10];
	(xrf1) =	vsort.dscd.msk.f32 $0xffff, v47, v2;
	v26, v44, _ =	vpop (xrf1)  }
0xa0: {  	v23 =	vperm.xlane v23, v4;
	v21 =	vsel vm2, v46, v37;
	v47 =	vld [tilespmem:s14+$0xFFFFFFA0];
	(xrf1) =	vsort.dscd.msk.f32 $0xffff, v40, v3;
	v55 =	vnsel vm0, $0x0, v26;
	v40 =	vpop (erf)  }
0xa1: {  	v54 =	vperm.xlane v18, v4;
	vm2 =	vge.f32 v30, v19;
	v46 =	vld [tilespmem:s14+$0xFFFFFF20];
	(xrf2) =	vadd.scan.msk.f32 $0xffff, v55;
	v37, _, _ =	vpop (xrf2);
	v10 =	vmul.f32 v40, v10  }
0xa2: {  	v30 =	vsel vm2, v30, v19;
	v23 =	vsel vm2, v45, v23;
	v45 =	vmov s17;
	(xrf1) =	vsort.dscd.msk.f32 $0xffff, v12, v21;
	v18, v40, _ =	vpop (xrf1)  }
0xa3: {  	v56 =	vor.u32 s15, v0;
	(xrf1) =	vsort.dscd.msk.f32 $0xffff, v42, v3;
	v42 =	vperm.xlane v18, v4;
	v55, v12, _ =	vpop (xrf1);
	[tilespmem:v36+s9+$0x0] =	vst.idx.msk $0xff, v5  }
0xa4: {  	vm3 =	vge.f32 v43, v20;
	v36 =	vld [tilespmem:s14+$0xFFFFFF90];
	(xrf1) =	vsort.dscd.msk.f32 $0xffff, v48, v3;
	vm2 =	vge.f32 v55, v38;
	v48, v57, _ =	vpop (xrf1);
	(v2sf) =	vpush v50, $0xF  }
0xa5: {  	v5 =	vmov v32;
	v21 =	vsel vm2, v12, v39;
	[tilespmem:v35+s8+$0x0] =	vst.idx.msk $0xff, v10;
	v10 =	vpop (erf);
	v12 =	vmov v33  }
0xa6: {  	v20 =	vsel vm3, v43, v20;
	v33 =	vld [tilespmem:s14+$0xFFFFFF10];
	v19, v18, _ =	vpop (xrf1);
	(xrf1) =	vsort.dscd.msk.f32 $0xffff, v30, v23;
	v23 =	vsel vm3, v53, v54;
	(erf) = vrcp.f32 v45  }
0xa7: {  	v29 =	vsel vm1, v29, v28;
	v45 =	vmul.f32 v10, v11;
	v30 =	vld [tilespmem:s14+$0xFFFFFF80];
	v39, v43, _ =	vpop (xrf1);
	(xrf1) =	vsort.dscd.msk.f32 $0xffff, v20, v23;
	(v2sf) =	vpush v37, $0xF  }
0xa8: {  	v32 =	vperm.xlane v40, v4;
	v11 =	vmov v26;
	v10 =	vmov v14;
	v37, v40, _ =	vpop (xrf1);
	(xrf1) =	vsort.dscd.msk.f32 $0xffff, v52, v29  }
0xa9: {  	vm1 =	vge.f32 v16, v42;
	v14 =	vld [tilespmem:s14+$0xFFFFFF00];
	v26, v28, _ =	vpop (xrf1);
	(xrf2) =	vadd.scan.msk.f32 $0xffff, v41;
	[tilespmem:v56+s8+$0x0] =	vst.idx.msk $0xff, v45  }
0xaa: {  	v41 =	vsel vm1, v17, v32;
	(xrf1) =	vsort.dscd.msk.f32 $0xffff, v49, v3;
	v20, v23, _ =	vpop (xrf1);
	[tilespmem:v35+s9+$0x0] =	vst.idx.msk $0xff, v8;
	v17 =	vmov v28  }
0xab: {  	v29 =	vsel vm2, v55, v38;
	v8 =	vperm.xlane v15, v4;
	(xrf1) =	vsort.dscd.msk.f32 $0xffff, v47, v2;
	v28, _, _ =	vpop (xrf2);
	v15 =	vmov v23  }
0xac: {  	v38 =	vsel vm1, v16, v42;
	vm1 =	vge.f32 v37, v51;
	v16 =	vmov v26;
	(xrf1) =	vsort.dscd.msk.f32 $0xffff, v46, v2;
	v42, v45, _ =	vpop (xrf1)  }
0xad: {  	s17 =	sshll.u32 s13, $0x7;
	s13 =	smov.u32 s12;
	s12 =	smov.u32 s11;
	v35 =	vsel vm1, v40, v8;
	v46, v32, _ =	vpop (xrf1);
	(xrf1) =	vsort.dscd.msk.f32 $0xffff, v31, v2;
	v31 =	vsel vm1, v37, v51;
	(v2sf) =	vpush v28, $0xF  }
0xae: {  	s15 =	sadd.s32 $0x80, s17;
	s16 =	sadd.s32 $0x100, s17;
	v8 =	vperm.xlane v39, v4;
	(xrf1) =	vsort.dscd.msk.f32 $0xffff, v14, v0;
	v26, v23, _ =	vpop (xrf1);
	v14 =	vor.u32 s17, v0;
	s17 =	sadd.s32 $0x180, s17;
	[tilespmem:v56+s9+$0x0] =	vst.idx.msk $0xff, v9  }
0xaf: {  	s11 =	smov.u32 s19;
	v39 =	vperm.xlane v43, v4;
	v37 =	vperm.xlane v42, v4;
	v9 =	vmov v44;
	(xrf1) =	vsort.dscd.msk.f32 $0xffff, v33, v1;
	v28 =	vpop (erf)  }
0xb0: {  	vm1 =	vge.f32 v48, v8;
	(xrf1) =	vsort.dscd.msk.f32 $0xffff, v36, v1;
	v36, v40, _ =	vpop (xrf1);
	v42 =	vmul.f32 v28, v7;
	v7 =	vmov v34  }
.Ltmp0:
0xb1: {  	v43 =	vperm.xlane v45, v4;
	v28 =	vsel vm1, v48, v8;
	v47, v34, _ =	vpop (xrf1);
	vm2 =	vge.f32 v36, v37;
	(pc) =	sbr.rel @p0 .LBB2_2-.Ltmp0, $4  }
0xb2: {  	v8 =	vmov v13;
	v44 =	vperm.xlane v47, v4;
	v45, v33, _ =	vpop (xrf1);
	v47 =	vsel vm2, v36, v37;
	(xrf1) =	vsort.dscd.msk.f32 $0xffff, v38, v41  }
0xb3: {  	v39 =	vsel vm1, v57, v39;
	v41 =	vsel vm2, v40, v43;
	v36, _, _ =	vpop (xrf2);
	[tilespmem:v14+s8+$0x0] =	vst.idx.msk $0xff, v42;
	s19 =	spop (v2sf)  }
0xb4: {  	v40 =	vperm.xlane v34, v4;
	vm1 =	vge.f32 v46, v44;
	v34, v37, _ =	vpop (xrf1);
	(v2sf) =	vpush v36, $0xF;
	[tilespmem:v14+s9+$0x0] =	vst.idx.msk $0xff, v6;
	s20 =	sadd.f32 $9.999999710e-10, s19  }
0xb5: {  	v38 =	vperm.xlane v45, v4;
	v6 =	vmov v24;
	v36 =	vsel vm1, v46, v44;
	(xrf1) =	vsort.dscd.msk.f32 $0xffff, v47, v41;
	v14, v13, _ =	vpop (xrf1)  }
0xb6: {  	_ = 	snop  }
0xb7: {  	(xrf1) =	vsort.dscd.msk.f32 $0xffff, v28, v39;
	v28, v24, _ =	vpop (xrf1)  }
0xb8: {  	(xrf1) =	vsort.dscd.msk.f32 $0xffff, v31, v35;
	v31, v35, _ =	vpop (xrf1)  }
0xb9: {  	(xrf1) =	vsort.dscd.msk.f32 $0xffff, v27, v1;
	v45, v41, _ =	vpop (xrf1)  }
0xba: {  	v46 =	vperm.xlane v33, v4;
	v31 =	vperm.xlane v31, v4;
	(xrf1) =	vsort.dscd.msk.f32 $0xffff, v30, v0;
	v47, v42, _ =	vpop (xrf1)  }
0xbb: {  	v48 =	vsel vm1, v32, v40;
	v49 =	vperm.xlane v35, v4;
	(xrf1) =	vsort.dscd.msk.f32 $0xffff, v25, v0;
	v35, v40, _ =	vpop (xrf1)  }
0xbc: {  	vm1 =	vge.f32 v45, v38;
	vm2 =	vge.f32 v47, v31;
	(xrf1) =	vsort.dscd.msk.f32 $0xffff, v36, v48;
	v50, v43, _ =	vpop (xrf1)  }
0xbd: {  	v52 =	vsel vm1, v45, v38;
	v55 =	vsel vm1, v41, v46;
	(xrf1) =	vsort.dscd.msk.f32 $0xffff, v22, v1;
	v54, v53, _ =	vpop (xrf1)  }
0xbe: {  	v51 =	vsel vm2, v47, v31;
	(xrf1) =	vsort.dscd.msk.f32 $0xffff, v29, v21;
	v56 =	vperm.xlane v54, v4  }
0xbf: {  	v57 =	vsel vm2, v42, v49;
	v58 =	vperm.xlane v53, v4;
	(xrf1) =	vsort.dscd.msk.f32 $0xffff, v52, v55  }
0xc0: {  	(xrf1) =	vsort.dscd.msk.f32 $0xffff, v51, v57;
	vm1 =	vge.f32 v50, v56  }
0xc1: {  	v59 =	vsel vm1, v50, v56;
	v60 =	vsel vm1, v43, v58  }
0xc2: {  	v29, v30, _ =	vpop (xrf1);
	(xrf1) =	vsort.dscd.msk.f32 $0xffff, v59, v60  }
0xc3: {  	v62, v61, _ =	vpop (xrf1)  }
0xc4: {  	v25, v21, _ =	vpop (xrf1)  }
0xc5: {  	v26 =	vperm.xlane v26, v4;
	v63, v48, _ =	vpop (xrf1)  }
0xc6: {  	v27, v22, _ =	vpop (xrf1)  }
0xc7: {  	v23 =	vperm.xlane v23, v4;
	vm2 =	vge.f32 v35, v26;
	v38, v39, _ =	vpop (xrf1)  }
0xc8: {  	v34 =	vperm.xlane v34, v4;
	v37 =	vperm.xlane v37, v4;
	v26 =	vsel vm2, v35, v26;
	v49, v50, _ =	vpop (xrf1)  }
0xc9: {  	v19 =	vperm.xlane v19, v4;
	v23 =	vsel vm2, v40, v23;
	v51, v44, _ =	vpop (xrf1)  }
0xca: {  	v18 =	vperm.xlane v18, v4;
	vm1 =	vge.f32 v62, v34;
	v52, v45, _ =	vpop (xrf1)  }
0xcb: {  	v31 =	vsel vm1, v62, v34;
	vm2 =	vge.f32 v63, v19;
	v53, v54, _ =	vpop (xrf1)  }
0xcc: {  	(xrf1) =	vsort.dscd.msk.f32 $0xffff, v26, v23;
	v19 =	vsel vm2, v63, v19;
	v18 =	vsel vm2, v48, v18;
	v23, v26, _ =	vpop (xrf1)  }
0xcd: {  	v32 =	vsel vm1, v61, v37;
	v55 =	vperm.xlane v38, v4;
	(xrf1) =	vsort.dscd.msk.f32 $0xffff, v19, v18;
	v36, v37, _ =	vpop (xrf1)  }
0xce: {  	v56 =	vperm.xlane v20, v4;
	v57 =	vperm.xlane v39, v4;
	(xrf1) =	vsort.dscd.msk.f32 $0xffff, v31, v32;
	v58, v59, _ =	vpop (xrf1)  }
0xcf: {  	vm1 =	vge.f32 v16, v55;
	v60 =	vperm.xlane v53, v4;
	v20 =	vperm.xlane v58, v4  }
0xd0: {  	v17 =	vsel vm1, v17, v57;
	v16 =	vsel vm1, v16, v55;
	v31 =	vperm.xlane v59, v4;
	v61, v62, _ =	vpop (xrf1)  }
0xd1: {  	v63 =	vperm.xlane v54, v4;
	vm1 =	vge.f32 v51, v60;
	vm2 =	vge.f32 v61, v20  }
0xd2: {  	(xrf1) =	vsort.dscd.msk.f32 $0xffff, v16, v17;
	v19 =	vsel vm2, v61, v20;
	v38 =	vsel vm2, v62, v31  }
0xd3: {  	v39 =	vsel vm1, v51, v60;
	v40 =	vsel vm1, v44, v63;
	(xrf1) =	vsort.dscd.msk.f32 $0xffff, v19, v38  }
0xd4: {  	v15 =	vperm.xlane v15, v4;
	v43 =	vperm.xlane v29, v4;
	(xrf1) =	vsort.dscd.msk.f32 $0xffff, v39, v40  }
0xd5: {  	v44 =	vperm.xlane v30, v4;
	vm1 =	vge.f32 v23, v56  }
0xd6: {  	v18 =	vsel vm1, v23, v56;
	v15 =	vsel vm1, v26, v15;
	vm2 =	vge.f32 v49, v43  }
0xd7: {  	v17 =	vsel vm2, v50, v44;
	v16 =	vsel vm2, v49, v43;
	(xrf1) =	vsort.dscd.msk.f32 $0xffff, v18, v15  }
0xd8: {  	(xrf1) =	vsort.dscd.msk.f32 $0xffff, v16, v17;
	_ =	sdelay $0x4  }
0xd9: {  	v47, v46, _ =	vpop (xrf1)  }
0xda: {  	v19, v16, _ =	vpop (xrf1)  }
0xdb: {  	v23, v18, _ =	vpop (xrf1)  }
0xdc: {  	v49, v48, _ =	vpop (xrf1)  }
0xdd: {  	v51 =	vperm.xlane v52, v4;
	v17, v15, _ =	vpop (xrf1)  }
0xde: {  	v55 =	vperm.xlane v45, v4;
	v52 =	vnsel vm0, $0x0, v28;
	v50 =	vperm.xlane v47, v4;
	v53, v54, _ =	vpop (xrf1)  }
0xdf: {  	v57 =	vperm.xlane v36, v4;
	(xrf2) =	vadd.scan.msk.f32 $0xffff, v52;
	v56 =	vperm.xlane v46, v4;
	vm2 =	vge.f32 v53, v51  }
0xe0: {  	vm1 =	vge.f32 v49, v50;
	v31 =	vsel vm2, v53, v51;
	v58 =	vsel vm2, v54, v55  }
0xe1: {  	v30 =	vsel vm1, v49, v50;
	v29 =	vsel vm1, v48, v56;
	v26, v20, _ =	vpop (xrf1);
	(xrf1) =	vsort.dscd.msk.f32 $0xffff, v31, v58  }
0xe2: {  	v59 =	vnsel vm0, $0x0, v14;
	v61 =	vperm.xlane v37, v4;
	v60, v34, _ =	vpop (xrf1);
	(xrf1) =	vsort.dscd.msk.f32 $0xffff, v30, v29  }
0xe3: {  	(xrf2) =	vadd.scan.msk.f32 $0xffff, v59;
	v62 =	vnsel vm0, $0x0, v27;
	vm1 =	vge.f32 v60, v57  }
0xe4: {  	(xrf2) =	vadd.scan.msk.f32 $0xffff, v62;
	v63 =	vsel vm1, v60, v57;
	v29 =	vsel vm1, v34, v61  }
0xe5: {  	(xrf1) =	vsort.dscd.msk.f32 $0xffff, v63, v29  }
0xe6: {  	v33 =	vnsel vm0, $0x0, v25  }
0xe7: {  	(xrf2) =	vadd.scan.msk.f32 $0xffff, v33;
	v34 =	vnsel vm0, $0x0, v23  }
0xe8: {  	(xrf2) =	vadd.scan.msk.f32 $0xffff, v34  }
0xe9: {  	v35, _, _ =	vpop (xrf2)  }
0xea: {  	v36 =	vnsel vm0, $0x0, v19;
	(v2sf) =	vpush v35, $0xF  }
0xeb: {  	(xrf2) =	vadd.scan.msk.f32 $0xffff, v36  }
0xec: {  	v37 =	vnsel vm0, $0x0, v26  }
0xed: {  	v38, _, _ =	vpop (xrf2);
	(xrf2) =	vadd.scan.msk.f32 $0xffff, v37  }
0xee: {  	(v2sf) =	vpush v38, $0xF;
	v39, _, _ =	vpop (xrf2)  }
0xef: {  	(v2sf) =	vpush v39, $0xF;
	v40 =	vnsel vm0, $0x0, v17;
	v30, v29, _ =	vpop (xrf1)  }
0xf0: {  	s14 =	spop (v2sf);
	(xrf2) =	vadd.scan.msk.f32 $0xffff, v40;
	v34, v31, _ =	vpop (xrf1)  }
0xf1: {  	s14 =	sadd.f32 $9.999999710e-10, s14;
	v47 =	vmov s20;
	v41, _, _ =	vpop (xrf2);
	v42 =	vnsel vm0, $0x0, v34  }
0xf2: {  	(erf) = vrcp.f32 v47;
	v43, _, _ =	vpop (xrf2);
	(xrf2) =	vadd.scan.msk.f32 $0xffff, v42  }
0xf3: {  	s18 =	spop (v2sf);
	(v2sf) =	vpush v41, $0xF;
	v49 =	vmov s14;
	v44 =	vnsel vm0, $0x0, v30;
	v33, v32, _ =	vpop (xrf1)  }
0xf4: {  	s18 =	sadd.f32 $9.999999710e-10, s18;
	(erf) = vrcp.f32 v49;
	(v2sf) =	vpush v43, $0xF;
	v45 =	vnsel vm0, $0x0, v33;
	(xrf2) =	vadd.scan.msk.f32 $0xffff, v44  }
0xf5: {  	v46, _, _ =	vpop (xrf2);
	(xrf2) =	vadd.scan.msk.f32 $0xffff, v45  }
0xf6: {  	v51 =	vmov s18;
	(v2sf) =	vpush v46, $0xF  }
0xf7: {  	(erf) = vrcp.f32 v51;
	v48, _, _ =	vpop (xrf2)  }
0xf8: {  	s24 =	spop (v2sf);
	(v2sf) =	vpush v48, $0xF  }
0xf9: {  	s14 =	sadd.f32 $9.999999710e-10, s24;
	s25 =	spop (v2sf)  }
0xfa: {  	s18 =	sadd.f32 $9.999999710e-10, s25;
	v50, _, _ =	vpop (xrf2)  }
0xfb: {  	v56 =	vor.u32 s17, v0;
	v53 =	vmov s14;
	v58 =	vpop (erf);
	(v2sf) =	vpush v50, $0xF  }
0xfc: {  	(erf) = vrcp.f32 v53;
	v54 =	vmov s18;
	v52, _, _ =	vpop (xrf2)  }
0xfd: {  	s26 =	spop (v2sf);
	v63 =	vpop (erf);
	(erf) = vrcp.f32 v54;
	(v2sf) =	vpush v52, $0xF  }
0xfe: {  	v12 =	vmul.f32 v58, v12;
	s14 =	sadd.f32 $9.999999710e-10, s26;
	s28 =	spop (v2sf);
	v55, _, _ =	vpop (xrf2)  }
0xff: {  	s17 =	sadd.f32 $9.999999710e-10, s28;
	(v2sf) =	vpush v55, $0xF;
	v57, _, _ =	vpop (xrf2)  }
0x100: {  	v61 =	vor.u32 s15, v0;
	[tilespmem:v56+s8+$0x0] =	vst.idx.msk $0xff, v12;
	v60 =	vmov s14;
	v42 =	vpop (erf);
	(v2sf) =	vpush v57, $0xF  }
0x101: {  	[tilespmem:v56+s9+$0x0] =	vst.idx.msk $0xff, v5;
	(erf) = vrcp.f32 v60;
	v62 =	vmov s17;
	v5 =	vmul.f32 v42, v11  }
0x102: {  	v59 =	vor.u32 s16, v0;
	s29 =	spop (v2sf);
	(erf) = vrcp.f32 v62  }
0x103: {  	s13 =	sshll.u32 s13, $0x7;
	s14 =	sadd.f32 $9.999999710e-10, s29;
	s30 =	spop (v2sf)  }
0x104: {  	s17 =	sadd.s32 $0x180, s13;
	v43 =	vor.u32 s13, v0;
	s15 =	sadd.f32 $9.999999710e-10, s30  }
0x105: {  	v10 =	vmul.f32 v63, v10;
	v46 =	vor.u32 s17, v0;
	v44 =	vmov s14;
	[tilespmem:v61+s8+$0x0] =	vst.idx.msk $0xff, v5;
	v5 =	vpop (erf);
	s31 =	spop (v2sf)  }
0x106: {  	(erf) = vrcp.f32 v44;
	v5 =	vmul.f32 v5, v7;
	v7 =	vpop (erf);
	s14 =	sadd.f32 $9.999999710e-10, s31;
	v45 =	vmov s15  }
0x107: {  	[tilespmem:v59+s8+$0x0] =	vst.idx.msk $0xff, v10;
	v7 =	vmul.f32 v7, v28;
	s18 =	spop (v2sf);
	(erf) = vrcp.f32 v45  }
0x108: {  	s19 =	sadd.s32 $0x100, s13;
	[tilespmem:v59+s9+$0x0] =	vst.idx.msk $0xff, v8;
	s13 =	sadd.s32 $0x80, s13;
	s15 =	sadd.f32 $9.999999710e-10, s18;
	v48 =	vmov s14  }
0x109: {  	[tilespmem:v43+s8+$0x0] =	vst.idx.msk $0xff, v5;
	v5 =	vor.u32 s13, v0;
	(erf) = vrcp.f32 v48  }
0x10a: {  	v47 =	vor.u32 s19, v0;
	[tilespmem:v43+s9+$0x0] =	vst.idx.msk $0xff, v6;
	v6 =	vpop (erf);
	s20 =	spop (v2sf);
	v49 =	vmov s15  }
0x10b: {  	[tilespmem:v46+s8+$0x0] =	vst.idx.msk $0xff, v7;
	v6 =	vmul.f32 v6, v14;
	v7 =	vpop (erf);
	s21 =	sadd.f32 $9.999999710e-10, s20;
	(erf) = vrcp.f32 v49  }
0x10c: {  	s12 =	sshll.u32 s12, $0x7;
	[tilespmem:v61+s9+$0x0] =	vst.idx.msk $0xff, v9;
	v7 =	vmul.f32 v7, v27;
	s22 =	spop (v2sf)  }
0x10d: {  	s24 =	sadd.s32 $0x180, s12;
	v50 =	vor.u32 s12, v0;
	[tilespmem:v46+s9+$0x0] =	vst.idx.msk $0xff, v24;
	v51 =	vmov s21;
	s23 =	sadd.f32 $9.999999710e-10, s22  }
0x10e: {  	[tilespmem:v5+s8+$0x0] =	vst.idx.msk $0xff, v7;
	v7 =	vor.u32 s24, v0;
	(erf) = vrcp.f32 v51;
	s25 =	spop (v2sf)  }
0x10f: {  	[tilespmem:v47+s8+$0x0] =	vst.idx.msk $0xff, v6;
	v6 =	vpop (erf);
	s26 =	sadd.f32 $9.999999710e-10, s25;
	s28 =	spop (v2sf);
	v52 =	vmov s23  }
0x110: {  	s29 =	sadd.s32 $0x100, s12;
	[tilespmem:v47+s9+$0x0] =	vst.idx.msk $0xff, v13;
	v6 =	vmul.f32 v6, v25;
	v53 =	vpop (erf);
	s13 =	sadd.f32 $9.999999710e-10, s28;
	(erf) = vrcp.f32 v52  }
0x111: {  	v54 =	vor.u32 s29, v0;
	s12 =	sadd.s32 $0x80, s12;
	[tilespmem:v5+s9+$0x0] =	vst.idx.msk $0xff, v22;
	v5 =	vmul.f32 v53, v23;
	v55 =	vmov s26  }
0x112: {  	[tilespmem:v50+s8+$0x0] =	vst.idx.msk $0xff, v6;
	v6 =	vor.u32 s12, v0;
	v57 =	vpop (erf);
	(erf) = vrcp.f32 v55;
	v56 =	vmov s13  }
0x113: {  	[tilespmem:v7+s8+$0x0] =	vst.idx.msk $0xff, v5;
	v5 =	vmul.f32 v57, v19;
	(erf) = vrcp.f32 v56  }
0x114: {  	s11 =	sshll.u32 s11, $0x7;
	[tilespmem:v50+s9+$0x0] =	vst.idx.msk $0xff, v21;
	v58 =	vpop (erf)  }
0x115: {  	v59 =	vor.u32 s11, v0;
	[tilespmem:v7+s9+$0x0] =	vst.idx.msk $0xff, v18;
	v7 =	vmul.f32 v58, v26  }
0x116: {  	s30 =	sadd.s32 $0x180, s11;
	[tilespmem:v54+s8+$0x0] =	vst.idx.msk $0xff, v5  }
0x117: {  	[tilespmem:v6+s8+$0x0] =	vst.idx.msk $0xff, v7;
	v7 =	vor.u32 s30, v0;
	v5 =	vpop (erf)  }
0x118: {  	s31 =	sadd.s32 $0x100, s11;
	[tilespmem:v54+s9+$0x0] =	vst.idx.msk $0xff, v16;
	v5 =	vmul.f32 v5, v17  }
0x119: {  	s11 =	sadd.s32 $0x80, s11;
	[tilespmem:v6+s9+$0x0] =	vst.idx.msk $0xff, v20;
	v6 =	vor.u32 s31, v0;
	v60 =	vpop (erf)  }
0x11a: {  	v61 =	vor.u32 s11, v0;
	[tilespmem:v59+s8+$0x0] =	vst.idx.msk $0xff, v5;
	v5 =	vmul.f32 v60, v34  }
0x11b: {  	[tilespmem:v59+s9+$0x0] =	vst.idx.msk $0xff, v15;
	v62 =	vpop (erf)  }
0x11c: {  	v63 =	vpop (erf);
	[tilespmem:v7+s8+$0x0] =	vst.idx.msk $0xff, v5;
	v5 =	vmul.f32 v62, v30  }
0x11d: {  	[tilespmem:v7+s9+$0x0] =	vst.idx.msk $0xff, v31;
	v7 =	vmul.f32 v63, v33  }
0x11e: {  	[tilespmem:v6+s8+$0x0] =	vst.idx.msk $0xff, v5  }
0x11f: {  	[tilespmem:v61+s8+$0x0] =	vst.idx.msk $0xff, v7  }
0x120: {  	[tilespmem:v6+s9+$0x0] =	vst.idx.msk $0xff, v29  }
0x121: {  	[tilespmem:v61+s9+$0x0] =	vst.idx.msk $0xff, v32  }
0x122: {  	[hbm4b:s4+s2] =	stream.linear.scatter [tilespmem:s9], [sflag:$0x1], $0x6000, $0x38;
	[tilespmem:$0x12000] =	vst v63  }
0x123: {  	s10 =	sadd.s32 $0x1, s10;
	_ =	swait.ge [sflag:s7], $0x6000  }
0x124: {  	p0 =	sne.s32 s10, s6;
	[sflag:s7] =	ssyncset.done $0x0  }
.Ltmp1:
0x125: {  	[sflag:s7] =	ssyncadd.s32 $0xFFFFA000;
	(pc) =	sbr.rel @p0 .LBB2_1-.Ltmp1, $4  }
0x126: {  	[hbm4b:s5+s2] =	stream.linear.scatter [tilespmem:s8], [sflag:$0x1], $0x6000, $0x38;
	[tilespmem:$0x12000] =	vst v63  }
0x127: {  	_ =	swait.ge [sflag:s7], $0x6000  }
0x128: {  	[sflag:s7] =	ssyncset.done $0x0  }
0x129: {  	[sflag:s7] =	ssyncadd.s32 $0xFFFFA000  }
0x12a: {  	_ =	sfence.sel $0x180000  }
0x12b: {  	[bflag:$0x0] =	sbarrier.arrive $0xFFFF  }
0x12c: {  	p0 =	sne.s32 s0, $0x0;
	_ =	strace $0x9000004D  }
0x12d: {  	s0 =	sadd.s32 @!p0 $0x100000, s1;
	[bflag:$0x2] =	sbarrier.arrive $0xFFFF  }
0x12e: {  	[sflag:s0] =	ssyncadd.tile.s32 @!p0 $0x1;
	_ =	shalt  }
.Lfunc_end2:
_tile_overlayer_lowered:
.L_overlay_start_2:
0x12f: {  	(tag) =	ssettag $0x2  }
0x130: {  	s0 =	rddreg [dreg:$0x0];
	s2 =	stileid.u32  }
0x131: {  	s1 =	rddreg [dreg:$0x1];
	p0 =	sne.s32 s2, $0x0  }
0x132: {  	s3 =	rddreg [dreg:$0x2];
	[bflag:$0x3] =	sbarrier.arrive $0xFFFF;
	s2 =	simm.s32 @!p0 $0x1C01  }
0x133: {  	[timem:s3], [sflag:s2] =	dma.local @!p0 [hbm:s0], s1  }
0x134: {  	s0 =	simm.s32 @!p0 $0x1  }
0x135: {  	_ =	swait.ge @!p0 [sflag:s0], s1  }
0x136: {  	s1 =	ssub.s32 @!p0 $0x0, s1;
	[sflag:s0] =	ssyncset.done @!p0 $0x0  }
0x137: {  	[sflag:s0] =	ssyncadd.s32 @!p0 s1  }
0x138: {  	[bflag:$0x3] =	sbarrier.arrive $0xFFFF  }
0x139: {  	_ =	shalt  }

// kernel: _router.14.cloned.1.call-start
scs
__scs_entry_jumppad:
0x0: {  	(pc) =	sbr.rel $0x88, $3  }
0x1: {  	(tag) =	ssettag $0x0;
	lr =	simm.s32 $0x1  }
0x2: {  	[smem:$0x3F9F] =	sst lr;
	_ =	strace $0xD0000000  }
0x3: {  	_ = 	snop  }
0x4: {  	_ = 	snop  }
0x5: {  	_ = 	snop  }
0x6: {  	_ = 	snop  }
0x7: {  	_ = 	snop  }
__scs_overlays_trampoline_lowered:
0x8: {  	[smem:$0x3FAE] =	sst s0  }
0x9: {  	[smem:$0x3FAF] =	sst s1  }
0xa: {  	[smem:$0x3FB0] =	sst s2  }
0xb: {  	[smem:$0x3FB1] =	sst s3  }
0xc: {  	[smem:$0x3FB2] =	sst s4  }
0xd: {  	[smem:$0x3FB3] =	sst s5  }
0xe: {  	[smem:$0x3FB4] =	sst s6  }
0xf: {  	[smem:$0x3FB5] =	sst s7  }
0x10: {  	[smem:$0x3FB6] =	sst s8  }
0x11: {  	[smem:$0x3FB7] =	sst s9;
	s0 =	simm.s32 @!p0 $0x0  }
0x12: {  	s1 =	sld [smem:$0x3F9D];
	s0 =	simm.s32 @p0 $0x1  }
0x13: {  	[smem:$0x3FB8] =	sst s0;
	s0 =	simm.s32 @!p1 $0x0  }
0x14: {  	s2 =	sld [smem:$0x3F9C];
	s0 =	simm.s32 @p1 $0x1  }
0x15: {  	[smem:$0x3FB9] =	sst s0;
	s0 =	simm.s32 @!p2 $0x0  }
0x16: {  	s3 =	sld [smem:$0x3FDB];
	s0 =	simm.s32 @p2 $0x1  }
0x17: {  	s4 =	simm.s32 $0x1BF5;
	[smem:$0x3FBB] =	sst s0  }
0x18: {  	s0 =	sld [smem:$0x3F9E];
	_ =	swait.ge [sflag:s4], $0x0  }
0x19: {  	s7 =	sld [smem:$0x3F9F]  }
0x1a: {  	s8 =	sadd.s32 $0xFFFFE003, lr  }
0x1b: {  	s9 =	sadd.s32 $0xFFFFFEF7, lr;
	s5 =	simm.s32 $0xFFFFFFFF;
	p2 =	slt.u32 s8, $0xFFFFF086  }
0x1c: {  	p1 =	slt.u32 s9, $0xF7A;
	s5 =	simm.s32 @!p2 $0x0  }
0x1d: {  	s5 =	simm.s32 @p1 $0x1;
	p0 =	seq.s32 s7, s2  }
0x1e: {  	s7 =	smul.u32 @!p0 $0xF7A, s2;
	p2 =	seq.s32 @!p0 s5, $0x0  }
0x1f: {  	s9 =	smul.u32 $0xF7A, s1;
	s8 =	simm.s32 @!p0 $0x1BF5;
	p2 =	por !p2, p0  }
0x20: {  	[sflag:s8] =	ssyncset.s32 @!p0 $0xFFFFF086;
	s6 =	sadd.s32 @!p0 s3, s7;
	s7 =	simm.s32 @!p0 $0x108  }
0x21: {  	s3 =	sadd.s32 s3, s9;
	s6 =	sadd.s32 @!p0 $0x88, s6;
	s7 =	simm.s32 @p2 $0x1082  }
0x22: {  	[simem:s7], [sflag:s8] =	dma.local @!p0 [hbm:s6], $0xF7A  }
0x23: {  	s9 =	sor.u32 $0xD0000000, s2;
	s6 =	simm.s32 $0x108;
	_ =	swait.ge @!p0 [sflag:s8], $0x0  }
0x24: {  	s3 =	sadd.s32 $0x88, s3;
	s6 =	simm.s32 @!p1 $0x1082;
	[sflag:s4] =	ssyncset.s32 $0xFFFFF086  }
0x25: {  	[simem:s6], [sflag:s4] =	dma.local [hbm:s3], $0xF7A  }
0x26: {  	[smem:$0x3F9F] =	sst s1;
	(tag) =	ssettag s2;
	_ =	strace s9  }
0x27: {  	s1 =	sld [smem:$0x3FAF]  }
0x28: {  	s2 =	sld [smem:$0x3FB0]  }
0x29: {  	s4 =	sld [smem:$0x3FB2]  }
0x2a: {  	p0 =	seq.s32 s5, $0x0;
	s5 =	sld [smem:$0x3FB3]  }
0x2b: {  	s6 =	sld [smem:$0x3FB4]  }
0x2c: {  	s7 =	sld [smem:$0x3FB5]  }
0x2d: {  	s3 =	simm.s32 $0x108;
	s8 =	sld [smem:$0x3FB6]  }
0x2e: {  	s3 =	simm.s32 @!p0 $0x1082;
	s9 =	sld [smem:$0x3FB7]  }
0x2f: {  	lr =	sadd.s32 s0, s3;
	s0 =	sld [smem:$0x3FAE]  }
0x30: {  	s3 =	sld [smem:$0x3FB1]  }
0x31: {  	[smem:$0x3FBA] =	sst s10  }
0x32: {  	s10 =	sld [smem:$0x3FB8];
	_ =	sdelay $0x3  }
0x33: {  	p0 =	seq.s32 s10, $0x1;
	s10 =	sld [smem:$0x3FBA];
	_ =	sdelay $0x3  }
0x34: {  	[smem:$0x3FBA] =	sst s10  }
0x35: {  	s10 =	sld [smem:$0x3FB9];
	_ =	sdelay $0x3  }
0x36: {  	p1 =	seq.s32 s10, $0x1;
	s10 =	sld [smem:$0x3FBA];
	_ =	sdelay $0x3  }
0x37: {  	[smem:$0x3FBA] =	sst s10  }
0x38: {  	s10 =	sld [smem:$0x3FBB]  }
0x39: {  	_ = 	snop;
	(pc) =	sbr.ind lr, $3  }
0x3a: {  	_ = 	snop  }
0x3b: {  	_ = 	snop  }
0x3c: {  	p2 =	seq.s32 s10, $0x1;
	s10 =	sld [smem:$0x3FBA]  }
0x3d: {  	_ =	shalt  }
0x3e: {  	_ =	shalt  }
0x3f: {  	_ =	shalt  }
0x40: {  	_ =	shalt  }
0x41: {  	_ =	shalt  }
0x42: {  	_ =	shalt  }
0x43: {  	_ =	shalt  }
0x44: {  	_ =	shalt  }
0x45: {  	_ =	shalt  }
0x46: {  	_ =	shalt  }
0x47: {  	_ =	shalt  }
0x48: {  	_ =	shalt  }
0x49: {  	_ =	shalt  }
0x4a: {  	_ =	shalt  }
0x4b: {  	_ =	shalt  }
0x4c: {  	_ =	shalt  }
0x4d: {  	_ =	shalt  }
0x4e: {  	_ =	shalt  }
0x4f: {  	_ =	shalt  }
0x50: {  	_ =	shalt  }
0x51: {  	_ =	shalt  }
0x52: {  	_ =	shalt  }
0x53: {  	_ =	shalt  }
0x54: {  	_ =	shalt  }
0x55: {  	_ =	shalt  }
0x56: {  	_ =	shalt  }
0x57: {  	_ =	shalt  }
0x58: {  	_ =	shalt  }
0x59: {  	_ =	shalt  }
0x5a: {  	_ =	shalt  }
0x5b: {  	_ =	shalt  }
0x5c: {  	_ =	shalt  }
0x5d: {  	_ =	shalt  }
0x5e: {  	_ =	shalt  }
0x5f: {  	_ =	shalt  }
0x60: {  	_ =	shalt  }
0x61: {  	_ =	shalt  }
0x62: {  	_ =	shalt  }
0x63: {  	_ =	shalt  }
0x64: {  	_ =	shalt  }
0x65: {  	_ =	shalt  }
0x66: {  	_ =	shalt  }
0x67: {  	_ =	shalt  }
0x68: {  	_ =	shalt  }
0x69: {  	_ =	shalt  }
0x6a: {  	_ =	shalt  }
0x6b: {  	_ =	shalt  }
0x6c: {  	_ =	shalt  }
0x6d: {  	_ =	shalt  }
0x6e: {  	_ =	shalt  }
0x6f: {  	_ =	shalt  }
0x70: {  	_ =	shalt  }
0x71: {  	_ =	shalt  }
0x72: {  	_ =	shalt  }
0x73: {  	_ =	shalt  }
0x74: {  	_ =	shalt  }
0x75: {  	_ =	shalt  }
0x76: {  	_ =	shalt  }
0x77: {  	_ =	shalt  }
0x78: {  	_ =	shalt  }
0x79: {  	_ =	shalt  }
0x7a: {  	_ =	shalt  }
0x7b: {  	_ =	shalt  }
0x7c: {  	_ =	shalt  }
0x7d: {  	_ =	shalt  }
0x7e: {  	_ =	shalt  }
0x7f: {  	_ =	shalt  }
0x80: {  	_ =	shalt  }
0x81: {  	_ =	shalt  }
0x82: {  	_ =	shalt  }
0x83: {  	_ =	shalt  }
0x84: {  	_ =	shalt  }
0x85: {  	_ =	shalt  }
0x86: {  	_ =	shalt  }
0x87: {  	_ =	shalt  }
.Lfunc_end0:
.L_simem_size_0:
called_computation.2_lowered:
.L_overlay_start_0:
0x88: {  	s2 =	sld [smem:$0x3FD9]  }
0x89: {  	s3 =	sld [smem:$0x3FFE];
	_ =	sdelay $0x1  }
0x8a: {  	s1 =	srdreg.scid  }
0x8b: {  	s0 =	sand.u32 $0x1, s1  }
0x8c: {  	s16 =	sshll.u32 s0, $0xA;
	s2 =	sadd.s32 s3, s2  }
0x8d: {  	s2 =	sadd.s32 s2, s16  }
0x8e: {  	[smem:$0x3FC6] =	sst s2  }
0x8f: {  	_ = 	snop  }
0x90: {  	(tm) =	ssettm $0x1  }
0x91: {  	s17 =	sld [smem:$0x3FFB];
	_ =	sdelay $0x3  }
0x92: {  	_ =	strace s17  }
0x93: {  	s2 =	sld [smem:$0x3FFC];
	_ =	sdelay $0x3  }
0x94: {  	_ =	strace s2  }
0x95: {  	s2 =	sld [smem:$0x3FFD];
	_ =	sdelay $0x3  }
0x96: {  	_ =	strace s2  }
0x97: {  	_ =	strace $0x8FFFFFFF  }
0x98: {  	s18 =	sld [smem:$0x3FDB];
	_ =	sdelay $0x1  }
0x99: {  	s19 =	simm.s32 $_scs_section_size  }
0x9a: {  	s4 =	simm.s32 $_size__tile_overlayer_lowered;
	s5 =	simm.s32 $_tile_overlayer_lowered  }
0x9b: {  	s22 =	simm.s32 $0x1BFF;
	s21 =	sshll.u32 s5, $0x1;
	s2 =	sadd.s32 s19, s18  }
0x9c: {  	s6 =	simm.s32 $0x0;
	s20 =	sshll.u32 s4, $0x1;
	s4 =	sadd.s32 s21, s2  }
0x9d: {  	[timem:s6], [sflag:s22] =	dma.local [hbm:s4], s20  }
0x9e: {  	_ =	swait.ge [sflag:s22], s20  }
0x9f: {  	s3 =	ssub.s32 $0x0, s20;
	[sflag:s22] =	ssyncset.done $0x0  }
0xa0: {  	[sflag:s22] =	ssyncadd.s32 s3;
	_ =	sdelay $0x1  }
0xa1: {  	s23 =	simm.s32 $0x1B8B  }
0xa2: {  	_ =	swait.ge [sflag:s23], $0x1  }
0xa3: {  	[sflag:s23] =	ssyncset.done $0x0  }
0xa4: {  	s25 =	simm.s32 $0x1B8E;
	s24 =	sld [smem:$0x3FFE];
	[sflag:s23] =	ssyncadd.s32 $0xFFFFFFFF  }
0xa5: {  	s26 =	simm.s32 $execute0_lowered;
	[smem:$0x3FD2] =	sst s25  }
0xa6: {  	s4 =	sshll.u32 s26, $0x1;
	_ =	strace $0x80000046;
	[dreg:$0x1] =	wrdreg $0xFFFFFFFF  }
0xa7: {  	s28 =	simm.s32 $_size_execute0_lowered;
	s2 =	sadd.s32 s2, s4;
	[dreg:$0x0] =	wrdreg $0x0  }
0xa8: {  	s4 =	sshll.u32 s28, $0x1;
	[dreg:$0x2] =	wrdreg s2  }
0xa9: {  	[dreg:$0x3] =	wrdreg s4  }
0xaa: {  	[dreg:$0x4] =	wrdreg $0xC0  }
0xab: {  	_ =	task [dreg:s6], $0x5FFFF  }
0xac: {  	[dreg:$0x1] =	wrdreg $0xFFFFFFFF  }
0xad: {  	[dreg:$0x0] =	wrdreg $0x60  }
0xae: {  	[dreg:$0x2] =	wrdreg s24  }
0xaf: {  	[dreg:$0x3] =	wrdreg $0xB  }
0xb0: {  	_ =	task.clear_ibuf [dreg:s6], $0x4FFFF;
	_ =	strace $0x90000046  }
0xb1: {  	s29 =	simm.s32 $0xB;
	_ =	strace $0x80000048  }
0xb2: {  	_ =	swait.ge [sflag:s29], $0x1  }
0xb3: {  	[sflag:s29] =	ssyncadd.s32 $0xFFFFFFFF  }
0xb4: {  	_ =	strace $0x90000048  }
0xb5: {  	_ =	sfence  }
0xb6: {  	s30 =	sld [smem:$0x0];
	_ =	sdelay $0x2  }
0xb7: {  	s31 =	sshll.u32 s1, $0xD;
	s1 =	sshrl.u32 s1, $0x2  }
0xb8: {  	s3 =	sand.u32 $0x4000, s31;
	s1 =	sadd.s32 s1, s30  }
0xb9: {  	s0 =	sor.u32 s3, s0;
	s1 =	sshll.u32 s1, $0x11  }
0xba: {  	s0 =	sor.u32 s1, s0  }
0xbb: {  	s0 =	sadd.s32 $0x8F2B, s0  }
0xbc: {  	[sflag:s0] =	ssyncadd.remote.s32 $0x1  }
0xbd: {  	_ =	sfence.sel $0xFFFF  }
0xbe: {  	[dreg:$0x0] =	wrdreg $0xFFFFFFFF;
	(pc) =	sbr.abs _section_cstart, $3  }
0xbf: {  	[dreg:$0x1] =	wrdreg $0xFFFFFFFF  }
0xc0: {  	_ =	task.clear_ibuf [dreg:s6], $0x2FFFF;
	_ =	strace $0x9FFFFFFF  }
0xc1: {  	(tm) =	ssettm $0x7FFFFFFF  }
tec
execute0_lowered:
.L_overlay_start_1:
0x0: {  	(tag) =	ssettag $0x1  }
0x1: {  	s3 =	rddreg [dreg:$0x0];
	s2 =	srdreg.scid  }
0x2: {  	s0 =	rddreg [dreg:$0x1];
	s1 =	stileid.u32;
	s7 =	simm.s32 $0x1  }
0x3: {  	s8 =	simm.s32 $0x8000;
	s9 =	simm.s32 $0x4000;
	s4 =	sand.u32 $0x1, s2  }
0x4: {  	s10 =	simm.s32 $0x0;
	s5 =	sshll.u32 s1, $0xC;
	s6 =	sshll.u32 s4, $0xB  }
0x5: {  	v0 =	vlaneseq.u32;
	s2 =	simm.s32 $0x0;
	s4 =	ssub.s32 $0x2, s4;
	s5 =	sor.u32 s6, s5  }
0x6: {  	v4 =	vmul.u32 $0xFFFFFFFF, v0;
	[smem:$0x7FF] =	sst s2;
	s30 =	sshrl.u32 s4, $0x1;
	s5 =	sadd.s32 s5, s3  }
0x7: {  	vm0 =	vmmov $0xff;
	v1 =	vor.u32 $0x10, v0;
	_ =	strace $0x80000047;
	s31 =	ssub.s32 s4, s30;
	s3 =	sadd.s32 $0x3400, s5  }
0x8: {  	v2 =	vor.u32 $0x20, v0;
	v3 =	vor.u32 $0x30, v0;
	v4 =	vadd.s32 $0xF, v4;
	s4 =	sadd.s32 $0x13400, s5;
	s5 =	sadd.s32 $0x23400, s5;
	s6 =	smax.u32 s31, $0x1  }
.LBB2_1:
0x9: {  	[tilespmem:s2], [sflag:$0x1] =	stream.linear.gather [hbm4b:s3+s2], $0x4000, $0x38;
	[tilespmem:$0xC000] =	vst v63  }
0xa: {  	_ =	swait.ge [sflag:s7], $0x4000  }
0xb: {  	[sflag:s7] =	ssyncset.done $0x0  }
0xc: {  	s11 =	simm.s32 $0x100;
	[sflag:s7] =	ssyncadd.s32 $0xFFFFC000  }
0xd: {  	v5 =	vld [tilespmem:s11+$0x80]  }
0xe: {  	v6 =	vld [tilespmem:s11+$0x20]  }
0xf: {  	v7 =	vld [tilespmem:s11+$0xB0]  }
0x10: {  	v8 =	vld [tilespmem:s11+$0x30];
	_ =	sdelay $0x1  }
0x11: {  	v9 =	vld [tilespmem:s11+$0xFFFFFFB0];
	(xrf1) =	vsort.dscd.msk.f32 $0xffff, v5, v0  }
0x12: {  	v5 =	vld [tilespmem:s11+$0xFFFFFF30];
	(xrf1) =	vsort.dscd.msk.f32 $0xffff, v6, v2  }
0x13: {  	(xrf1) =	vsort.dscd.msk.f32 $0xffff, v7, v3  }
0x14: {  	(xrf1) =	vsort.dscd.msk.f32 $0xffff, v8, v3  }
0x15: {  	v6 =	vld [tilespmem:s11+$0xFFFFFFA0]  }
0x16: {  	v7 =	vld [tilespmem:s11+$0xFFFFFF20];
	(xrf1) =	vsort.dscd.msk.f32 $0xffff, v9, v3  }
0x17: {  	v8 =	vld [tilespmem:s11+$0xA0];
	(xrf1) =	vsort.dscd.msk.f32 $0xffff, v5, v3  }
0x18: {  	v9 =	vld [tilespmem:s11+$0xFFFFFF00]  }
0x19: {  	v10 =	vld [tilespmem:s11+$0xFFFFFF10]  }
0x1a: {  	(xrf1) =	vsort.dscd.msk.f32 $0xffff, v6, v2  }
0x1b: {  	(xrf1) =	vsort.dscd.msk.f32 $0xffff, v7, v2  }
0x1c: {  	(xrf1) =	vsort.dscd.msk.f32 $0xffff, v8, v2  }
0x1d: {  	(xrf1) =	vsort.dscd.msk.f32 $0xffff, v9, v0  }
0x1e: {  	(xrf1) =	vsort.dscd.msk.f32 $0xffff, v10, v1  }
0x1f: {  	v5 =	vld [tilespmem:s11+$0xFFFFFF90];
	v7, v8, _ =	vpop (xrf1)  }
0x20: {  	v9, v10, _ =	vpop (xrf1)  }
0x21: {  	v12, v13, _ =	vpop (xrf1)  }
0x22: {  	v6 =	vld [tilespmem:s11+$0x90];
	v15, v16, _ =	vpop (xrf1)  }
0x23: {  	v11 =	vld [tilespmem:s11+$0xFFFFFF80];
	v15 =	vperm.xlane v15, v4  }
0x24: {  	v14 =	vld [tilespmem:s11+$0x0];
	(xrf1) =	vsort.dscd.msk.f32 $0xffff, v5, v1;
	v5, v18, _ =	vpop (xrf1)  }
0x25: {  	v16 =	vperm.xlane v16, v4;
	v19, v20, _ =	vpop (xrf1);
	vm1 =	vge.f32 v9, v15  }
0x26: {  	s28 =	simm.s32 $0x300;
	v17 =	vld [tilespmem:s11+$0x10];
	v9 =	vsel vm1, v9, v15;
	v15 =	vperm.xlane v19, v4  }
0x27: {  	(xrf1) =	vsort.dscd.msk.f32 $0xffff, v6, v1;
	v6 =	vld [tilespmem:s28+$0x80]  }
0x28: {  	v19, v21, _ =	vpop (xrf1);
	(xrf1) =	vsort.dscd.msk.f32 $0xffff, v11, v0;
	v10 =	vsel vm1, v10, v16  }
0x29: {  	v5 =	vperm.xlane v5, v4;
	v11 =	vperm.xlane v18, v4;
	v16, v18, _ =	vpop (xrf1);
	(xrf1) =	vsort.dscd.msk.f32 $0xffff, v14, v0  }
0x2a: {  	v23 =	vld [tilespmem:s28+$0x20];
	v14 =	vperm.xlane v20, v4;
	vm1 =	vge.f32 v16, v15;
	v20, v22, _ =	vpop (xrf1);
	(xrf1) =	vsort.dscd.msk.f32 $0xffff, v9, v10  }
0x2b: {  	vm2 =	vge.f32 v19, v5;
	v9 =	vsel vm1, v16, v15;
	v16 =	vld [tilespmem:s28+$0xB0];
	v10, v15, _ =	vpop (xrf1);
	(xrf1) =	vsort.dscd.msk.f32 $0xffff, v17, v1  }
0x2c: {  	v5 =	vsel vm2, v19, v5;
	v11 =	vsel vm2, v21, v11;
	v17, v19, _ =	vpop (xrf1);
	(xrf1) =	vsort.dscd.msk.f32 $0xffff, v6, v0  }
0x2d: {  	v6 =	vsel vm1, v18, v14;
	v14 =	vperm.xlane v17, v4;
	(xrf1) =	vsort.dscd.msk.f32 $0xffff, v5, v11  }
0x2e: {  	v5 =	vperm.xlane v19, v4;
	v11 =	vld [tilespmem:s28+$0x30];
	(xrf1) =	vsort.dscd.msk.f32 $0xffff, v9, v6  }
0x2f: {  	v6 =	vld [tilespmem:s28+$0xFFFFFFB0];
	vm1 =	vge.f32 v10, v14;
	(xrf1) =	vsort.dscd.msk.f32 $0xffff, v23, v2  }
0x30: {  	v9 =	vsel vm1, v10, v14;
	(xrf1) =	vsort.dscd.msk.f32 $0xffff, v16, v3;
	v5 =	vsel vm1, v15, v5  }
0x31: {  	(xrf1) =	vsort.dscd.msk.f32 $0xffff, v9, v5;
	v5 =	vld [tilespmem:s28+$0xFFFFFF30];
	v9 =	vperm.xlane v12, v4  }
0x32: {  	v10 =	vld [tilespmem:s28+$0xFFFFFFA0];
	v12 =	vperm.xlane v13, v4  }
0x33: {  	v14 =	vld [tilespmem:s28+$0xFFFFFF20];
	(xrf1) =	vsort.dscd.msk.f32 $0xffff, v11, v3;
	vm1 =	vge.f32 v20, v9  }
0x34: {  	v15 =	vld [tilespmem:s28+$0xA0];
	(xrf1) =	vsort.dscd.msk.f32 $0xffff, v6, v3;
	v9 =	vsel vm1, v20, v9;
	v12 =	vsel vm1, v22, v12  }
0x35: {  	v11, v13, _ =	vpop (xrf1);
	(xrf1) =	vsort.dscd.msk.f32 $0xffff, v9, v12  }
0x36: {  	v16, v17, _ =	vpop (xrf1);
	(xrf1) =	vsort.dscd.msk.f32 $0xffff, v5, v3  }
0x37: {  	v18, v19, _ =	vpop (xrf1);
	(xrf1) =	vsort.dscd.msk.f32 $0xffff, v10, v2  }
0x38: {  	v9 =	vld [tilespmem:s28+$0xFFFFFF00];
	v12, v20, _ =	vpop (xrf1);
	(xrf1) =	vsort.dscd.msk.f32 $0xffff, v14, v2  }
0x39: {  	v21 =	vld [tilespmem:s28+$0xFFFFFF10];
	v23, v24, _ =	vpop (xrf1);
	(xrf1) =	vsort.dscd.msk.f32 $0xffff, v15, v2;
	v15 =	vperm.xlane v17, v4  }
0x3a: {  	v22 =	vld [tilespmem:s28+$0xFFFFFF90];
	v14 =	vperm.xlane v16, v4;
	v10, v25, _ =	vpop (xrf1)  }
0x3b: {  	v5, v6, _ =	vpop (xrf1)  }
0x3c: {  	vm1 =	vge.f32 v7, v14;
	v17, v26, _ =	vpop (xrf1)  }
0x3d: {  	(xrf1) =	vsort.dscd.msk.f32 $0xffff, v9, v0;
	v9 =	vperm.xlane v11, v4;
	v8 =	vsel vm1, v8, v15;
	v11, v16, _ =	vpop (xrf1)  }
0x3e: {  	(xrf1) =	vsort.dscd.msk.f32 $0xffff, v21, v1;
	v7 =	vsel vm1, v7, v14;
	v14, v15, _ =	vpop (xrf1)  }
0x3f: {  	(xrf1) =	vsort.dscd.msk.f32 $0xffff, v22, v1;
	v11 =	vperm.xlane v11, v4;
	v21, v22, _ =	vpop (xrf1)  }
0x40: {  	(xrf1) =	vsort.dscd.msk.f32 $0xffff, v7, v8;
	v7 =	vperm.xlane v13, v4;
	v16 =	vperm.xlane v16, v4;
	v8, v13, _ =	vpop (xrf1)  }
0x41: {  	v10 =	vperm.xlane v10, v4;
	vm3 =	vge.f32 v8, v11  }
0x42: {  	v25 =	vperm.xlane v25, v4;
	v8 =	vsel vm3, v8, v11;
	v11 =	vsel vm3, v13, v16  }
0x43: {  	vm2 =	vge.f32 v12, v10  }
0x44: {  	v27 =	vld [tilespmem:s28+$0x90];
	v10 =	vsel vm2, v12, v10;
	v29, v30, _ =	vpop (xrf1);
	v16 =	vsel vm2, v20, v25;
	(xrf1) =	vsort.dscd.msk.f32 $0xffff, v8, v11  }
0x45: {  	v28 =	vld [tilespmem:s28+$0xFFFFFF80];
	v13 =	vperm.xlane v29, v4;
	(xrf1) =	vsort.dscd.msk.f32 $0xffff, v10, v16;
	v16 =	vperm.xlane v30, v4  }
0x46: {  	vm1 =	vge.f32 v18, v9;
	v12 =	vld [tilespmem:s28+$0x0];
	v8, v11, _ =	vpop (xrf1)  }
0x47: {  	v9 =	vsel vm1, v18, v9;
	v7 =	vsel vm1, v19, v7;
	vm1 =	vge.f32 v14, v13;
	v18, v19, _ =	vpop (xrf1)  }
0x48: {  	v10 =	vld [tilespmem:s28+$0x10];
	v13 =	vsel vm1, v14, v13;
	v15 =	vsel vm1, v15, v16;
	v14, v20, _ =	vpop (xrf1)  }
0x49: {  	s29 =	simm.s32 $0x500;
	v8 =	vperm.xlane v8, v4;
	(xrf1) =	vsort.dscd.msk.f32 $0xffff, v27, v1;
	v16, v25, _ =	vpop (xrf1);
	v14 =	vperm.xlane v14, v4  }
0x4a: {  	v11 =	vperm.xlane v11, v4;
	v27 =	vld [tilespmem:s29+$0x80];
	(xrf1) =	vsort.dscd.msk.f32 $0xffff, v28, v0;
	v28, v29, _ =	vpop (xrf1)  }
0x4b: {  	(xrf1) =	vsort.dscd.msk.f32 $0xffff, v12, v0;
	v12 =	vperm.xlane v20, v4;
	vm1 =	vge.f32 v16, v8;
	v20, v30, _ =	vpop (xrf1)  }
0x4c: {  	(xrf1) =	vsort.dscd.msk.f32 $0xffff, v13, v15;
	v15 =	vperm.xlane v18, v4;
	vm2 =	vge.f32 v28, v14;
	v13, v18, _ =	vpop (xrf1)  }
0x4d: {  	v31 =	vld [tilespmem:s29+$0x20];
	(xrf1) =	vsort.dscd.msk.f32 $0xffff, v10, v1;
	v10 =	vsel vm2, v28, v14;
	v12 =	vsel vm2, v29, v12;
	v14, v28, _ =	vpop (xrf1)  }
0x4e: {  	v29 =	vld [tilespmem:s29+$0xB0];
	(xrf1) =	vsort.dscd.msk.f32 $0xffff, v9, v7;
	v7 =	vsel vm1, v16, v8;
	v14 =	vperm.xlane v14, v4  }
0x4f: {  	v8 =	vsel vm1, v25, v11;
	(xrf1) =	vsort.dscd.msk.f32 $0xffff, v27, v0;
	v16 =	vperm.xlane v28, v4  }
0x50: {  	v25 =	vld [tilespmem:s29+$0x30];
	(xrf1) =	vsort.dscd.msk.f32 $0xffff, v7, v8;
	vm2 =	vge.f32 v13, v14  }
0x51: {  	v19 =	vperm.xlane v19, v4;
	v7 =	vld [tilespmem:s29+$0xFFFFFFB0];
	(xrf1) =	vsort.dscd.msk.f32 $0xffff, v10, v12;
	v16 =	vsel vm2, v18, v16  }
0x52: {  	v9, v11, _ =	vpop (xrf1);
	v10 =	vperm.xlane v21, v4;
	(xrf1) =	vsort.dscd.msk.f32 $0xffff, v31, v2;
	v12 =	vsel vm2, v13, v14  }
0x53: {  	v8 =	vperm.xlane v23, v4;
	v27, v28, _ =	vpop (xrf1);
	v21 =	vperm.xlane v24, v4;
	(xrf1) =	vsort.dscd.msk.f32 $0xffff, v29, v3  }
0x54: {  	v18 =	vperm.xlane v22, v4;
	vm2 =	vge.f32 v20, v10;
	v14, v13, _ =	vpop (xrf1);
	(xrf1) =	vsort.dscd.msk.f32 $0xffff, v12, v16  }
0x55: {  	vm1 =	vge.f32 v27, v15;
	v10 =	vsel vm2, v20, v10;
	(xrf1) =	vsort.dscd.msk.f32 $0xffff, v25, v3;
	v12, v16, _ =	vpop (xrf1)  }
0x56: {  	v18 =	vsel vm2, v30, v18;
	(xrf1) =	vsort.dscd.msk.f32 $0xffff, v7, v3;
	vm2 =	vge.f32 v12, v8  }
0x57: {  	(xrf1) =	vsort.dscd.msk.f32 $0xffff, v10, v18;
	v10 =	vsel vm2, v16, v21;
	v16 =	vsel vm1, v28, v19  }
0x58: {  	v7, v20, _ =	vpop (xrf1)  }
0x59: {  	v8 =	vsel vm2, v12, v8;
	v12 =	vld [tilespmem:s29+$0xFFFFFF30];
	v18, v21, _ =	vpop (xrf1)  }
0x5a: {  	v15 =	vsel vm1, v27, v15;
	(xrf1) =	vsort.dscd.msk.f32 $0xffff, v8, v10;
	v8 =	vld [tilespmem:s29+$0xFFFFFFA0];
	v10, v19, _ =	vpop (xrf1)  }
0x5b: {  	v27 =	vld [tilespmem:s29+$0xFFFFFF20];
	(xrf1) =	vsort.dscd.msk.f32 $0xffff, v15, v16;
	v25, v16, _ =	vpop (xrf1)  }
0x5c: {  	v28 =	vld [tilespmem:s29+$0xA0];
	v20 =	vperm.xlane v20, v4;
	v15 =	vnsel vm0, $0x0, v14;
	v29, v30, _ =	vpop (xrf1)  }
0x5d: {  	v33 =	vld [tilespmem:s29+$0xFFFFFF00];
	v7 =	vperm.xlane v7, v4;
	(xrf2) =	vadd.scan.msk.f32 $0xffff, v15;
	v31, v32, _ =	vpop (xrf1)  }
0x5e: {  	v34 =	vld [tilespmem:s29+$0xFFFFFF10];
	(xrf1) =	vsort.dscd.msk.f32 $0xffff, v12, v3;
	v22, v23, _ =	vpop (xrf1)  }
0x5f: {  	vm1 =	vge.f32 v5, v7;
	v12 =	vperm.xlane v17, v4;
	v17 =	vld [tilespmem:s29+$0xFFFFFF90];
	(xrf1) =	vsort.dscd.msk.f32 $0xffff, v8, v2;
	v15, v24, _ =	vpop (xrf1)  }
0x60: {  	v6 =	vsel vm1, v6, v20;
	v8 =	vperm.xlane v26, v4;
	(xrf1) =	vsort.dscd.msk.f32 $0xffff, v27, v2;
	v20, v26, _ =	vpop (xrf1)  }
0x61: {  	v5 =	vsel vm1, v5, v7;
	(xrf1) =	vsort.dscd.msk.f32 $0xffff, v28, v2;
	v7, v27, _ =	vpop (xrf1)  }
0x62: {  	v30 =	vperm.xlane v30, v4;
	(xrf1) =	vsort.dscd.msk.f32 $0xffff, v33, v0;
	v20 =	vperm.xlane v20, v4;
	v28, v47, _ =	vpop (xrf1)  }
0x63: {  	v29 =	vperm.xlane v29, v4;
	v26 =	vperm.xlane v26, v4;
	(xrf1) =	vsort.dscd.msk.f32 $0xffff, v34, v1;
	v48, v35, _ =	vpop (xrf1)  }
0x64: {  	(xrf1) =	vsort.dscd.msk.f32 $0xffff, v17, v1;
	vm3 =	vge.f32 v48, v20  }
0x65: {  	v17, v36, _ =	vpop (xrf1);
	(xrf1) =	vsort.dscd.msk.f32 $0xffff, v5, v6;
	v5 =	vsel vm3, v35, v26  }
0x66: {  	vm1 =	vge.f32 v31, v12;
	vm2 =	vge.f32 v10, v29;
	v6 =	vld [tilespmem:s29+$0x90];
	v37, v38, _ =	vpop (xrf1)  }
0x67: {  	v19 =	vsel vm2, v19, v30;
	v20 =	vsel vm3, v48, v20;
	v26 =	vsel vm2, v10, v29;
	v29, v30, _ =	vpop (xrf1)  }
0x68: {  	v32 =	vsel vm1, v32, v8;
	(xrf1) =	vsort.dscd.msk.f32 $0xffff, v20, v5;
	v20 =	vld [tilespmem:s29+$0xFFFFFF80];
	v10, v8, _ =	vpop (xrf1)  }
0x69: {  	v9 =	vperm.xlane v9, v4;
	v31 =	vsel vm1, v31, v12;
	(xrf1) =	vsort.dscd.msk.f32 $0xffff, v26, v19;
	v19 =	vld [tilespmem:s29+$0x0];
	v12, v5, _ =	vpop (xrf1)  }
0x6a: {  	v26, _, _ =	vpop (xrf2);
	(xrf1) =	vsort.dscd.msk.f32 $0xffff, v31, v32;
	v31 =	vnsel vm0, $0x0, v12  }
0x6b: {  	vm1 =	vge.f32 v18, v9;
	v17 =	vperm.xlane v17, v4;
	(v2sf) =	vpush v26, $0xF;
	(xrf1) =	vsort.dscd.msk.f32 $0xffff, v6, v1  }
0x6c: {  	v9 =	vsel vm1, v18, v9;
	v26 =	vld [tilespmem:s29+$0x10];
	(xrf2) =	vadd.scan.msk.f32 $0xffff, v31  }
0x6d: {  	v6 =	vperm.xlane v11, v4;
	v11 =	vperm.xlane v36, v4;
	(xrf1) =	vsort.dscd.msk.f32 $0xffff, v20, v0;
	v20 =	vnsel vm0, $0x0, v10;
	v31, v49, _ =	vpop (xrf1)  }
0x6e: {  	s14 =	simm.s32 $0x700;
	v18 =	vperm.xlane v37, v4;
	vm2 =	vge.f32 v7, v17;
	(xrf1) =	vsort.dscd.msk.f32 $0xffff, v19, v0;
	v50, v51, _ =	vpop (xrf1)  }
0x6f: {  	v52 =	vld [tilespmem:s14+$0x80];
	v7 =	vsel vm2, v7, v17;
	v11 =	vsel vm2, v27, v11;
	(xrf2) =	vadd.scan.msk.f32 $0xffff, v20;
	v17, v19, _ =	vpop (xrf1)  }
0x70: {  	v6 =	vsel vm1, v21, v6;
	vm1 =	vge.f32 v50, v18;
	v20, v21, _ =	vpop (xrf1);
	(xrf1) =	vsort.dscd.msk.f32 $0xffff, v7, v11  }
0x71: {  	v7 =	vperm.xlane v38, v4;
	v11 =	vperm.xlane v31, v4;
	v27, v31, _ =	vpop (xrf1);
	(xrf1) =	vsort.dscd.msk.f32 $0xffff, v26, v1  }
0x72: {  	v26 =	vperm.xlane v49, v4;
	v54, v55, _ =	vpop (xrf1);
	(xrf1) =	vsort.dscd.msk.f32 $0xffff, v9, v6;
	v6 =	vsel vm1, v50, v18  }
0x73: {  	v53 =	vld [tilespmem:s14+$0x20];
	v7 =	vsel vm1, v51, v7;
	vm1 =	vge.f32 v17, v11  }
0x74: {  	v18 =	vld [tilespmem:s14+$0xB0];
	v9, v56, _ =	vpop (xrf1);
	(xrf1) =	vsort.dscd.msk.f32 $0xffff, v52, v0;
	v11 =	vsel vm1, v17, v11;
	v17 =	vsel vm1, v19, v26  }
0x75: {  	v19 =	vperm.xlane v54, v4;
	v57, v58, _ =	vpop (xrf1);
	(xrf1) =	vsort.dscd.msk.f32 $0xffff, v6, v7  }
0x76: {  	v25 =	vperm.xlane v25, v4;
	v26 =	vperm.xlane v29, v4;
	v7, v6, _ =	vpop (xrf1)  }
0x77: {  	v29 =	vld [tilespmem:s14+$0x30];
	v38 =	vperm.xlane v55, v4;
	(xrf1) =	vsort.dscd.msk.f32 $0xffff, v11, v17;
	vm2 =	vge.f32 v27, v19;
	v17, v59, _ =	vpop (xrf1)  }
0x78: {  	v39 =	vperm.xlane v9, v4;
	(xrf1) =	vsort.dscd.msk.f32 $0xffff, v53, v2;
	v19 =	vsel vm2, v27, v19;
	v11, v9, _ =	vpop (xrf1)  }
0x79: {  	v40 =	vld [tilespmem:s14+$0xFFFFFFB0];
	v27 =	vperm.xlane v28, v4;
	v28 =	vsel vm2, v31, v38;
	(xrf1) =	vsort.dscd.msk.f32 $0xffff, v18, v3;
	v18 =	vnsel vm0, $0x0, v11  }
0x7a: {  	v16 =	vperm.xlane v16, v4;
	v60, _, _ =	vpop (xrf2);
	s30 =	spop (v2sf);
	(xrf2) =	vadd.scan.msk.f32 $0xffff, v18;
	v18 =	vperm.xlane v47, v4  }
0x7b: {  	v43 =	vperm.xlane v15, v4;
	v38, _, _ =	vpop (xrf2);
	(xrf1) =	vsort.dscd.msk.f32 $0xffff, v19, v28;
	vm2 =	vge.f32 v20, v27;
	s11 =	sadd.f32 $9.999999710e-10, s30  }
0x7c: {  	v30 =	vperm.xlane v30, v4;
	v28, v31, _ =	vpop (xrf1);
	(xrf1) =	vsort.dscd.msk.f32 $0xffff, v29, v3;
	v20 =	vsel vm2, v20, v27  }
0x7d: {  	v27, v29, _ =	vpop (xrf1);
	v62 =	vmov s11;
	v21 =	vsel vm2, v21, v18;
	vm2 =	vge.f32 v17, v25  }
0x7e: {  	v61 =	vld [tilespmem:s14+$0xFFFFFF30];
	(v2sf) =	vpush v60, $0xF;
	(xrf1) =	vsort.dscd.msk.f32 $0xffff, v40, v3;
	v41, v42, _ =	vpop (xrf1);
	(erf) = vrcp.f32 v62;
	v17 =	vsel vm2, v17, v25  }
0x7f: {  	v63 =	vld [tilespmem:s14+$0xFFFFFFA0];
	vm1 =	vge.f32 v57, v26;
	v50 =	vnsel vm0, $0x0, v7;
	(xrf1) =	vsort.dscd.msk.f32 $0xffff, v20, v21;
	v16 =	vsel vm2, v59, v16;
	v19, v18, _ =	vpop (xrf1)  }
0x80: {  	(v2sf) =	vpush v38, $0xF;
	v28 =	vperm.xlane v28, v4;
	v20 =	vsel vm1, v57, v26;
	v25 =	vld [tilespmem:s14+$0xFFFFFF20];
	(xrf1) =	vsort.dscd.msk.f32 $0xffff, v17, v16;
	v48, v49, _ =	vpop (xrf1)  }
0x81: {  	v31 =	vperm.xlane v31, v4;
	(xrf2) =	vadd.scan.msk.f32 $0xffff, v50;
	v21 =	vsel vm1, v58, v30;
	v30 =	vperm.xlane v56, v4;
	v51, v52, _ =	vpop (xrf1)  }
0x82: {  	v26 =	vld [tilespmem:s14+$0xA0];
	vm1 =	vge.f32 v27, v39;
	vm2 =	vge.f32 v22, v28;
	(xrf1) =	vsort.dscd.msk.f32 $0xffff, v20, v21;
	v16, v17, _ =	vpop (xrf1)  }
0x83: {  	v44 =	vld [tilespmem:s14+$0xFFFFFF00];
	v54 =	vsel vm2, v23, v31;
	v23 =	vperm.xlane v24, v4;
	(xrf1) =	vsort.dscd.msk.f32 $0xffff, v61, v3;
	v20, v15, _ =	vpop (xrf1)  }
0x84: {  	v21 =	vsel vm1, v29, v30;
	v30 =	vld [tilespmem:s14+$0xFFFFFF10];
	v29 =	vsel vm1, v27, v39;
	(xrf1) =	vsort.dscd.msk.f32 $0xffff, v63, v2;
	v45, _, _ =	vpop (xrf2)  }
0x85: {  	s31 =	simm.s32 $0x0;
	v53 =	vld [tilespmem:s14+$0xFFFFFF90];
	v27 =	vperm.xlane v48, v4;
	vm1 =	vge.f32 v51, v43;
	(xrf1) =	vsort.dscd.msk.f32 $0xffff, v25, v2;
	v24, v25, _ =	vpop (xrf1)  }
0x86: {  	v55 =	vor.u32 s31, v0;
	v22 =	vsel vm2, v22, v28;
	v31 =	vsel vm1, v51, v43;
	v46, v32, _ =	vpop (xrf1)  }
0x87: {  	v35 =	vsel vm1, v52, v23;
	vm1 =	vge.f32 v41, v27;
	(xrf1) =	vsort.dscd.msk.f32 $0xffff, v26, v2;
	v28 =	vpop (erf);
	(v2sf) =	vpush v45, $0xF  }
0x88: {  	(xrf1) =	vsort.dscd.msk.f32 $0xffff, v44, v0;
	v24 =	vperm.xlane v24, v4;
	v60 =	vperm.xlane v25, v4;
	v26, v23, _ =	vpop (xrf1)  }
0x89: {  	(xrf1) =	vsort.dscd.msk.f32 $0xffff, v30, v1;
	v30 =	vperm.xlane v49, v4;
	v14 =	vmul.f32 v28, v14;
	v57, v56, _ =	vpop (xrf1)  }
0x8a: {  	v28 =	vsel vm1, v41, v27;
	(xrf1) =	vsort.dscd.msk.f32 $0xffff, v53, v1;
	v59, v58, _ =	vpop (xrf1);
	vm2 =	vge.f32 v57, v24  }
0x8b: {  	v25 =	vld [tilespmem:s14+$0x0];
	v63, _, _ =	vpop (xrf2);
	(xrf1) =	vsort.dscd.msk.f32 $0xffff, v22, v54;
	v39 =	vsel vm1, v42, v30;
	v61 =	vperm.xlane v59, v4  }
0x8c: {  	s13 =	simm.s32 $0x4;
	s12 =	simm.s32 $0x8;
	s18 =	simm.s32 $0x10;
	v27 =	vld [tilespmem:s14+$0x90];
	[tilespmem:v55+s8+$0x0] =	vst.idx.msk $0xff, v14;
	v62, v33, _ =	vpop (xrf1);
	v24 =	vsel vm2, v57, v24;
	v43 =	vsel vm2, v56, v60  }
0x8d: {  	s15 =	simm.s32 $0x80;
	s16 =	simm.s32 $0x100;
	s19 =	spop (v2sf);
	v22 =	vld [tilespmem:s14+$0x10];
	v40 =	vperm.xlane v58, v4;
	[tilespmem:v55+s9+$0x0] =	vst.idx.msk $0xff, v13;
	vm1 =	vge.f32 v46, v61;
	v34, v37, _ =	vpop (xrf1)  }
0x8e: {  	s17 =	simm.s32 $0x180;
	s11 =	simm.s32 $0xC;
	(v2sf) =	vpush v63, $0xF;
	s20 =	sadd.f32 $9.999999710e-10, s19;
	v30 =	vld [tilespmem:s14+$0xFFFFFF80];
	v38 =	vperm.xlane v62, v4;
	(xrf1) =	vsort.dscd.msk.f32 $0xffff, v24, v43;
	v36 =	vsel vm1, v46, v61;
	v14, v13, _ =	vpop (xrf1)  }
.LBB2_2:
0x8f: {  	p0 =	slt.u32 s18, $0x7C  }
0x90: {  	v24 =	vperm.xlane v33, v4;
	v40 =	vsel vm1, v32, v40;
	(xrf1) =	vsort.dscd.msk.f32 $0xffff, v28, v39;
	v39 =	vnsel vm0, $0x0, v14;
	v33, v32, _ =	vpop (xrf1);
	s21 =	spop (v2sf);
	s19 =	smov.u32 s18;
	s18 =	sadd.s32 $0x4, s18  }
0x91: {  	v28 =	vperm.xlane v37, v4;
	v42 =	vnsel vm0, $0x0, v33;
	(xrf1) =	vsort.dscd.msk.f32 $0xffff, v31, v35;
	s21 =	sadd.f32 $9.999999710e-10, s21;
	v31 =	vmov s20  }
0x92: {  	v35, v41, _ =	vpop (xrf1);
	(xrf2) =	vadd.scan.msk.f32 $0xffff, v42;
	(erf) = vrcp.f32 v31  }
0x93: {  	v31 =	vperm.xlane v35, v4;
	v35, v37, _ =	vpop (xrf1);
	v42 =	vmov s21  }
0x94: {  	v41 =	vperm.xlane v41, v4;
	vm1 =	vge.f32 v35, v38;
	v43, v44, _ =	vpop (xrf1);
	(xrf1) =	vsort.dscd.msk.f32 $0xffff, v27, v1  }
0x95: {  	s14 =	sadd.s32 $0x200, s14;
	v34 =	vperm.xlane v34, v4;
	vm2 =	vge.f32 v43, v31;
	(xrf1) =	vsort.dscd.msk.f32 $0xffff, v30, v0;
	v30, v45, _ =	vpop (xrf1)  }
0x96: {  	v27 =	vld [tilespmem:s14+$0x80];
	v43 =	vsel vm2, v43, v31;
	v41 =	vsel vm2, v44, v41;
	v44, v46, _ =	vpop (xrf1);
	(xrf1) =	vsort.dscd.msk.f32 $0xffff, v25, v0;
	s20 =	spop (v2sf)  }
0x97: {  	v24 =	vsel vm1, v37, v24;
	v25 =	vsel vm1, v35, v38;
	v47 =	vld [tilespmem:s14+$0x20];
	v35, v37, _ =	vpop (xrf1);
	(xrf2) =	vadd.scan.msk.f32 $0xffff, v39;
	s20 =	sadd.f32 $9.999999710e-10, s20;
	(erf) = vrcp.f32 v42  }
0x98: {  	v31 =	vld [tilespmem:s14+$0xA0];
	v35 =	vperm.xlane v35, v4;
	v38, v39, _ =	vpop (xrf1);
	(xrf1) =	vsort.dscd.msk.f32 $0xffff, v36, v40;
	v36 =	vor.u32 s17, v0  }
0x99: {  	v37 =	vperm.xlane v37, v4;
	v40 =	vld [tilespmem:s14+$0xB0];
	v38 =	vperm.xlane v38, v4;
	(xrf1) =	vsort.dscd.msk.f32 $0xffff, v22, v1;
	v22 =	vmov s20  }
0x9a: {  	v39 =	vperm.xlane v39, v4;
	v42 =	vld [tilespmem:s14+$0x30];
	(xrf1) =	vsort.dscd.msk.f32 $0xffff, v29, v21;
	v21, v29, _ =	vpop (xrf1)  }
0x9b: {  	v48 =	vld [tilespmem:s14+$0xFFFFFFB0];
	(xrf1) =	vsort.dscd.msk.f32 $0xffff, v27, v0;
	v27 =	vpop (erf)  }
0x9c: {  	vm1 =	vge.f32 v21, v34;
	v49 =	vld [tilespmem:s14+$0xFFFFFF30];
	(xrf1) =	vsort.dscd.msk.f32 $0xffff, v25, v24;
	v50, _, _ =	vpop (xrf2);
	v12 =	vmul.f32 v27, v12;
	(erf) = vrcp.f32 v22  }
0x9d: {  	v51 =	vperm.xlane v20, v4;
	v20 =	vperm.xlane v19, v4;
	v52 =	vsel vm1, v21, v34;
	v27 =	vld [tilespmem:s14+$0x90];
	v34, v24, _ =	vpop (xrf1);
	s17 =	spop (v2sf)  }
0x9e: {  	vm2 =	vge.f32 v44, v35;
	v25 =	vld [tilespmem:s14+$0x0];
	(xrf1) =	vsort.dscd.msk.f32 $0xffff, v43, v41;
	v41 =	vnsel vm0, $0x0, v34;
	v43, v53, _ =	vpop (xrf1);
	s17 =	sadd.f32 $9.999999710e-10, s17;
	[tilespmem:v36+s8+$0x0] =	vst.idx.msk $0xff, v12  }
0x9f: {  	v19 =	vperm.xlane v26, v4;
	v12 =	vsel vm2, v44, v35;
	v35 =	vor.u32 s16, v0;
	v22 =	vld [tilespmem:s14+$0x10];
	(xrf1) =	vsort.dscd.msk.f32 $0xffff, v47, v2;
	v26, v44, _ =	vpop (xrf1)  }
0xa0: {  	v23 =	vperm.xlane v23, v4;
	v21 =	vsel vm2, v46, v37;
	v47 =	vld [tilespmem:s14+$0xFFFFFFA0];
	(xrf1) =	vsort.dscd.msk.f32 $0xffff, v40, v3;
	v55 =	vnsel vm0, $0x0, v26;
	v40 =	vpop (erf)  }
0xa1: {  	v54 =	vperm.xlane v18, v4;
	vm2 =	vge.f32 v30, v19;
	v46 =	vld [tilespmem:s14+$0xFFFFFF20];
	(xrf2) =	vadd.scan.msk.f32 $0xffff, v55;
	v37, _, _ =	vpop (xrf2);
	v10 =	vmul.f32 v40, v10  }
0xa2: {  	v30 =	vsel vm2, v30, v19;
	v23 =	vsel vm2, v45, v23;
	v45 =	vmov s17;
	(xrf1) =	vsort.dscd.msk.f32 $0xffff, v12, v21;
	v18, v40, _ =	vpop (xrf1)  }
0xa3: {  	v56 =	vor.u32 s15, v0;
	(xrf1) =	vsort.dscd.msk.f32 $0xffff, v42, v3;
	v42 =	vperm.xlane v18, v4;
	v55, v12, _ =	vpop (xrf1);
	[tilespmem:v36+s9+$0x0] =	vst.idx.msk $0xff, v5  }
0xa4: {  	vm3 =	vge.f32 v43, v20;
	v36 =	vld [tilespmem:s14+$0xFFFFFF90];
	(xrf1) =	vsort.dscd.msk.f32 $0xffff, v48, v3;
	vm2 =	vge.f32 v55, v38;
	v48, v57, _ =	vpop (xrf1);
	(v2sf) =	vpush v50, $0xF  }
0xa5: {  	v5 =	vmov v32;
	v21 =	vsel vm2, v12, v39;
	[tilespmem:v35+s8+$0x0] =	vst.idx.msk $0xff, v10;
	v10 =	vpop (erf);
	v12 =	vmov v33  }
0xa6: {  	v20 =	vsel vm3, v43, v20;
	v33 =	vld [tilespmem:s14+$0xFFFFFF10];
	v19, v18, _ =	vpop (xrf1);
	(xrf1) =	vsort.dscd.msk.f32 $0xffff, v30, v23;
	v23 =	vsel vm3, v53, v54;
	(erf) = vrcp.f32 v45  }
0xa7: {  	v29 =	vsel vm1, v29, v28;
	v45 =	vmul.f32 v10, v11;
	v30 =	vld [tilespmem:s14+$0xFFFFFF80];
	v39, v43, _ =	vpop (xrf1);
	(xrf1) =	vsort.dscd.msk.f32 $0xffff, v20, v23;
	(v2sf) =	vpush v37, $0xF  }
0xa8: {  	v32 =	vperm.xlane v40, v4;
	v11 =	vmov v26;
	v10 =	vmov v14;
	v37, v40, _ =	vpop (xrf1);
	(xrf1) =	vsort.dscd.msk.f32 $0xffff, v52, v29  }
0xa9: {  	vm1 =	vge.f32 v16, v42;
	v14 =	vld [tilespmem:s14+$0xFFFFFF00];
	v26, v28, _ =	vpop (xrf1);
	(xrf2) =	vadd.scan.msk.f32 $0xffff, v41;
	[tilespmem:v56+s8+$0x0] =	vst.idx.msk $0xff, v45  }
0xaa: {  	v41 =	vsel vm1, v17, v32;
	(xrf1) =	vsort.dscd.msk.f32 $0xffff, v49, v3;
	v20, v23, _ =	vpop (xrf1);
	[tilespmem:v35+s9+$0x0] =	vst.idx.msk $0xff, v8;
	v17 =	vmov v28  }
0xab: {  	v29 =	vsel vm2, v55, v38;
	v8 =	vperm.xlane v15, v4;
	(xrf1) =	vsort.dscd.msk.f32 $0xffff, v47, v2;
	v28, _, _ =	vpop (xrf2);
	v15 =	vmov v23  }
0xac: {  	v38 =	vsel vm1, v16, v42;
	vm1 =	vge.f32 v37, v51;
	v16 =	vmov v26;
	(xrf1) =	vsort.dscd.msk.f32 $0xffff, v46, v2;
	v42, v45, _ =	vpop (xrf1)  }
0xad: {  	s17 =	sshll.u32 s13, $0x7;
	s13 =	smov.u32 s12;
	s12 =	smov.u32 s11;
	v35 =	vsel vm1, v40, v8;
	v46, v32, _ =	vpop (xrf1);
	(xrf1) =	vsort.dscd.msk.f32 $0xffff, v31, v2;
	v31 =	vsel vm1, v37, v51;
	(v2sf) =	vpush v28, $0xF  }
0xae: {  	s15 =	sadd.s32 $0x80, s17;
	s16 =	sadd.s32 $0x100, s17;
	v8 =	vperm.xlane v39, v4;
	(xrf1) =	vsort.dscd.msk.f32 $0xffff, v14, v0;
	v26, v23, _ =	vpop (xrf1);
	v14 =	vor.u32 s17, v0;
	s17 =	sadd.s32 $0x180, s17;
	[tilespmem:v56+s9+$0x0] =	vst.idx.msk $0xff, v9  }
0xaf: {  	s11 =	smov.u32 s19;
	v39 =	vperm.xlane v43, v4;
	v37 =	vperm.xlane v42, v4;
	v9 =	vmov v44;
	(xrf1) =	vsort.dscd.msk.f32 $0xffff, v33, v1;
	v28 =	vpop (erf)  }
0xb0: {  	vm1 =	vge.f32 v48, v8;
	(xrf1) =	vsort.dscd.msk.f32 $0xffff, v36, v1;
	v36, v40, _ =	vpop (xrf1);
	v42 =	vmul.f32 v28, v7;
	v7 =	vmov v34  }
.Ltmp0:
0xb1: {  	v43 =	vperm.xlane v45, v4;
	v28 =	vsel vm1, v48, v8;
	v47, v34, _ =	vpop (xrf1);
	vm2 =	vge.f32 v36, v37;
	(pc) =	sbr.rel @p0 .LBB2_2-.Ltmp0, $4  }
0xb2: {  	v8 =	vmov v13;
	v44 =	vperm.xlane v47, v4;
	v45, v33, _ =	vpop (xrf1);
	v47 =	vsel vm2, v36, v37;
	(xrf1) =	vsort.dscd.msk.f32 $0xffff, v38, v41  }
0xb3: {  	v39 =	vsel vm1, v57, v39;
	v41 =	vsel vm2, v40, v43;
	v36, _, _ =	vpop (xrf2);
	[tilespmem:v14+s8+$0x0] =	vst.idx.msk $0xff, v42;
	s19 =	spop (v2sf)  }
0xb4: {  	v40 =	vperm.xlane v34, v4;
	vm1 =	vge.f32 v46, v44;
	v34, v37, _ =	vpop (xrf1);
	(v2sf) =	vpush v36, $0xF;
	[tilespmem:v14+s9+$0x0] =	vst.idx.msk $0xff, v6;
	s20 =	sadd.f32 $9.999999710e-10, s19  }
0xb5: {  	v38 =	vperm.xlane v45, v4;
	v6 =	vmov v24;
	v36 =	vsel vm1, v46, v44;
	(xrf1) =	vsort.dscd.msk.f32 $0xffff, v47, v41;
	v14, v13, _ =	vpop (xrf1)  }
0xb6: {  	_ = 	snop  }
0xb7: {  	(xrf1) =	vsort.dscd.msk.f32 $0xffff, v28, v39;
	v28, v24, _ =	vpop (xrf1)  }
0xb8: {  	(xrf1) =	vsort.dscd.msk.f32 $0xffff, v31, v35;
	v31, v35, _ =	vpop (xrf1)  }
0xb9: {  	(xrf1) =	vsort.dscd.msk.f32 $0xffff, v27, v1;
	v45, v41, _ =	vpop (xrf1)  }
0xba: {  	v46 =	vperm.xlane v33, v4;
	v31 =	vperm.xlane v31, v4;
	(xrf1) =	vsort.dscd.msk.f32 $0xffff, v30, v0;
	v47, v42, _ =	vpop (xrf1)  }
0xbb: {  	v48 =	vsel vm1, v32, v40;
	v49 =	vperm.xlane v35, v4;
	(xrf1) =	vsort.dscd.msk.f32 $0xffff, v25, v0;
	v35, v40, _ =	vpop (xrf1)  }
0xbc: {  	vm1 =	vge.f32 v45, v38;
	vm2 =	vge.f32 v47, v31;
	(xrf1) =	vsort.dscd.msk.f32 $0xffff, v36, v48;
	v50, v43, _ =	vpop (xrf1)  }
0xbd: {  	v52 =	vsel vm1, v45, v38;
	v55 =	vsel vm1, v41, v46;
	(xrf1) =	vsort.dscd.msk.f32 $0xffff, v22, v1;
	v54, v53, _ =	vpop (xrf1)  }
0xbe: {  	v51 =	vsel vm2, v47, v31;
	(xrf1) =	vsort.dscd.msk.f32 $0xffff, v29, v21;
	v56 =	vperm.xlane v54, v4  }
0xbf: {  	v57 =	vsel vm2, v42, v49;
	v58 =	vperm.xlane v53, v4;
	(xrf1) =	vsort.dscd.msk.f32 $0xffff, v52, v55  }
0xc0: {  	(xrf1) =	vsort.dscd.msk.f32 $0xffff, v51, v57;
	vm1 =	vge.f32 v50, v56  }
0xc1: {  	v59 =	vsel vm1, v50, v56;
	v60 =	vsel vm1, v43, v58  }
0xc2: {  	v29, v30, _ =	vpop (xrf1);
	(xrf1) =	vsort.dscd.msk.f32 $0xffff, v59, v60  }
0xc3: {  	v62, v61, _ =	vpop (xrf1)  }
0xc4: {  	v25, v21, _ =	vpop (xrf1)  }
0xc5: {  	v26 =	vperm.xlane v26, v4;
	v63, v48, _ =	vpop (xrf1)  }
0xc6: {  	v27, v22, _ =	vpop (xrf1)  }
0xc7: {  	v23 =	vperm.xlane v23, v4;
	vm2 =	vge.f32 v35, v26;
	v38, v39, _ =	vpop (xrf1)  }
0xc8: {  	v34 =	vperm.xlane v34, v4;
	v37 =	vperm.xlane v37, v4;
	v26 =	vsel vm2, v35, v26;
	v49, v50, _ =	vpop (xrf1)  }
0xc9: {  	v19 =	vperm.xlane v19, v4;
	v23 =	vsel vm2, v40, v23;
	v51, v44, _ =	vpop (xrf1)  }
0xca: {  	v18 =	vperm.xlane v18, v4;
	vm1 =	vge.f32 v62, v34;
	v52, v45, _ =	vpop (xrf1)  }
0xcb: {  	v31 =	vsel vm1, v62, v34;
	vm2 =	vge.f32 v63, v19;
	v53, v54, _ =	vpop (xrf1)  }
0xcc: {  	(xrf1) =	vsort.dscd.msk.f32 $0xffff, v26, v23;
	v19 =	vsel vm2, v63, v19;
	v18 =	vsel vm2, v48, v18;
	v23, v26, _ =	vpop (xrf1)  }
0xcd: {  	v32 =	vsel vm1, v61, v37;
	v55 =	vperm.xlane v38, v4;
	(xrf1) =	vsort.dscd.msk.f32 $0xffff, v19, v18;
	v36, v37, _ =	vpop (xrf1)  }
0xce: {  	v56 =	vperm.xlane v20, v4;
	v57 =	vperm.xlane v39, v4;
	(xrf1) =	vsort.dscd.msk.f32 $0xffff, v31, v32;
	v58, v59, _ =	vpop (xrf1)  }
0xcf: {  	vm1 =	vge.f32 v16, v55;
	v60 =	vperm.xlane v53, v4;
	v20 =	vperm.xlane v58, v4  }
0xd0: {  	v17 =	vsel vm1, v17, v57;
	v16 =	vsel vm1, v16, v55;
	v31 =	vperm.xlane v59, v4;
	v61, v62, _ =	vpop (xrf1)  }
0xd1: {  	v63 =	vperm.xlane v54, v4;
	vm1 =	vge.f32 v51, v60;
	vm2 =	vge.f32 v61, v20  }
0xd2: {  	(xrf1) =	vsort.dscd.msk.f32 $0xffff, v16, v17;
	v19 =	vsel vm2, v61, v20;
	v38 =	vsel vm2, v62, v31  }
0xd3: {  	v39 =	vsel vm1, v51, v60;
	v40 =	vsel vm1, v44, v63;
	(xrf1) =	vsort.dscd.msk.f32 $0xffff, v19, v38  }
0xd4: {  	v15 =	vperm.xlane v15, v4;
	v43 =	vperm.xlane v29, v4;
	(xrf1) =	vsort.dscd.msk.f32 $0xffff, v39, v40  }
0xd5: {  	v44 =	vperm.xlane v30, v4;
	vm1 =	vge.f32 v23, v56  }
0xd6: {  	v18 =	vsel vm1, v23, v56;
	v15 =	vsel vm1, v26, v15;
	vm2 =	vge.f32 v49, v43  }
0xd7: {  	v17 =	vsel vm2, v50, v44;
	v16 =	vsel vm2, v49, v43;
	(xrf1) =	vsort.dscd.msk.f32 $0xffff, v18, v15  }
0xd8: {  	(xrf1) =	vsort.dscd.msk.f32 $0xffff, v16, v17;
	_ =	sdelay $0x4  }
0xd9: {  	v47, v46, _ =	vpop (xrf1)  }
0xda: {  	v19, v16, _ =	vpop (xrf1)  }
0xdb: {  	v23, v18, _ =	vpop (xrf1)  }
0xdc: {  	v49, v48, _ =	vpop (xrf1)  }
0xdd: {  	v51 =	vperm.xlane v52, v4;
	v17, v15, _ =	vpop (xrf1)  }
0xde: {  	v55 =	vperm.xlane v45, v4;
	v52 =	vnsel vm0, $0x0, v28;
	v50 =	vperm.xlane v47, v4;
	v53, v54, _ =	vpop (xrf1)  }
0xdf: {  	v57 =	vperm.xlane v36, v4;
	(xrf2) =	vadd.scan.msk.f32 $0xffff, v52;
	v56 =	vperm.xlane v46, v4;
	vm2 =	vge.f32 v53, v51  }
0xe0: {  	vm1 =	vge.f32 v49, v50;
	v31 =	vsel vm2, v53, v51;
	v58 =	vsel vm2, v54, v55  }
0xe1: {  	v30 =	vsel vm1, v49, v50;
	v29 =	vsel vm1, v48, v56;
	v26, v20, _ =	vpop (xrf1);
	(xrf1) =	vsort.dscd.msk.f32 $0xffff, v31, v58  }
0xe2: {  	v59 =	vnsel vm0, $0x0, v14;
	v61 =	vperm.xlane v37, v4;
	v60, v34, _ =	vpop (xrf1);
	(xrf1) =	vsort.dscd.msk.f32 $0xffff, v30, v29  }
0xe3: {  	(xrf2) =	vadd.scan.msk.f32 $0xffff, v59;
	v62 =	vnsel vm0, $0x0, v27;
	vm1 =	vge.f32 v60, v57  }
0xe4: {  	(xrf2) =	vadd.scan.msk.f32 $0xffff, v62;
	v63 =	vsel vm1, v60, v57;
	v29 =	vsel vm1, v34, v61  }
0xe5: {  	(xrf1) =	vsort.dscd.msk.f32 $0xffff, v63, v29  }
0xe6: {  	v33 =	vnsel vm0, $0x0, v25  }
0xe7: {  	(xrf2) =	vadd.scan.msk.f32 $0xffff, v33;
	v34 =	vnsel vm0, $0x0, v23  }
0xe8: {  	(xrf2) =	vadd.scan.msk.f32 $0xffff, v34  }
0xe9: {  	v35, _, _ =	vpop (xrf2)  }
0xea: {  	v36 =	vnsel vm0, $0x0, v19;
	(v2sf) =	vpush v35, $0xF  }
0xeb: {  	(xrf2) =	vadd.scan.msk.f32 $0xffff, v36  }
0xec: {  	v37 =	vnsel vm0, $0x0, v26  }
0xed: {  	v38, _, _ =	vpop (xrf2);
	(xrf2) =	vadd.scan.msk.f32 $0xffff, v37  }
0xee: {  	(v2sf) =	vpush v38, $0xF;
	v39, _, _ =	vpop (xrf2)  }
0xef: {  	(v2sf) =	vpush v39, $0xF;
	v40 =	vnsel vm0, $0x0, v17;
	v30, v29, _ =	vpop (xrf1)  }
0xf0: {  	s14 =	spop (v2sf);
	(xrf2) =	vadd.scan.msk.f32 $0xffff, v40;
	v34, v31, _ =	vpop (xrf1)  }
0xf1: {  	s14 =	sadd.f32 $9.999999710e-10, s14;
	v47 =	vmov s20;
	v41, _, _ =	vpop (xrf2);
	v42 =	vnsel vm0, $0x0, v34  }
0xf2: {  	(erf) = vrcp.f32 v47;
	v43, _, _ =	vpop (xrf2);
	(xrf2) =	vadd.scan.msk.f32 $0xffff, v42  }
0xf3: {  	s18 =	spop (v2sf);
	(v2sf) =	vpush v41, $0xF;
	v49 =	vmov s14;
	v44 =	vnsel vm0, $0x0, v30;
	v33, v32, _ =	vpop (xrf1)  }
0xf4: {  	s18 =	sadd.f32 $9.999999710e-10, s18;
	(erf) = vrcp.f32 v49;
	(v2sf) =	vpush v43, $0xF;
	v45 =	vnsel vm0, $0x0, v33;
	(xrf2) =	vadd.scan.msk.f32 $0xffff, v44  }
0xf5: {  	v46, _, _ =	vpop (xrf2);
	(xrf2) =	vadd.scan.msk.f32 $0xffff, v45  }
0xf6: {  	v51 =	vmov s18;
	(v2sf) =	vpush v46, $0xF  }
0xf7: {  	(erf) = vrcp.f32 v51;
	v48, _, _ =	vpop (xrf2)  }
0xf8: {  	s24 =	spop (v2sf);
	(v2sf) =	vpush v48, $0xF  }
0xf9: {  	s14 =	sadd.f32 $9.999999710e-10, s24;
	s25 =	spop (v2sf)  }
0xfa: {  	s18 =	sadd.f32 $9.999999710e-10, s25;
	v50, _, _ =	vpop (xrf2)  }
0xfb: {  	v56 =	vor.u32 s17, v0;
	v53 =	vmov s14;
	v58 =	vpop (erf);
	(v2sf) =	vpush v50, $0xF  }
0xfc: {  	(erf) = vrcp.f32 v53;
	v54 =	vmov s18;
	v52, _, _ =	vpop (xrf2)  }
0xfd: {  	s26 =	spop (v2sf);
	v63 =	vpop (erf);
	(erf) = vrcp.f32 v54;
	(v2sf) =	vpush v52, $0xF  }
0xfe: {  	v12 =	vmul.f32 v58, v12;
	s14 =	sadd.f32 $9.999999710e-10, s26;
	s28 =	spop (v2sf);
	v55, _, _ =	vpop (xrf2)  }
0xff: {  	s17 =	sadd.f32 $9.999999710e-10, s28;
	(v2sf) =	vpush v55, $0xF;
	v57, _, _ =	vpop (xrf2)  }
0x100: {  	v61 =	vor.u32 s15, v0;
	[tilespmem:v56+s8+$0x0] =	vst.idx.msk $0xff, v12;
	v60 =	vmov s14;
	v42 =	vpop (erf);
	(v2sf) =	vpush v57, $0xF  }
0x101: {  	[tilespmem:v56+s9+$0x0] =	vst.idx.msk $0xff, v5;
	(erf) = vrcp.f32 v60;
	v62 =	vmov s17;
	v5 =	vmul.f32 v42, v11  }
0x102: {  	v59 =	vor.u32 s16, v0;
	s29 =	spop (v2sf);
	(erf) = vrcp.f32 v62  }
0x103: {  	s13 =	sshll.u32 s13, $0x7;
	s14 =	sadd.f32 $9.999999710e-10, s29;
	s30 =	spop (v2sf)  }
0x104: {  	s17 =	sadd.s32 $0x180, s13;
	v43 =	vor.u32 s13, v0;
	s15 =	sadd.f32 $9.999999710e-10, s30  }
0x105: {  	v10 =	vmul.f32 v63, v10;
	v46 =	vor.u32 s17, v0;
	v44 =	vmov s14;
	[tilespmem:v61+s8+$0x0] =	vst.idx.msk $0xff, v5;
	v5 =	vpop (erf);
	s31 =	spop (v2sf)  }
0x106: {  	(erf) = vrcp.f32 v44;
	v5 =	vmul.f32 v5, v7;
	v7 =	vpop (erf);
	s14 =	sadd.f32 $9.999999710e-10, s31;
	v45 =	vmov s15  }
0x107: {  	[tilespmem:v59+s8+$0x0] =	vst.idx.msk $0xff, v10;
	v7 =	vmul.f32 v7, v28;
	s18 =	spop (v2sf);
	(erf) = vrcp.f32 v45  }
0x108: {  	s19 =	sadd.s32 $0x100, s13;
	[tilespmem:v59+s9+$0x0] =	vst.idx.msk $0xff, v8;
	s13 =	sadd.s32 $0x80, s13;
	s15 =	sadd.f32 $9.999999710e-10, s18;
	v48 =	vmov s14  }
0x109: {  	[tilespmem:v43+s8+$0x0] =	vst.idx.msk $0xff, v5;
	v5 =	vor.u32 s13, v0;
	(erf) = vrcp.f32 v48  }
0x10a: {  	v47 =	vor.u32 s19, v0;
	[tilespmem:v43+s9+$0x0] =	vst.idx.msk $0xff, v6;
	v6 =	vpop (erf);
	s20 =	spop (v2sf);
	v49 =	vmov s15  }
0x10b: {  	[tilespmem:v46+s8+$0x0] =	vst.idx.msk $0xff, v7;
	v6 =	vmul.f32 v6, v14;
	v7 =	vpop (erf);
	s21 =	sadd.f32 $9.999999710e-10, s20;
	(erf) = vrcp.f32 v49  }
0x10c: {  	s12 =	sshll.u32 s12, $0x7;
	[tilespmem:v61+s9+$0x0] =	vst.idx.msk $0xff, v9;
	v7 =	vmul.f32 v7, v27;
	s22 =	spop (v2sf)  }
0x10d: {  	s24 =	sadd.s32 $0x180, s12;
	v50 =	vor.u32 s12, v0;
	[tilespmem:v46+s9+$0x0] =	vst.idx.msk $0xff, v24;
	v51 =	vmov s21;
	s23 =	sadd.f32 $9.999999710e-10, s22  }
0x10e: {  	[tilespmem:v5+s8+$0x0] =	vst.idx.msk $0xff, v7;
	v7 =	vor.u32 s24, v0;
	(erf) = vrcp.f32 v51;
	s25 =	spop (v2sf)  }
0x10f: {  	[tilespmem:v47+s8+$0x0] =	vst.idx.msk $0xff, v6;
	v6 =	vpop (erf);
	s26 =	sadd.f32 $9.999999710e-10, s25;
	s28 =	spop (v2sf);
	v52 =	vmov s23  }
0x110: {  	s29 =	sadd.s32 $0x100, s12;
	[tilespmem:v47+s9+$0x0] =	vst.idx.msk $0xff, v13;
	v6 =	vmul.f32 v6, v25;
	v53 =	vpop (erf);
	s13 =	sadd.f32 $9.999999710e-10, s28;
	(erf) = vrcp.f32 v52  }
0x111: {  	v54 =	vor.u32 s29, v0;
	s12 =	sadd.s32 $0x80, s12;
	[tilespmem:v5+s9+$0x0] =	vst.idx.msk $0xff, v22;
	v5 =	vmul.f32 v53, v23;
	v55 =	vmov s26  }
0x112: {  	[tilespmem:v50+s8+$0x0] =	vst.idx.msk $0xff, v6;
	v6 =	vor.u32 s12, v0;
	v57 =	vpop (erf);
	(erf) = vrcp.f32 v55;
	v56 =	vmov s13  }
0x113: {  	[tilespmem:v7+s8+$0x0] =	vst.idx.msk $0xff, v5;
	v5 =	vmul.f32 v57, v19;
	(erf) = vrcp.f32 v56  }
0x114: {  	s11 =	sshll.u32 s11, $0x7;
	[tilespmem:v50+s9+$0x0] =	vst.idx.msk $0xff, v21;
	v58 =	vpop (erf)  }
0x115: {  	v59 =	vor.u32 s11, v0;
	[tilespmem:v7+s9+$0x0] =	vst.idx.msk $0xff, v18;
	v7 =	vmul.f32 v58, v26  }
0x116: {  	s30 =	sadd.s32 $0x180, s11;
	[tilespmem:v54+s8+$0x0] =	vst.idx.msk $0xff, v5  }
0x117: {  	[tilespmem:v6+s8+$0x0] =	vst.idx.msk $0xff, v7;
	v7 =	vor.u32 s30, v0;
	v5 =	vpop (erf)  }
0x118: {  	s31 =	sadd.s32 $0x100, s11;
	[tilespmem:v54+s9+$0x0] =	vst.idx.msk $0xff, v16;
	v5 =	vmul.f32 v5, v17  }
0x119: {  	s11 =	sadd.s32 $0x80, s11;
	[tilespmem:v6+s9+$0x0] =	vst.idx.msk $0xff, v20;
	v6 =	vor.u32 s31, v0;
	v60 =	vpop (erf)  }
0x11a: {  	v61 =	vor.u32 s11, v0;
	[tilespmem:v59+s8+$0x0] =	vst.idx.msk $0xff, v5;
	v5 =	vmul.f32 v60, v34  }
0x11b: {  	[tilespmem:v59+s9+$0x0] =	vst.idx.msk $0xff, v15;
	v62 =	vpop (erf)  }
0x11c: {  	v63 =	vpop (erf);
	[tilespmem:v7+s8+$0x0] =	vst.idx.msk $0xff, v5;
	v5 =	vmul.f32 v62, v30  }
0x11d: {  	[tilespmem:v7+s9+$0x0] =	vst.idx.msk $0xff, v31;
	v7 =	vmul.f32 v63, v33  }
0x11e: {  	[tilespmem:v6+s8+$0x0] =	vst.idx.msk $0xff, v5  }
0x11f: {  	[tilespmem:v61+s8+$0x0] =	vst.idx.msk $0xff, v7  }
0x120: {  	[tilespmem:v6+s9+$0x0] =	vst.idx.msk $0xff, v29  }
0x121: {  	[tilespmem:v61+s9+$0x0] =	vst.idx.msk $0xff, v32  }
0x122: {  	[hbm4b:s4+s2] =	stream.linear.scatter [tilespmem:s9], [sflag:$0x1], $0x4000, $0x38;
	[tilespmem:$0xC000] =	vst v63  }
0x123: {  	s10 =	sadd.s32 $0x1, s10;
	_ =	swait.ge [sflag:s7], $0x4000  }
0x124: {  	p0 =	sne.s32 s10, s6;
	[sflag:s7] =	ssyncset.done $0x0  }
.Ltmp1:
0x125: {  	[sflag:s7] =	ssyncadd.s32 $0xFFFFC000;
	(pc) =	sbr.rel @p0 .LBB2_1-.Ltmp1, $4  }
0x126: {  	[hbm4b:s5+s2] =	stream.linear.scatter [tilespmem:s8], [sflag:$0x1], $0x4000, $0x38;
	[tilespmem:$0xC000] =	vst v63  }
0x127: {  	_ =	swait.ge [sflag:s7], $0x4000  }
0x128: {  	[sflag:s7] =	ssyncset.done $0x0  }
0x129: {  	[sflag:s7] =	ssyncadd.s32 $0xFFFFC000  }
0x12a: {  	_ =	sfence.sel $0x180000  }
0x12b: {  	[bflag:$0x0] =	sbarrier.arrive $0xFFFF  }
0x12c: {  	p0 =	sne.s32 s1, $0x0;
	_ =	strace $0x90000047  }
0x12d: {  	s0 =	sadd.s32 @!p0 $0x100000, s0;
	[bflag:$0x2] =	sbarrier.arrive $0xFFFF  }
0x12e: {  	[sflag:s0] =	ssyncadd.tile.s32 @!p0 $0x1;
	_ =	shalt  }
.Lfunc_end2:
_tile_overlayer_lowered:
.L_overlay_start_2:
0x12f: {  	(tag) =	ssettag $0x2  }
0x130: {  	s0 =	rddreg [dreg:$0x0];
	s2 =	stileid.u32  }
0x131: {  	s1 =	rddreg [dreg:$0x1];
	p0 =	sne.s32 s2, $0x0  }
0x132: {  	s3 =	rddreg [dreg:$0x2];
	[bflag:$0x3] =	sbarrier.arrive $0xFFFF;
	s2 =	simm.s32 @!p0 $0x1C01  }
0x133: {  	[timem:s3], [sflag:s2] =	dma.local @!p0 [hbm:s0], s1  }
0x134: {  	s0 =	simm.s32 @!p0 $0x1  }
0x135: {  	_ =	swait.ge @!p0 [sflag:s0], s1  }
0x136: {  	s1 =	ssub.s32 @!p0 $0x0, s1;
	[sflag:s0] =	ssyncset.done @!p0 $0x0  }
0x137: {  	[sflag:s0] =	ssyncadd.s32 @!p0 s1  }
0x138: {  	[bflag:$0x3] =	sbarrier.arrive $0xFFFF  }
0x139: {  	_ =	shalt  }

// kernel: _router.8.cloned.1.call-start
scs
__scs_entry_jumppad:
0x0: {  	(pc) =	sbr.rel $0x88, $3  }
0x1: {  	(tag) =	ssettag $0x0;
	lr =	simm.s32 $0x1  }
0x2: {  	[smem:$0x3F9F] =	sst lr;
	_ =	strace $0xD0000000  }
0x3: {  	_ = 	snop  }
0x4: {  	_ = 	snop  }
0x5: {  	_ = 	snop  }
0x6: {  	_ = 	snop  }
0x7: {  	_ = 	snop  }
__scs_overlays_trampoline_lowered:
0x8: {  	[smem:$0x3FAE] =	sst s0  }
0x9: {  	[smem:$0x3FAF] =	sst s1  }
0xa: {  	[smem:$0x3FB0] =	sst s2  }
0xb: {  	[smem:$0x3FB1] =	sst s3  }
0xc: {  	[smem:$0x3FB2] =	sst s4  }
0xd: {  	[smem:$0x3FB3] =	sst s5  }
0xe: {  	[smem:$0x3FB4] =	sst s6  }
0xf: {  	[smem:$0x3FB5] =	sst s7  }
0x10: {  	[smem:$0x3FB6] =	sst s8  }
0x11: {  	[smem:$0x3FB7] =	sst s9;
	s0 =	simm.s32 @!p0 $0x0  }
0x12: {  	s1 =	sld [smem:$0x3F9D];
	s0 =	simm.s32 @p0 $0x1  }
0x13: {  	[smem:$0x3FB8] =	sst s0;
	s0 =	simm.s32 @!p1 $0x0  }
0x14: {  	s2 =	sld [smem:$0x3F9C];
	s0 =	simm.s32 @p1 $0x1  }
0x15: {  	[smem:$0x3FB9] =	sst s0;
	s0 =	simm.s32 @!p2 $0x0  }
0x16: {  	s3 =	sld [smem:$0x3FDB];
	s0 =	simm.s32 @p2 $0x1  }
0x17: {  	s4 =	simm.s32 $0x1BF5;
	[smem:$0x3FBB] =	sst s0  }
0x18: {  	s0 =	sld [smem:$0x3F9E];
	_ =	swait.ge [sflag:s4], $0x0  }
0x19: {  	s7 =	sld [smem:$0x3F9F]  }
0x1a: {  	s8 =	sadd.s32 $0xFFFFE003, lr  }
0x1b: {  	s9 =	sadd.s32 $0xFFFFFEF7, lr;
	s5 =	simm.s32 $0xFFFFFFFF;
	p2 =	slt.u32 s8, $0xFFFFF086  }
0x1c: {  	p1 =	slt.u32 s9, $0xF7A;
	s5 =	simm.s32 @!p2 $0x0  }
0x1d: {  	s5 =	simm.s32 @p1 $0x1;
	p0 =	seq.s32 s7, s2  }
0x1e: {  	s7 =	smul.u32 @!p0 $0xF7A, s2;
	p2 =	seq.s32 @!p0 s5, $0x0  }
0x1f: {  	s9 =	smul.u32 $0xF7A, s1;
	s8 =	simm.s32 @!p0 $0x1BF5;
	p2 =	por !p2, p0  }
0x20: {  	[sflag:s8] =	ssyncset.s32 @!p0 $0xFFFFF086;
	s6 =	sadd.s32 @!p0 s3, s7;
	s7 =	simm.s32 @!p0 $0x108  }
0x21: {  	s3 =	sadd.s32 s3, s9;
	s6 =	sadd.s32 @!p0 $0x88, s6;
	s7 =	simm.s32 @p2 $0x1082  }
0x22: {  	[simem:s7], [sflag:s8] =	dma.local @!p0 [hbm:s6], $0xF7A  }
0x23: {  	s9 =	sor.u32 $0xD0000000, s2;
	s6 =	simm.s32 $0x108;
	_ =	swait.ge @!p0 [sflag:s8], $0x0  }
0x24: {  	s3 =	sadd.s32 $0x88, s3;
	s6 =	simm.s32 @!p1 $0x1082;
	[sflag:s4] =	ssyncset.s32 $0xFFFFF086  }
0x25: {  	[simem:s6], [sflag:s4] =	dma.local [hbm:s3], $0xF7A  }
0x26: {  	[smem:$0x3F9F] =	sst s1;
	(tag) =	ssettag s2;
	_ =	strace s9  }
0x27: {  	s1 =	sld [smem:$0x3FAF]  }
0x28: {  	s2 =	sld [smem:$0x3FB0]  }
0x29: {  	s4 =	sld [smem:$0x3FB2]  }
0x2a: {  	p0 =	seq.s32 s5, $0x0;
	s5 =	sld [smem:$0x3FB3]  }
0x2b: {  	s6 =	sld [smem:$0x3FB4]  }
0x2c: {  	s7 =	sld [smem:$0x3FB5]  }
0x2d: {  	s3 =	simm.s32 $0x108;
	s8 =	sld [smem:$0x3FB6]  }
0x2e: {  	s3 =	simm.s32 @!p0 $0x1082;
	s9 =	sld [smem:$0x3FB7]  }
0x2f: {  	lr =	sadd.s32 s0, s3;
	s0 =	sld [smem:$0x3FAE]  }
0x30: {  	s3 =	sld [smem:$0x3FB1]  }
0x31: {  	[smem:$0x3FBA] =	sst s10  }
0x32: {  	s10 =	sld [smem:$0x3FB8];
	_ =	sdelay $0x3  }
0x33: {  	p0 =	seq.s32 s10, $0x1;
	s10 =	sld [smem:$0x3FBA];
	_ =	sdelay $0x3  }
0x34: {  	[smem:$0x3FBA] =	sst s10  }
0x35: {  	s10 =	sld [smem:$0x3FB9];
	_ =	sdelay $0x3  }
0x36: {  	p1 =	seq.s32 s10, $0x1;
	s10 =	sld [smem:$0x3FBA];
	_ =	sdelay $0x3  }
0x37: {  	[smem:$0x3FBA] =	sst s10  }
0x38: {  	s10 =	sld [smem:$0x3FBB]  }
0x39: {  	_ = 	snop;
	(pc) =	sbr.ind lr, $3  }
0x3a: {  	_ = 	snop  }
0x3b: {  	_ = 	snop  }
0x3c: {  	p2 =	seq.s32 s10, $0x1;
	s10 =	sld [smem:$0x3FBA]  }
0x3d: {  	_ =	shalt  }
0x3e: {  	_ =	shalt  }
0x3f: {  	_ =	shalt  }
0x40: {  	_ =	shalt  }
0x41: {  	_ =	shalt  }
0x42: {  	_ =	shalt  }
0x43: {  	_ =	shalt  }
0x44: {  	_ =	shalt  }
0x45: {  	_ =	shalt  }
0x46: {  	_ =	shalt  }
0x47: {  	_ =	shalt  }
0x48: {  	_ =	shalt  }
0x49: {  	_ =	shalt  }
0x4a: {  	_ =	shalt  }
0x4b: {  	_ =	shalt  }
0x4c: {  	_ =	shalt  }
0x4d: {  	_ =	shalt  }
0x4e: {  	_ =	shalt  }
0x4f: {  	_ =	shalt  }
0x50: {  	_ =	shalt  }
0x51: {  	_ =	shalt  }
0x52: {  	_ =	shalt  }
0x53: {  	_ =	shalt  }
0x54: {  	_ =	shalt  }
0x55: {  	_ =	shalt  }
0x56: {  	_ =	shalt  }
0x57: {  	_ =	shalt  }
0x58: {  	_ =	shalt  }
0x59: {  	_ =	shalt  }
0x5a: {  	_ =	shalt  }
0x5b: {  	_ =	shalt  }
0x5c: {  	_ =	shalt  }
0x5d: {  	_ =	shalt  }
0x5e: {  	_ =	shalt  }
0x5f: {  	_ =	shalt  }
0x60: {  	_ =	shalt  }
0x61: {  	_ =	shalt  }
0x62: {  	_ =	shalt  }
0x63: {  	_ =	shalt  }
0x64: {  	_ =	shalt  }
0x65: {  	_ =	shalt  }
0x66: {  	_ =	shalt  }
0x67: {  	_ =	shalt  }
0x68: {  	_ =	shalt  }
0x69: {  	_ =	shalt  }
0x6a: {  	_ =	shalt  }
0x6b: {  	_ =	shalt  }
0x6c: {  	_ =	shalt  }
0x6d: {  	_ =	shalt  }
0x6e: {  	_ =	shalt  }
0x6f: {  	_ =	shalt  }
0x70: {  	_ =	shalt  }
0x71: {  	_ =	shalt  }
0x72: {  	_ =	shalt  }
0x73: {  	_ =	shalt  }
0x74: {  	_ =	shalt  }
0x75: {  	_ =	shalt  }
0x76: {  	_ =	shalt  }
0x77: {  	_ =	shalt  }
0x78: {  	_ =	shalt  }
0x79: {  	_ =	shalt  }
0x7a: {  	_ =	shalt  }
0x7b: {  	_ =	shalt  }
0x7c: {  	_ =	shalt  }
0x7d: {  	_ =	shalt  }
0x7e: {  	_ =	shalt  }
0x7f: {  	_ =	shalt  }
0x80: {  	_ =	shalt  }
0x81: {  	_ =	shalt  }
0x82: {  	_ =	shalt  }
0x83: {  	_ =	shalt  }
0x84: {  	_ =	shalt  }
0x85: {  	_ =	shalt  }
0x86: {  	_ =	shalt  }
0x87: {  	_ =	shalt  }
.Lfunc_end0:
.L_simem_size_0:
called_computation_lowered:
.L_overlay_start_0:
0x88: {  	s2 =	sld [smem:$0x3FD9]  }
0x89: {  	s3 =	sld [smem:$0x3FFE];
	_ =	sdelay $0x1  }
0x8a: {  	s1 =	srdreg.scid  }
0x8b: {  	s0 =	sand.u32 $0x1, s1  }
0x8c: {  	s17 =	sshll.u32 s0, $0xA;
	s2 =	sadd.s32 s3, s2  }
0x8d: {  	s2 =	sadd.s32 s2, s17  }
0x8e: {  	[smem:$0x3FC6] =	sst s2  }
0x8f: {  	_ = 	snop  }
0x90: {  	(tm) =	ssettm $0x1  }
0x91: {  	s18 =	sld [smem:$0x3FFB];
	_ =	sdelay $0x3  }
0x92: {  	_ =	strace s18  }
0x93: {  	s2 =	sld [smem:$0x3FFC];
	_ =	sdelay $0x3  }
0x94: {  	_ =	strace s2  }
0x95: {  	s2 =	sld [smem:$0x3FFD];
	_ =	sdelay $0x3  }
0x96: {  	_ =	strace s2  }
0x97: {  	_ =	strace $0x8FFFFFFF  }
0x98: {  	s19 =	sld [smem:$0x3FDB];
	_ =	sdelay $0x1  }
0x99: {  	s20 =	simm.s32 $_scs_section_size  }
0x9a: {  	s4 =	simm.s32 $_size__tile_overlayer_lowered;
	s5 =	simm.s32 $_tile_overlayer_lowered  }
0x9b: {  	s6 =	simm.s32 $0x1BFF;
	s21 =	sshll.u32 s5, $0x1;
	s3 =	sadd.s32 s20, s19  }
0x9c: {  	s22 =	simm.s32 $0x0;
	s4 =	sshll.u32 s4, $0x1;
	s5 =	sadd.s32 s21, s3  }
0x9d: {  	[timem:s22], [sflag:s6] =	dma.local [hbm:s5], s4  }
0x9e: {  	_ =	swait.ge [sflag:s6], s4  }
0x9f: {  	s4 =	ssub.s32 $0x0, s4;
	[sflag:s6] =	ssyncset.done $0x0  }
0xa0: {  	[sflag:s6] =	ssyncadd.s32 s4;
	_ =	sdelay $0x1  }
0xa1: {  	s23 =	simm.s32 $0x1B8B  }
0xa2: {  	_ =	swait.ge [sflag:s23], $0x1  }
0xa3: {  	[sflag:s23] =	ssyncset.done $0x0  }
0xa4: {  	[sflag:s23] =	ssyncadd.s32 $0xFFFFFFFF  }
0xa5: {  	s4 =	sld [smem:$0x0]  }
0xa6: {  	s5 =	sand.u32 $0xFFFFFFFE, s1  }
0xa7: {  	p0 =	sne.s32 s1, s5  }
0xa8: {  	s5 =	sshll.u32 @p0 s5, $0xE  }
0xa9: {  	s5 =	sadd.s32 @p0 $0x11B8D, s5;
	s6 =	sshll.u32 @p0 s4, $0x11  }
0xaa: {  	s5 =	sor.u32 @p0 s6, s5  }
0xab: {  	[sflag:s5] =	ssyncadd.remote.s32 @p0 $0x1;
	_ =	sdelay $0x1  }
0xac: {  	s5 =	simm.s32 @p0 $0x1B8D  }
0xad: {  	_ =	swait.eq @p0 [sflag:s5], $0x1  }
0xae: {  	[sflag:s5] =	ssyncadd.s32 @p0 $0xFFFFFFFF  }
0xaf: {  	s6 =	sshll.u32 @!p0 s1, $0xE  }
0xb0: {  	s6 =	sor.u32 @!p0 $0x4000, s6;
	s5 =	simm.s32 @!p0 $0x1B8D  }
0xb1: {  	s4 =	sshll.u32 @!p0 s4, $0x11;
	s6 =	sadd.s32 @!p0 $0x11B8D, s6;
	_ =	swait.eq @!p0 [sflag:s5], $0x1  }
0xb2: {  	s4 =	sor.u32 @!p0 s4, s6;
	[sflag:s5] =	ssyncadd.s32 @!p0 $0xFFFFFFFF  }
0xb3: {  	s25 =	simm.s32 $0x1B8E;
	s24 =	sld [smem:$0x3FFE];
	[sflag:s4] =	ssyncadd.remote.s32 @!p0 $0x1  }
0xb4: {  	s26 =	simm.s32 $execute0_lowered;
	[smem:$0x3FD2] =	sst s25  }
0xb5: {  	s5 =	sshll.u32 s26, $0x1;
	_ =	strace $0x80000049;
	[dreg:$0x1] =	wrdreg $0xFFFFFFFF  }
0xb6: {  	s28 =	simm.s32 $_size_execute0_lowered;
	s3 =	sadd.s32 s3, s5;
	[dreg:$0x0] =	wrdreg $0x0  }
0xb7: {  	s5 =	sshll.u32 s28, $0x1;
	[dreg:$0x2] =	wrdreg s3  }
0xb8: {  	[dreg:$0x3] =	wrdreg s5  }
0xb9: {  	[dreg:$0x4] =	wrdreg $0xC0  }
0xba: {  	_ =	task [dreg:s22], $0x5FFFF  }
0xbb: {  	[dreg:$0x1] =	wrdreg $0xFFFFFFFF  }
0xbc: {  	[dreg:$0x0] =	wrdreg $0x60  }
0xbd: {  	[dreg:$0x2] =	wrdreg s24  }
0xbe: {  	[dreg:$0x3] =	wrdreg $0x9  }
0xbf: {  	_ =	task.clear_ibuf [dreg:s22], $0x4FFFF;
	_ =	strace $0x90000049  }
0xc0: {  	s29 =	simm.s32 $0x9;
	_ =	strace $0x8000004B  }
0xc1: {  	_ =	swait.ge [sflag:s29], $0x1  }
0xc2: {  	[sflag:s29] =	ssyncadd.s32 $0xFFFFFFFF  }
0xc3: {  	_ =	strace $0x9000004B  }
0xc4: {  	_ =	sfence  }
0xc5: {  	s30 =	sld [smem:$0x0];
	_ =	sdelay $0x2  }
0xc6: {  	s31 =	sshll.u32 s1, $0xD;
	s1 =	sshrl.u32 s1, $0x2  }
0xc7: {  	s4 =	sand.u32 $0x4000, s31;
	s1 =	sadd.s32 s1, s30  }
0xc8: {  	s0 =	sor.u32 s4, s0;
	s1 =	sshll.u32 s1, $0x11  }
0xc9: {  	s0 =	sor.u32 s1, s0  }
0xca: {  	s0 =	sadd.s32 $0x8F2B, s0  }
0xcb: {  	[sflag:s0] =	ssyncadd.remote.s32 $0x1  }
0xcc: {  	_ =	sfence.sel $0xFFFF  }
0xcd: {  	[dreg:$0x0] =	wrdreg $0xFFFFFFFF;
	(pc) =	sbr.abs _section_cstart, $3  }
0xce: {  	[dreg:$0x1] =	wrdreg $0xFFFFFFFF  }
0xcf: {  	_ =	task.clear_ibuf [dreg:s22], $0x2FFFF;
	_ =	strace $0x9FFFFFFF  }
0xd0: {  	(tm) =	ssettm $0x7FFFFFFF  }
0xd1: {  	_ =	shalt  }
tec
execute0_lowered:
.L_overlay_start_1:
0x0: {  	(tag) =	ssettag $0x1  }
0x1: {  	s1 =	srdreg.scid;
	s0 =	stileid.u32  }
0x2: {  	s4 =	rddreg [dreg:$0x0];
	s2 =	simm.s32 $0x0;
	s7 =	simm.s32 $0x1  }
0x3: {  	s8 =	simm.s32 $0xC000;
	s3 =	sand.u32 $0x1, s1;
	s30 =	sshll.u32 s0, $0x1  }
0x4: {  	s9 =	simm.s32 $0x6000;
	s5 =	sor.u32 s3, s30;
	s3 =	ssub.s32 $0x2, s3  }
0x5: {  	v0 =	vlaneseq.u32;
	s1 =	rddreg [dreg:$0x1];
	s5 =	smul.u32 $0xC00, s5;
	s31 =	sshrl.u32 s3, $0x1  }
0x6: {  	s10 =	simm.s32 $0x0;
	[smem:$0x7FF] =	sst s2;
	v4 =	vmul.u32 $0xFFFFFFFF, v0;
	s6 =	ssub.s32 s3, s31  }
0x7: {  	vm0 =	vmmov $0xff;
	v1 =	vor.u32 $0x10, v0;
	_ =	strace $0x8000004A;
	s5 =	sadd.s32 s5, s4;
	s6 =	smax.u32 s6, $0x1  }
0x8: {  	v2 =	vor.u32 $0x20, v0;
	v3 =	vor.u32 $0x30, v0;
	v4 =	vadd.s32 $0xF, v4;
	s3 =	sadd.s32 $0x33400, s5;
	s4 =	sadd.s32 $0x4B400, s5;
	s5 =	sadd.s32 $0x63400, s5  }
.LBB2_1:
0x9: {  	[tilespmem:s2], [sflag:$0x1] =	stream.linear.gather [hbm4b:s3+s2], $0x6000, $0x38;
	[tilespmem:$0x12000] =	vst v63  }
0xa: {  	_ =	swait.ge [sflag:s7], $0x6000  }
0xb: {  	[sflag:s7] =	ssyncset.done $0x0  }
0xc: {  	s11 =	simm.s32 $0x100;
	[sflag:s7] =	ssyncadd.s32 $0xFFFFA000  }
0xd: {  	v5 =	vld [tilespmem:s11+$0x80]  }
0xe: {  	v6 =	vld [tilespmem:s11+$0x20]  }
0xf: {  	v7 =	vld [tilespmem:s11+$0xB0]  }
0x10: {  	v8 =	vld [tilespmem:s11+$0x30];
	_ =	sdelay $0x1  }
0x11: {  	v9 =	vld [tilespmem:s11+$0xFFFFFFB0];
	(xrf1) =	vsort.dscd.msk.f32 $0xffff, v5, v0  }
0x12: {  	v5 =	vld [tilespmem:s11+$0xFFFFFF30];
	(xrf1) =	vsort.dscd.msk.f32 $0xffff, v6, v2  }
0x13: {  	(xrf1) =	vsort.dscd.msk.f32 $0xffff, v7, v3  }
0x14: {  	(xrf1) =	vsort.dscd.msk.f32 $0xffff, v8, v3  }
0x15: {  	v6 =	vld [tilespmem:s11+$0xFFFFFFA0]  }
0x16: {  	v7 =	vld [tilespmem:s11+$0xFFFFFF20];
	(xrf1) =	vsort.dscd.msk.f32 $0xffff, v9, v3  }
0x17: {  	v8 =	vld [tilespmem:s11+$0xA0];
	(xrf1) =	vsort.dscd.msk.f32 $0xffff, v5, v3  }
0x18: {  	v9 =	vld [tilespmem:s11+$0xFFFFFF00]  }
0x19: {  	v10 =	vld [tilespmem:s11+$0xFFFFFF10]  }
0x1a: {  	(xrf1) =	vsort.dscd.msk.f32 $0xffff, v6, v2  }
0x1b: {  	(xrf1) =	vsort.dscd.msk.f32 $0xffff, v7, v2  }
0x1c: {  	(xrf1) =	vsort.dscd.msk.f32 $0xffff, v8, v2  }
0x1d: {  	(xrf1) =	vsort.dscd.msk.f32 $0xffff, v9, v0  }
0x1e: {  	(xrf1) =	vsort.dscd.msk.f32 $0xffff, v10, v1  }
0x1f: {  	v5 =	vld [tilespmem:s11+$0xFFFFFF90];
	v7, v8, _ =	vpop (xrf1)  }
0x20: {  	v9, v10, _ =	vpop (xrf1)  }
0x21: {  	v12, v13, _ =	vpop (xrf1)  }
0x22: {  	v6 =	vld [tilespmem:s11+$0x90];
	v15, v16, _ =	vpop (xrf1)  }
0x23: {  	v11 =	vld [tilespmem:s11+$0xFFFFFF80];
	v15 =	vperm.xlane v15, v4  }
0x24: {  	v14 =	vld [tilespmem:s11+$0x0];
	(xrf1) =	vsort.dscd.msk.f32 $0xffff, v5, v1;
	v5, v18, _ =	vpop (xrf1)  }
0x25: {  	v16 =	vperm.xlane v16, v4;
	v19, v20, _ =	vpop (xrf1);
	vm1 =	vge.f32 v9, v15  }
0x26: {  	s28 =	simm.s32 $0x300;
	v17 =	vld [tilespmem:s11+$0x10];
	v9 =	vsel vm1, v9, v15;
	v15 =	vperm.xlane v19, v4  }
0x27: {  	(xrf1) =	vsort.dscd.msk.f32 $0xffff, v6, v1;
	v6 =	vld [tilespmem:s28+$0x80]  }
0x28: {  	v19, v21, _ =	vpop (xrf1);
	(xrf1) =	vsort.dscd.msk.f32 $0xffff, v11, v0;
	v10 =	vsel vm1, v10, v16  }
0x29: {  	v5 =	vperm.xlane v5, v4;
	v11 =	vperm.xlane v18, v4;
	v16, v18, _ =	vpop (xrf1);
	(xrf1) =	vsort.dscd.msk.f32 $0xffff, v14, v0  }
0x2a: {  	v23 =	vld [tilespmem:s28+$0x20];
	v14 =	vperm.xlane v20, v4;
	vm1 =	vge.f32 v16, v15;
	v20, v22, _ =	vpop (xrf1);
	(xrf1) =	vsort.dscd.msk.f32 $0xffff, v9, v10  }
0x2b: {  	vm2 =	vge.f32 v19, v5;
	v9 =	vsel vm1, v16, v15;
	v16 =	vld [tilespmem:s28+$0xB0];
	v10, v15, _ =	vpop (xrf1);
	(xrf1) =	vsort.dscd.msk.f32 $0xffff, v17, v1  }
0x2c: {  	v5 =	vsel vm2, v19, v5;
	v11 =	vsel vm2, v21, v11;
	v17, v19, _ =	vpop (xrf1);
	(xrf1) =	vsort.dscd.msk.f32 $0xffff, v6, v0  }
0x2d: {  	v6 =	vsel vm1, v18, v14;
	v14 =	vperm.xlane v17, v4;
	(xrf1) =	vsort.dscd.msk.f32 $0xffff, v5, v11  }
0x2e: {  	v5 =	vperm.xlane v19, v4;
	v11 =	vld [tilespmem:s28+$0x30];
	(xrf1) =	vsort.dscd.msk.f32 $0xffff, v9, v6  }
0x2f: {  	v6 =	vld [tilespmem:s28+$0xFFFFFFB0];
	vm1 =	vge.f32 v10, v14;
	(xrf1) =	vsort.dscd.msk.f32 $0xffff, v23, v2  }
0x30: {  	v9 =	vsel vm1, v10, v14;
	(xrf1) =	vsort.dscd.msk.f32 $0xffff, v16, v3;
	v5 =	vsel vm1, v15, v5  }
0x31: {  	(xrf1) =	vsort.dscd.msk.f32 $0xffff, v9, v5;
	v5 =	vld [tilespmem:s28+$0xFFFFFF30];
	v9 =	vperm.xlane v12, v4  }
0x32: {  	v10 =	vld [tilespmem:s28+$0xFFFFFFA0];
	v12 =	vperm.xlane v13, v4  }
0x33: {  	v14 =	vld [tilespmem:s28+$0xFFFFFF20];
	(xrf1) =	vsort.dscd.msk.f32 $0xffff, v11, v3;
	vm1 =	vge.f32 v20, v9  }
0x34: {  	v15 =	vld [tilespmem:s28+$0xA0];
	(xrf1) =	vsort.dscd.msk.f32 $0xffff, v6, v3;
	v9 =	vsel vm1, v20, v9;
	v12 =	vsel vm1, v22, v12  }
0x35: {  	v11, v13, _ =	vpop (xrf1);
	(xrf1) =	vsort.dscd.msk.f32 $0xffff, v9, v12  }
0x36: {  	v16, v17, _ =	vpop (xrf1);
	(xrf1) =	vsort.dscd.msk.f32 $0xffff, v5, v3  }
0x37: {  	v18, v19, _ =	vpop (xrf1);
	(xrf1) =	vsort.dscd.msk.f32 $0xffff, v10, v2  }
0x38: {  	v9 =	vld [tilespmem:s28+$0xFFFFFF00];
	v12, v20, _ =	vpop (xrf1);
	(xrf1) =	vsort.dscd.msk.f32 $0xffff, v14, v2  }
0x39: {  	v21 =	vld [tilespmem:s28+$0xFFFFFF10];
	v23, v24, _ =	vpop (xrf1);
	(xrf1) =	vsort.dscd.msk.f32 $0xffff, v15, v2;
	v15 =	vperm.xlane v17, v4  }
0x3a: {  	v22 =	vld [tilespmem:s28+$0xFFFFFF90];
	v14 =	vperm.xlane v16, v4;
	v10, v25, _ =	vpop (xrf1)  }
0x3b: {  	v5, v6, _ =	vpop (xrf1)  }
0x3c: {  	vm1 =	vge.f32 v7, v14;
	v17, v26, _ =	vpop (xrf1)  }
0x3d: {  	(xrf1) =	vsort.dscd.msk.f32 $0xffff, v9, v0;
	v9 =	vperm.xlane v11, v4;
	v8 =	vsel vm1, v8, v15;
	v11, v16, _ =	vpop (xrf1)  }
0x3e: {  	(xrf1) =	vsort.dscd.msk.f32 $0xffff, v21, v1;
	v7 =	vsel vm1, v7, v14;
	v14, v15, _ =	vpop (xrf1)  }
0x3f: {  	(xrf1) =	vsort.dscd.msk.f32 $0xffff, v22, v1;
	v11 =	vperm.xlane v11, v4;
	v21, v22, _ =	vpop (xrf1)  }
0x40: {  	(xrf1) =	vsort.dscd.msk.f32 $0xffff, v7, v8;
	v7 =	vperm.xlane v13, v4;
	v16 =	vperm.xlane v16, v4;
	v8, v13, _ =	vpop (xrf1)  }
0x41: {  	v10 =	vperm.xlane v10, v4;
	vm3 =	vge.f32 v8, v11  }
0x42: {  	v25 =	vperm.xlane v25, v4;
	v8 =	vsel vm3, v8, v11;
	v11 =	vsel vm3, v13, v16  }
0x43: {  	vm2 =	vge.f32 v12, v10  }
0x44: {  	v27 =	vld [tilespmem:s28+$0x90];
	v10 =	vsel vm2, v12, v10;
	v29, v30, _ =	vpop (xrf1);
	v16 =	vsel vm2, v20, v25;
	(xrf1) =	vsort.dscd.msk.f32 $0xffff, v8, v11  }
0x45: {  	v28 =	vld [tilespmem:s28+$0xFFFFFF80];
	v13 =	vperm.xlane v29, v4;
	(xrf1) =	vsort.dscd.msk.f32 $0xffff, v10, v16;
	v16 =	vperm.xlane v30, v4  }
0x46: {  	vm1 =	vge.f32 v18, v9;
	v12 =	vld [tilespmem:s28+$0x0];
	v8, v11, _ =	vpop (xrf1)  }
0x47: {  	v9 =	vsel vm1, v18, v9;
	v7 =	vsel vm1, v19, v7;
	vm1 =	vge.f32 v14, v13;
	v18, v19, _ =	vpop (xrf1)  }
0x48: {  	v10 =	vld [tilespmem:s28+$0x10];
	v13 =	vsel vm1, v14, v13;
	v15 =	vsel vm1, v15, v16;
	v14, v20, _ =	vpop (xrf1)  }
0x49: {  	s29 =	simm.s32 $0x500;
	v8 =	vperm.xlane v8, v4;
	(xrf1) =	vsort.dscd.msk.f32 $0xffff, v27, v1;
	v16, v25, _ =	vpop (xrf1);
	v14 =	vperm.xlane v14, v4  }
0x4a: {  	v11 =	vperm.xlane v11, v4;
	v27 =	vld [tilespmem:s29+$0x80];
	(xrf1) =	vsort.dscd.msk.f32 $0xffff, v28, v0;
	v28, v29, _ =	vpop (xrf1)  }
0x4b: {  	(xrf1) =	vsort.dscd.msk.f32 $0xffff, v12, v0;
	v12 =	vperm.xlane v20, v4;
	vm1 =	vge.f32 v16, v8;
	v20, v30, _ =	vpop (xrf1)  }
0x4c: {  	(xrf1) =	vsort.dscd.msk.f32 $0xffff, v13, v15;
	v15 =	vperm.xlane v18, v4;
	vm2 =	vge.f32 v28, v14;
	v13, v18, _ =	vpop (xrf1)  }
0x4d: {  	v31 =	vld [tilespmem:s29+$0x20];
	(xrf1) =	vsort.dscd.msk.f32 $0xffff, v10, v1;
	v10 =	vsel vm2, v28, v14;
	v12 =	vsel vm2, v29, v12;
	v14, v28, _ =	vpop (xrf1)  }
0x4e: {  	v29 =	vld [tilespmem:s29+$0xB0];
	(xrf1) =	vsort.dscd.msk.f32 $0xffff, v9, v7;
	v7 =	vsel vm1, v16, v8;
	v14 =	vperm.xlane v14, v4  }
0x4f: {  	v8 =	vsel vm1, v25, v11;
	(xrf1) =	vsort.dscd.msk.f32 $0xffff, v27, v0;
	v16 =	vperm.xlane v28, v4  }
0x50: {  	v25 =	vld [tilespmem:s29+$0x30];
	(xrf1) =	vsort.dscd.msk.f32 $0xffff, v7, v8;
	vm2 =	vge.f32 v13, v14  }
0x51: {  	v19 =	vperm.xlane v19, v4;
	v7 =	vld [tilespmem:s29+$0xFFFFFFB0];
	(xrf1) =	vsort.dscd.msk.f32 $0xffff, v10, v12;
	v16 =	vsel vm2, v18, v16  }
0x52: {  	v9, v11, _ =	vpop (xrf1);
	v10 =	vperm.xlane v21, v4;
	(xrf1) =	vsort.dscd.msk.f32 $0xffff, v31, v2;
	v12 =	vsel vm2, v13, v14  }
0x53: {  	v8 =	vperm.xlane v23, v4;
	v27, v28, _ =	vpop (xrf1);
	v21 =	vperm.xlane v24, v4;
	(xrf1) =	vsort.dscd.msk.f32 $0xffff, v29, v3  }
0x54: {  	v18 =	vperm.xlane v22, v4;
	vm2 =	vge.f32 v20, v10;
	v14, v13, _ =	vpop (xrf1);
	(xrf1) =	vsort.dscd.msk.f32 $0xffff, v12, v16  }
0x55: {  	vm1 =	vge.f32 v27, v15;
	v10 =	vsel vm2, v20, v10;
	(xrf1) =	vsort.dscd.msk.f32 $0xffff, v25, v3;
	v12, v16, _ =	vpop (xrf1)  }
0x56: {  	v18 =	vsel vm2, v30, v18;
	(xrf1) =	vsort.dscd.msk.f32 $0xffff, v7, v3;
	vm2 =	vge.f32 v12, v8  }
0x57: {  	(xrf1) =	vsort.dscd.msk.f32 $0xffff, v10, v18;
	v10 =	vsel vm2, v16, v21;
	v16 =	vsel vm1, v28, v19  }
0x58: {  	v7, v20, _ =	vpop (xrf1)  }
0x59: {  	v8 =	vsel vm2, v12, v8;
	v12 =	vld [tilespmem:s29+$0xFFFFFF30];
	v18, v21, _ =	vpop (xrf1)  }
0x5a: {  	v15 =	vsel vm1, v27, v15;
	(xrf1) =	vsort.dscd.msk.f32 $0xffff, v8, v10;
	v8 =	vld [tilespmem:s29+$0xFFFFFFA0];
	v10, v19, _ =	vpop (xrf1)  }
0x5b: {  	v27 =	vld [tilespmem:s29+$0xFFFFFF20];
	(xrf1) =	vsort.dscd.msk.f32 $0xffff, v15, v16;
	v25, v16, _ =	vpop (xrf1)  }
0x5c: {  	v28 =	vld [tilespmem:s29+$0xA0];
	v20 =	vperm.xlane v20, v4;
	v15 =	vnsel vm0, $0x0, v14;
	v29, v30, _ =	vpop (xrf1)  }
0x5d: {  	v33 =	vld [tilespmem:s29+$0xFFFFFF00];
	v7 =	vperm.xlane v7, v4;
	(xrf2) =	vadd.scan.msk.f32 $0xffff, v15;
	v31, v32, _ =	vpop (xrf1)  }
0x5e: {  	v34 =	vld [tilespmem:s29+$0xFFFFFF10];
	(xrf1) =	vsort.dscd.msk.f32 $0xffff, v12, v3;
	v22, v23, _ =	vpop (xrf1)  }
0x5f: {  	vm1 =	vge.f32 v5, v7;
	v12 =	vperm.xlane v17, v4;
	v17 =	vld [tilespmem:s29+$0xFFFFFF90];
	(xrf1) =	vsort.dscd.msk.f32 $0xffff, v8, v2;
	v15, v24, _ =	vpop (xrf1)  }
0x60: {  	v6 =	vsel vm1, v6, v20;
	v8 =	vperm.xlane v26, v4;
	(xrf1) =	vsort.dscd.msk.f32 $0xffff, v27, v2;
	v20, v26, _ =	vpop (xrf1)  }
0x61: {  	v5 =	vsel vm1, v5, v7;
	(xrf1) =	vsort.dscd.msk.f32 $0xffff, v28, v2;
	v7, v27, _ =	vpop (xrf1)  }
0x62: {  	v30 =	vperm.xlane v30, v4;
	(xrf1) =	vsort.dscd.msk.f32 $0xffff, v33, v0;
	v20 =	vperm.xlane v20, v4;
	v28, v47, _ =	vpop (xrf1)  }
0x63: {  	v29 =	vperm.xlane v29, v4;
	v26 =	vperm.xlane v26, v4;
	(xrf1) =	vsort.dscd.msk.f32 $0xffff, v34, v1;
	v48, v35, _ =	vpop (xrf1)  }
0x64: {  	(xrf1) =	vsort.dscd.msk.f32 $0xffff, v17, v1;
	vm3 =	vge.f32 v48, v20  }
0x65: {  	v17, v36, _ =	vpop (xrf1);
	(xrf1) =	vsort.dscd.msk.f32 $0xffff, v5, v6;
	v5 =	vsel vm3, v35, v26  }
0x66: {  	vm1 =	vge.f32 v31, v12;
	vm2 =	vge.f32 v10, v29;
	v6 =	vld [tilespmem:s29+$0x90];
	v37, v38, _ =	vpop (xrf1)  }
0x67: {  	v19 =	vsel vm2, v19, v30;
	v20 =	vsel vm3, v48, v20;
	v26 =	vsel vm2, v10, v29;
	v29, v30, _ =	vpop (xrf1)  }
0x68: {  	v32 =	vsel vm1, v32, v8;
	(xrf1) =	vsort.dscd.msk.f32 $0xffff, v20, v5;
	v20 =	vld [tilespmem:s29+$0xFFFFFF80];
	v10, v8, _ =	vpop (xrf1)  }
0x69: {  	v9 =	vperm.xlane v9, v4;
	v31 =	vsel vm1, v31, v12;
	(xrf1) =	vsort.dscd.msk.f32 $0xffff, v26, v19;
	v19 =	vld [tilespmem:s29+$0x0];
	v12, v5, _ =	vpop (xrf1)  }
0x6a: {  	v26, _, _ =	vpop (xrf2);
	(xrf1) =	vsort.dscd.msk.f32 $0xffff, v31, v32;
	v31 =	vnsel vm0, $0x0, v12  }
0x6b: {  	vm1 =	vge.f32 v18, v9;
	v17 =	vperm.xlane v17, v4;
	(v2sf) =	vpush v26, $0xF;
	(xrf1) =	vsort.dscd.msk.f32 $0xffff, v6, v1  }
0x6c: {  	v9 =	vsel vm1, v18, v9;
	v26 =	vld [tilespmem:s29+$0x10];
	(xrf2) =	vadd.scan.msk.f32 $0xffff, v31  }
0x6d: {  	v6 =	vperm.xlane v11, v4;
	v11 =	vperm.xlane v36, v4;
	(xrf1) =	vsort.dscd.msk.f32 $0xffff, v20, v0;
	v20 =	vnsel vm0, $0x0, v10;
	v31, v49, _ =	vpop (xrf1)  }
0x6e: {  	s14 =	simm.s32 $0x700;
	v18 =	vperm.xlane v37, v4;
	vm2 =	vge.f32 v7, v17;
	(xrf1) =	vsort.dscd.msk.f32 $0xffff, v19, v0;
	v50, v51, _ =	vpop (xrf1)  }
0x6f: {  	v52 =	vld [tilespmem:s14+$0x80];
	v7 =	vsel vm2, v7, v17;
	v11 =	vsel vm2, v27, v11;
	(xrf2) =	vadd.scan.msk.f32 $0xffff, v20;
	v17, v19, _ =	vpop (xrf1)  }
0x70: {  	v6 =	vsel vm1, v21, v6;
	vm1 =	vge.f32 v50, v18;
	v20, v21, _ =	vpop (xrf1);
	(xrf1) =	vsort.dscd.msk.f32 $0xffff, v7, v11  }
0x71: {  	v7 =	vperm.xlane v38, v4;
	v11 =	vperm.xlane v31, v4;
	v27, v31, _ =	vpop (xrf1);
	(xrf1) =	vsort.dscd.msk.f32 $0xffff, v26, v1  }
0x72: {  	v26 =	vperm.xlane v49, v4;
	v54, v55, _ =	vpop (xrf1);
	(xrf1) =	vsort.dscd.msk.f32 $0xffff, v9, v6;
	v6 =	vsel vm1, v50, v18  }
0x73: {  	v53 =	vld [tilespmem:s14+$0x20];
	v7 =	vsel vm1, v51, v7;
	vm1 =	vge.f32 v17, v11  }
0x74: {  	v18 =	vld [tilespmem:s14+$0xB0];
	v9, v56, _ =	vpop (xrf1);
	(xrf1) =	vsort.dscd.msk.f32 $0xffff, v52, v0;
	v11 =	vsel vm1, v17, v11;
	v17 =	vsel vm1, v19, v26  }
0x75: {  	v19 =	vperm.xlane v54, v4;
	v57, v58, _ =	vpop (xrf1);
	(xrf1) =	vsort.dscd.msk.f32 $0xffff, v6, v7  }
0x76: {  	v25 =	vperm.xlane v25, v4;
	v26 =	vperm.xlane v29, v4;
	v7, v6, _ =	vpop (xrf1)  }
0x77: {  	v29 =	vld [tilespmem:s14+$0x30];
	v38 =	vperm.xlane v55, v4;
	(xrf1) =	vsort.dscd.msk.f32 $0xffff, v11, v17;
	vm2 =	vge.f32 v27, v19;
	v17, v59, _ =	vpop (xrf1)  }
0x78: {  	v39 =	vperm.xlane v9, v4;
	(xrf1) =	vsort.dscd.msk.f32 $0xffff, v53, v2;
	v19 =	vsel vm2, v27, v19;
	v11, v9, _ =	vpop (xrf1)  }
0x79: {  	v40 =	vld [tilespmem:s14+$0xFFFFFFB0];
	v27 =	vperm.xlane v28, v4;
	v28 =	vsel vm2, v31, v38;
	(xrf1) =	vsort.dscd.msk.f32 $0xffff, v18, v3;
	v18 =	vnsel vm0, $0x0, v11  }
0x7a: {  	v16 =	vperm.xlane v16, v4;
	v60, _, _ =	vpop (xrf2);
	s30 =	spop (v2sf);
	(xrf2) =	vadd.scan.msk.f32 $0xffff, v18;
	v18 =	vperm.xlane v47, v4  }
0x7b: {  	v43 =	vperm.xlane v15, v4;
	v38, _, _ =	vpop (xrf2);
	(xrf1) =	vsort.dscd.msk.f32 $0xffff, v19, v28;
	vm2 =	vge.f32 v20, v27;
	s11 =	sadd.f32 $9.999999710e-10, s30  }
0x7c: {  	v30 =	vperm.xlane v30, v4;
	v28, v31, _ =	vpop (xrf1);
	(xrf1) =	vsort.dscd.msk.f32 $0xffff, v29, v3;
	v20 =	vsel vm2, v20, v27  }
0x7d: {  	v27, v29, _ =	vpop (xrf1);
	v62 =	vmov s11;
	v21 =	vsel vm2, v21, v18;
	vm2 =	vge.f32 v17, v25  }
0x7e: {  	v61 =	vld [tilespmem:s14+$0xFFFFFF30];
	(v2sf) =	vpush v60, $0xF;
	(xrf1) =	vsort.dscd.msk.f32 $0xffff, v40, v3;
	v41, v42, _ =	vpop (xrf1);
	(erf) = vrcp.f32 v62;
	v17 =	vsel vm2, v17, v25  }
0x7f: {  	v63 =	vld [tilespmem:s14+$0xFFFFFFA0];
	vm1 =	vge.f32 v57, v26;
	v50 =	vnsel vm0, $0x0, v7;
	(xrf1) =	vsort.dscd.msk.f32 $0xffff, v20, v21;
	v16 =	vsel vm2, v59, v16;
	v19, v18, _ =	vpop (xrf1)  }
0x80: {  	(v2sf) =	vpush v38, $0xF;
	v28 =	vperm.xlane v28, v4;
	v20 =	vsel vm1, v57, v26;
	v25 =	vld [tilespmem:s14+$0xFFFFFF20];
	(xrf1) =	vsort.dscd.msk.f32 $0xffff, v17, v16;
	v48, v49, _ =	vpop (xrf1)  }
0x81: {  	v31 =	vperm.xlane v31, v4;
	(xrf2) =	vadd.scan.msk.f32 $0xffff, v50;
	v21 =	vsel vm1, v58, v30;
	v30 =	vperm.xlane v56, v4;
	v51, v52, _ =	vpop (xrf1)  }
0x82: {  	v26 =	vld [tilespmem:s14+$0xA0];
	vm1 =	vge.f32 v27, v39;
	vm2 =	vge.f32 v22, v28;
	(xrf1) =	vsort.dscd.msk.f32 $0xffff, v20, v21;
	v16, v17, _ =	vpop (xrf1)  }
0x83: {  	v44 =	vld [tilespmem:s14+$0xFFFFFF00];
	v54 =	vsel vm2, v23, v31;
	v23 =	vperm.xlane v24, v4;
	(xrf1) =	vsort.dscd.msk.f32 $0xffff, v61, v3;
	v20, v15, _ =	vpop (xrf1)  }
0x84: {  	v21 =	vsel vm1, v29, v30;
	v30 =	vld [tilespmem:s14+$0xFFFFFF10];
	v29 =	vsel vm1, v27, v39;
	(xrf1) =	vsort.dscd.msk.f32 $0xffff, v63, v2;
	v45, _, _ =	vpop (xrf2)  }
0x85: {  	s31 =	simm.s32 $0x0;
	v53 =	vld [tilespmem:s14+$0xFFFFFF90];
	v27 =	vperm.xlane v48, v4;
	vm1 =	vge.f32 v51, v43;
	(xrf1) =	vsort.dscd.msk.f32 $0xffff, v25, v2;
	v24, v25, _ =	vpop (xrf1)  }
0x86: {  	v55 =	vor.u32 s31, v0;
	v22 =	vsel vm2, v22, v28;
	v31 =	vsel vm1, v51, v43;
	v46, v32, _ =	vpop (xrf1)  }
0x87: {  	v35 =	vsel vm1, v52, v23;
	vm1 =	vge.f32 v41, v27;
	(xrf1) =	vsort.dscd.msk.f32 $0xffff, v26, v2;
	v28 =	vpop (erf);
	(v2sf) =	vpush v45, $0xF  }
0x88: {  	(xrf1) =	vsort.dscd.msk.f32 $0xffff, v44, v0;
	v24 =	vperm.xlane v24, v4;
	v60 =	vperm.xlane v25, v4;
	v26, v23, _ =	vpop (xrf1)  }
0x89: {  	(xrf1) =	vsort.dscd.msk.f32 $0xffff, v30, v1;
	v30 =	vperm.xlane v49, v4;
	v14 =	vmul.f32 v28, v14;
	v57, v56, _ =	vpop (xrf1)  }
0x8a: {  	v28 =	vsel vm1, v41, v27;
	(xrf1) =	vsort.dscd.msk.f32 $0xffff, v53, v1;
	v59, v58, _ =	vpop (xrf1);
	vm2 =	vge.f32 v57, v24  }
0x8b: {  	v25 =	vld [tilespmem:s14+$0x0];
	v63, _, _ =	vpop (xrf2);
	(xrf1) =	vsort.dscd.msk.f32 $0xffff, v22, v54;
	v39 =	vsel vm1, v42, v30;
	v61 =	vperm.xlane v59, v4  }
0x8c: {  	s13 =	simm.s32 $0x4;
	s12 =	simm.s32 $0x8;
	s18 =	simm.s32 $0x10;
	v27 =	vld [tilespmem:s14+$0x90];
	[tilespmem:v55+s8+$0x0] =	vst.idx.msk $0xff, v14;
	v62, v33, _ =	vpop (xrf1);
	v24 =	vsel vm2, v57, v24;
	v43 =	vsel vm2, v56, v60  }
0x8d: {  	s15 =	simm.s32 $0x80;
	s16 =	simm.s32 $0x100;
	s19 =	spop (v2sf);
	v22 =	vld [tilespmem:s14+$0x10];
	v40 =	vperm.xlane v58, v4;
	[tilespmem:v55+s9+$0x0] =	vst.idx.msk $0xff, v13;
	vm1 =	vge.f32 v46, v61;
	v34, v37, _ =	vpop (xrf1)  }
0x8e: {  	s17 =	simm.s32 $0x180;
	s11 =	simm.s32 $0xC;
	(v2sf) =	vpush v63, $0xF;
	s20 =	sadd.f32 $9.999999710e-10, s19;
	v30 =	vld [tilespmem:s14+$0xFFFFFF80];
	v38 =	vperm.xlane v62, v4;
	(xrf1) =	vsort.dscd.msk.f32 $0xffff, v24, v43;
	v36 =	vsel vm1, v46, v61;
	v14, v13, _ =	vpop (xrf1)  }
.LBB2_2:
0x8f: {  	p0 =	slt.u32 s18, $0xBC  }
0x90: {  	v24 =	vperm.xlane v33, v4;
	v40 =	vsel vm1, v32, v40;
	(xrf1) =	vsort.dscd.msk.f32 $0xffff, v28, v39;
	v39 =	vnsel vm0, $0x0, v14;
	v33, v32, _ =	vpop (xrf1);
	s21 =	spop (v2sf);
	s19 =	smov.u32 s18;
	s18 =	sadd.s32 $0x4, s18  }
0x91: {  	v28 =	vperm.xlane v37, v4;
	v42 =	vnsel vm0, $0x0, v33;
	(xrf1) =	vsort.dscd.msk.f32 $0xffff, v31, v35;
	s21 =	sadd.f32 $9.999999710e-10, s21;
	v31 =	vmov s20  }
0x92: {  	v35, v41, _ =	vpop (xrf1);
	(xrf2) =	vadd.scan.msk.f32 $0xffff, v42;
	(erf) = vrcp.f32 v31  }
0x93: {  	v31 =	vperm.xlane v35, v4;
	v35, v37, _ =	vpop (xrf1);
	v42 =	vmov s21  }
0x94: {  	v41 =	vperm.xlane v41, v4;
	vm1 =	vge.f32 v35, v38;
	v43, v44, _ =	vpop (xrf1);
	(xrf1) =	vsort.dscd.msk.f32 $0xffff, v27, v1  }
0x95: {  	s14 =	sadd.s32 $0x200, s14;
	v34 =	vperm.xlane v34, v4;
	vm2 =	vge.f32 v43, v31;
	(xrf1) =	vsort.dscd.msk.f32 $0xffff, v30, v0;
	v30, v45, _ =	vpop (xrf1)  }
0x96: {  	v27 =	vld [tilespmem:s14+$0x80];
	v43 =	vsel vm2, v43, v31;
	v41 =	vsel vm2, v44, v41;
	v44, v46, _ =	vpop (xrf1);
	(xrf1) =	vsort.dscd.msk.f32 $0xffff, v25, v0;
	s20 =	spop (v2sf)  }
0x97: {  	v24 =	vsel vm1, v37, v24;
	v25 =	vsel vm1, v35, v38;
	v47 =	vld [tilespmem:s14+$0x20];
	v35, v37, _ =	vpop (xrf1);
	(xrf2) =	vadd.scan.msk.f32 $0xffff, v39;
	s20 =	sadd.f32 $9.999999710e-10, s20;
	(erf) = vrcp.f32 v42  }
0x98: {  	v31 =	vld [tilespmem:s14+$0xA0];
	v35 =	vperm.xlane v35, v4;
	v38, v39, _ =	vpop (xrf1);
	(xrf1) =	vsort.dscd.msk.f32 $0xffff, v36, v40;
	v36 =	vor.u32 s17, v0  }
0x99: {  	v37 =	vperm.xlane v37, v4;
	v40 =	vld [tilespmem:s14+$0xB0];
	v38 =	vperm.xlane v38, v4;
	(xrf1) =	vsort.dscd.msk.f32 $0xffff, v22, v1;
	v22 =	vmov s20  }
0x9a: {  	v39 =	vperm.xlane v39, v4;
	v42 =	vld [tilespmem:s14+$0x30];
	(xrf1) =	vsort.dscd.msk.f32 $0xffff, v29, v21;
	v21, v29, _ =	vpop (xrf1)  }
0x9b: {  	v48 =	vld [tilespmem:s14+$0xFFFFFFB0];
	(xrf1) =	vsort.dscd.msk.f32 $0xffff, v27, v0;
	v27 =	vpop (erf)  }
0x9c: {  	vm1 =	vge.f32 v21, v34;
	v49 =	vld [tilespmem:s14+$0xFFFFFF30];
	(xrf1) =	vsort.dscd.msk.f32 $0xffff, v25, v24;
	v50, _, _ =	vpop (xrf2);
	v12 =	vmul.f32 v27, v12;
	(erf) = vrcp.f32 v22  }
0x9d: {  	v51 =	vperm.xlane v20, v4;
	v20 =	vperm.xlane v19, v4;
	v52 =	vsel vm1, v21, v34;
	v27 =	vld [tilespmem:s14+$0x90];
	v34, v24, _ =	vpop (xrf1);
	s17 =	spop (v2sf)  }
0x9e: {  	vm2 =	vge.f32 v44, v35;
	v25 =	vld [tilespmem:s14+$0x0];
	(xrf1) =	vsort.dscd.msk.f32 $0xffff, v43, v41;
	v41 =	vnsel vm0, $0x0, v34;
	v43, v53, _ =	vpop (xrf1);
	s17 =	sadd.f32 $9.999999710e-10, s17;
	[tilespmem:v36+s8+$0x0] =	vst.idx.msk $0xff, v12  }
0x9f: {  	v19 =	vperm.xlane v26, v4;
	v12 =	vsel vm2, v44, v35;
	v35 =	vor.u32 s16, v0;
	v22 =	vld [tilespmem:s14+$0x10];
	(xrf1) =	vsort.dscd.msk.f32 $0xffff, v47, v2;
	v26, v44, _ =	vpop (xrf1)  }
0xa0: {  	v23 =	vperm.xlane v23, v4;
	v21 =	vsel vm2, v46, v37;
	v47 =	vld [tilespmem:s14+$0xFFFFFFA0];
	(xrf1) =	vsort.dscd.msk.f32 $0xffff, v40, v3;
	v55 =	vnsel vm0, $0x0, v26;
	v40 =	vpop (erf)  }
0xa1: {  	v54 =	vperm.xlane v18, v4;
	vm2 =	vge.f32 v30, v19;
	v46 =	vld [tilespmem:s14+$0xFFFFFF20];
	(xrf2) =	vadd.scan.msk.f32 $0xffff, v55;
	v37, _, _ =	vpop (xrf2);
	v10 =	vmul.f32 v40, v10  }
0xa2: {  	v30 =	vsel vm2, v30, v19;
	v23 =	vsel vm2, v45, v23;
	v45 =	vmov s17;
	(xrf1) =	vsort.dscd.msk.f32 $0xffff, v12, v21;
	v18, v40, _ =	vpop (xrf1)  }
0xa3: {  	v56 =	vor.u32 s15, v0;
	(xrf1) =	vsort.dscd.msk.f32 $0xffff, v42, v3;
	v42 =	vperm.xlane v18, v4;
	v55, v12, _ =	vpop (xrf1);
	[tilespmem:v36+s9+$0x0] =	vst.idx.msk $0xff, v5  }
0xa4: {  	vm3 =	vge.f32 v43, v20;
	v36 =	vld [tilespmem:s14+$0xFFFFFF90];
	(xrf1) =	vsort.dscd.msk.f32 $0xffff, v48, v3;
	vm2 =	vge.f32 v55, v38;
	v48, v57, _ =	vpop (xrf1);
	(v2sf) =	vpush v50, $0xF  }
0xa5: {  	v5 =	vmov v32;
	v21 =	vsel vm2, v12, v39;
	[tilespmem:v35+s8+$0x0] =	vst.idx.msk $0xff, v10;
	v10 =	vpop (erf);
	v12 =	vmov v33  }
0xa6: {  	v20 =	vsel vm3, v43, v20;
	v33 =	vld [tilespmem:s14+$0xFFFFFF10];
	v19, v18, _ =	vpop (xrf1);
	(xrf1) =	vsort.dscd.msk.f32 $0xffff, v30, v23;
	v23 =	vsel vm3, v53, v54;
	(erf) = vrcp.f32 v45  }
0xa7: {  	v29 =	vsel vm1, v29, v28;
	v45 =	vmul.f32 v10, v11;
	v30 =	vld [tilespmem:s14+$0xFFFFFF80];
	v39, v43, _ =	vpop (xrf1);
	(xrf1) =	vsort.dscd.msk.f32 $0xffff, v20, v23;
	(v2sf) =	vpush v37, $0xF  }
0xa8: {  	v32 =	vperm.xlane v40, v4;
	v11 =	vmov v26;
	v10 =	vmov v14;
	v37, v40, _ =	vpop (xrf1);
	(xrf1) =	vsort.dscd.msk.f32 $0xffff, v52, v29  }
0xa9: {  	vm1 =	vge.f32 v16, v42;
	v14 =	vld [tilespmem:s14+$0xFFFFFF00];
	v26, v28, _ =	vpop (xrf1);
	(xrf2) =	vadd.scan.msk.f32 $0xffff, v41;
	[tilespmem:v56+s8+$0x0] =	vst.idx.msk $0xff, v45  }
0xaa: {  	v41 =	vsel vm1, v17, v32;
	(xrf1) =	vsort.dscd.msk.f32 $0xffff, v49, v3;
	v20, v23, _ =	vpop (xrf1);
	[tilespmem:v35+s9+$0x0] =	vst.idx.msk $0xff, v8;
	v17 =	vmov v28  }
0xab: {  	v29 =	vsel vm2, v55, v38;
	v8 =	vperm.xlane v15, v4;
	(xrf1) =	vsort.dscd.msk.f32 $0xffff, v47, v2;
	v28, _, _ =	vpop (xrf2);
	v15 =	vmov v23  }
0xac: {  	v38 =	vsel vm1, v16, v42;
	vm1 =	vge.f32 v37, v51;
	v16 =	vmov v26;
	(xrf1) =	vsort.dscd.msk.f32 $0xffff, v46, v2;
	v42, v45, _ =	vpop (xrf1)  }
0xad: {  	s17 =	sshll.u32 s13, $0x7;
	s13 =	smov.u32 s12;
	s12 =	smov.u32 s11;
	v35 =	vsel vm1, v40, v8;
	v46, v32, _ =	vpop (xrf1);
	(xrf1) =	vsort.dscd.msk.f32 $0xffff, v31, v2;
	v31 =	vsel vm1, v37, v51;
	(v2sf) =	vpush v28, $0xF  }
0xae: {  	s15 =	sadd.s32 $0x80, s17;
	s16 =	sadd.s32 $0x100, s17;
	v8 =	vperm.xlane v39, v4;
	(xrf1) =	vsort.dscd.msk.f32 $0xffff, v14, v0;
	v26, v23, _ =	vpop (xrf1);
	v14 =	vor.u32 s17, v0;
	s17 =	sadd.s32 $0x180, s17;
	[tilespmem:v56+s9+$0x0] =	vst.idx.msk $0xff, v9  }
0xaf: {  	s11 =	smov.u32 s19;
	v39 =	vperm.xlane v43, v4;
	v37 =	vperm.xlane v42, v4;
	v9 =	vmov v44;
	(xrf1) =	vsort.dscd.msk.f32 $0xffff, v33, v1;
	v28 =	vpop (erf)  }
0xb0: {  	vm1 =	vge.f32 v48, v8;
	(xrf1) =	vsort.dscd.msk.f32 $0xffff, v36, v1;
	v36, v40, _ =	vpop (xrf1);
	v42 =	vmul.f32 v28, v7;
	v7 =	vmov v34  }
.Ltmp0:
0xb1: {  	v43 =	vperm.xlane v45, v4;
	v28 =	vsel vm1, v48, v8;
	v47, v34, _ =	vpop (xrf1);
	vm2 =	vge.f32 v36, v37;
	(pc) =	sbr.rel @p0 .LBB2_2-.Ltmp0, $4  }
0xb2: {  	v8 =	vmov v13;
	v44 =	vperm.xlane v47, v4;
	v45, v33, _ =	vpop (xrf1);
	v47 =	vsel vm2, v36, v37;
	(xrf1) =	vsort.dscd.msk.f32 $0xffff, v38, v41  }
0xb3: {  	v39 =	vsel vm1, v57, v39;
	v41 =	vsel vm2, v40, v43;
	v36, _, _ =	vpop (xrf2);
	[tilespmem:v14+s8+$0x0] =	vst.idx.msk $0xff, v42;
	s19 =	spop (v2sf)  }
0xb4: {  	v40 =	vperm.xlane v34, v4;
	vm1 =	vge.f32 v46, v44;
	v34, v37, _ =	vpop (xrf1);
	(v2sf) =	vpush v36, $0xF;
	[tilespmem:v14+s9+$0x0] =	vst.idx.msk $0xff, v6;
	s20 =	sadd.f32 $9.999999710e-10, s19  }
0xb5: {  	v38 =	vperm.xlane v45, v4;
	v6 =	vmov v24;
	v36 =	vsel vm1, v46, v44;
	(xrf1) =	vsort.dscd.msk.f32 $0xffff, v47, v41;
	v14, v13, _ =	vpop (xrf1)  }
0xb6: {  	_ = 	snop  }
0xb7: {  	(xrf1) =	vsort.dscd.msk.f32 $0xffff, v28, v39;
	v28, v24, _ =	vpop (xrf1)  }
0xb8: {  	(xrf1) =	vsort.dscd.msk.f32 $0xffff, v31, v35;
	v31, v35, _ =	vpop (xrf1)  }
0xb9: {  	(xrf1) =	vsort.dscd.msk.f32 $0xffff, v27, v1;
	v45, v41, _ =	vpop (xrf1)  }
0xba: {  	v46 =	vperm.xlane v33, v4;
	v31 =	vperm.xlane v31, v4;
	(xrf1) =	vsort.dscd.msk.f32 $0xffff, v30, v0;
	v47, v42, _ =	vpop (xrf1)  }
0xbb: {  	v48 =	vsel vm1, v32, v40;
	v49 =	vperm.xlane v35, v4;
	(xrf1) =	vsort.dscd.msk.f32 $0xffff, v25, v0;
	v35, v40, _ =	vpop (xrf1)  }
0xbc: {  	vm1 =	vge.f32 v45, v38;
	vm2 =	vge.f32 v47, v31;
	(xrf1) =	vsort.dscd.msk.f32 $0xffff, v36, v48;
	v50, v43, _ =	vpop (xrf1)  }
0xbd: {  	v52 =	vsel vm1, v45, v38;
	v55 =	vsel vm1, v41, v46;
	(xrf1) =	vsort.dscd.msk.f32 $0xffff, v22, v1;
	v54, v53, _ =	vpop (xrf1)  }
0xbe: {  	v51 =	vsel vm2, v47, v31;
	(xrf1) =	vsort.dscd.msk.f32 $0xffff, v29, v21;
	v56 =	vperm.xlane v54, v4  }
0xbf: {  	v57 =	vsel vm2, v42, v49;
	v58 =	vperm.xlane v53, v4;
	(xrf1) =	vsort.dscd.msk.f32 $0xffff, v52, v55  }
0xc0: {  	(xrf1) =	vsort.dscd.msk.f32 $0xffff, v51, v57;
	vm1 =	vge.f32 v50, v56  }
0xc1: {  	v59 =	vsel vm1, v50, v56;
	v60 =	vsel vm1, v43, v58  }
0xc2: {  	v29, v30, _ =	vpop (xrf1);
	(xrf1) =	vsort.dscd.msk.f32 $0xffff, v59, v60  }
0xc3: {  	v62, v61, _ =	vpop (xrf1)  }
0xc4: {  	v25, v21, _ =	vpop (xrf1)  }
0xc5: {  	v26 =	vperm.xlane v26, v4;
	v63, v48, _ =	vpop (xrf1)  }
0xc6: {  	v27, v22, _ =	vpop (xrf1)  }
0xc7: {  	v23 =	vperm.xlane v23, v4;
	vm2 =	vge.f32 v35, v26;
	v38, v39, _ =	vpop (xrf1)  }
0xc8: {  	v34 =	vperm.xlane v34, v4;
	v37 =	vperm.xlane v37, v4;
	v26 =	vsel vm2, v35, v26;
	v49, v50, _ =	vpop (xrf1)  }
0xc9: {  	v19 =	vperm.xlane v19, v4;
	v23 =	vsel vm2, v40, v23;
	v51, v44, _ =	vpop (xrf1)  }
0xca: {  	v18 =	vperm.xlane v18, v4;
	vm1 =	vge.f32 v62, v34;
	v52, v45, _ =	vpop (xrf1)  }
0xcb: {  	v31 =	vsel vm1, v62, v34;
	vm2 =	vge.f32 v63, v19;
	v53, v54, _ =	vpop (xrf1)  }
0xcc: {  	(xrf1) =	vsort.dscd.msk.f32 $0xffff, v26, v23;
	v19 =	vsel vm2, v63, v19;
	v18 =	vsel vm2, v48, v18;
	v23, v26, _ =	vpop (xrf1)  }
0xcd: {  	v32 =	vsel vm1, v61, v37;
	v55 =	vperm.xlane v38, v4;
	(xrf1) =	vsort.dscd.msk.f32 $0xffff, v19, v18;
	v36, v37, _ =	vpop (xrf1)  }
0xce: {  	v56 =	vperm.xlane v20, v4;
	v57 =	vperm.xlane v39, v4;
	(xrf1) =	vsort.dscd.msk.f32 $0xffff, v31, v32;
	v58, v59, _ =	vpop (xrf1)  }
0xcf: {  	vm1 =	vge.f32 v16, v55;
	v60 =	vperm.xlane v53, v4;
	v20 =	vperm.xlane v58, v4  }
0xd0: {  	v17 =	vsel vm1, v17, v57;
	v16 =	vsel vm1, v16, v55;
	v31 =	vperm.xlane v59, v4;
	v61, v62, _ =	vpop (xrf1)  }
0xd1: {  	v63 =	vperm.xlane v54, v4;
	vm1 =	vge.f32 v51, v60;
	vm2 =	vge.f32 v61, v20  }
0xd2: {  	(xrf1) =	vsort.dscd.msk.f32 $0xffff, v16, v17;
	v19 =	vsel vm2, v61, v20;
	v38 =	vsel vm2, v62, v31  }
0xd3: {  	v39 =	vsel vm1, v51, v60;
	v40 =	vsel vm1, v44, v63;
	(xrf1) =	vsort.dscd.msk.f32 $0xffff, v19, v38  }
0xd4: {  	v15 =	vperm.xlane v15, v4;
	v43 =	vperm.xlane v29, v4;
	(xrf1) =	vsort.dscd.msk.f32 $0xffff, v39, v40  }
0xd5: {  	v44 =	vperm.xlane v30, v4;
	vm1 =	vge.f32 v23, v56  }
0xd6: {  	v18 =	vsel vm1, v23, v56;
	v15 =	vsel vm1, v26, v15;
	vm2 =	vge.f32 v49, v43  }
0xd7: {  	v17 =	vsel vm2, v50, v44;
	v16 =	vsel vm2, v49, v43;
	(xrf1) =	vsort.dscd.msk.f32 $0xffff, v18, v15  }
0xd8: {  	(xrf1) =	vsort.dscd.msk.f32 $0xffff, v16, v17;
	_ =	sdelay $0x4  }
0xd9: {  	v47, v46, _ =	vpop (xrf1)  }
0xda: {  	v19, v16, _ =	vpop (xrf1)  }
0xdb: {  	v23, v18, _ =	vpop (xrf1)  }
0xdc: {  	v49, v48, _ =	vpop (xrf1)  }
0xdd: {  	v51 =	vperm.xlane v52, v4;
	v17, v15, _ =	vpop (xrf1)  }
0xde: {  	v55 =	vperm.xlane v45, v4;
	v52 =	vnsel vm0, $0x0, v28;
	v50 =	vperm.xlane v47, v4;
	v53, v54, _ =	vpop (xrf1)  }
0xdf: {  	v57 =	vperm.xlane v36, v4;
	(xrf2) =	vadd.scan.msk.f32 $0xffff, v52;
	v56 =	vperm.xlane v46, v4;
	vm2 =	vge.f32 v53, v51  }
0xe0: {  	vm1 =	vge.f32 v49, v50;
	v31 =	vsel vm2, v53, v51;
	v58 =	vsel vm2, v54, v55  }
0xe1: {  	v30 =	vsel vm1, v49, v50;
	v29 =	vsel vm1, v48, v56;
	v26, v20, _ =	vpop (xrf1);
	(xrf1) =	vsort.dscd.msk.f32 $0xffff, v31, v58  }
0xe2: {  	v59 =	vnsel vm0, $0x0, v14;
	v61 =	vperm.xlane v37, v4;
	v60, v34, _ =	vpop (xrf1);
	(xrf1) =	vsort.dscd.msk.f32 $0xffff, v30, v29  }
0xe3: {  	(xrf2) =	vadd.scan.msk.f32 $0xffff, v59;
	v62 =	vnsel vm0, $0x0, v27;
	vm1 =	vge.f32 v60, v57  }
0xe4: {  	(xrf2) =	vadd.scan.msk.f32 $0xffff, v62;
	v63 =	vsel vm1, v60, v57;
	v29 =	vsel vm1, v34, v61  }
0xe5: {  	(xrf1) =	vsort.dscd.msk.f32 $0xffff, v63, v29  }
0xe6: {  	v33 =	vnsel vm0, $0x0, v25  }
0xe7: {  	(xrf2) =	vadd.scan.msk.f32 $0xffff, v33;
	v34 =	vnsel vm0, $0x0, v23  }
0xe8: {  	(xrf2) =	vadd.scan.msk.f32 $0xffff, v34  }
0xe9: {  	v35, _, _ =	vpop (xrf2)  }
0xea: {  	v36 =	vnsel vm0, $0x0, v19;
	(v2sf) =	vpush v35, $0xF  }
0xeb: {  	(xrf2) =	vadd.scan.msk.f32 $0xffff, v36  }
0xec: {  	v37 =	vnsel vm0, $0x0, v26  }
0xed: {  	v38, _, _ =	vpop (xrf2);
	(xrf2) =	vadd.scan.msk.f32 $0xffff, v37  }
0xee: {  	(v2sf) =	vpush v38, $0xF;
	v39, _, _ =	vpop (xrf2)  }
0xef: {  	(v2sf) =	vpush v39, $0xF;
	v40 =	vnsel vm0, $0x0, v17;
	v30, v29, _ =	vpop (xrf1)  }
0xf0: {  	s14 =	spop (v2sf);
	(xrf2) =	vadd.scan.msk.f32 $0xffff, v40;
	v34, v31, _ =	vpop (xrf1)  }
0xf1: {  	s14 =	sadd.f32 $9.999999710e-10, s14;
	v47 =	vmov s20;
	v41, _, _ =	vpop (xrf2);
	v42 =	vnsel vm0, $0x0, v34  }
0xf2: {  	(erf) = vrcp.f32 v47;
	v43, _, _ =	vpop (xrf2);
	(xrf2) =	vadd.scan.msk.f32 $0xffff, v42  }
0xf3: {  	s18 =	spop (v2sf);
	(v2sf) =	vpush v41, $0xF;
	v49 =	vmov s14;
	v44 =	vnsel vm0, $0x0, v30;
	v33, v32, _ =	vpop (xrf1)  }
0xf4: {  	s18 =	sadd.f32 $9.999999710e-10, s18;
	(erf) = vrcp.f32 v49;
	(v2sf) =	vpush v43, $0xF;
	v45 =	vnsel vm0, $0x0, v33;
	(xrf2) =	vadd.scan.msk.f32 $0xffff, v44  }
0xf5: {  	v46, _, _ =	vpop (xrf2);
	(xrf2) =	vadd.scan.msk.f32 $0xffff, v45  }
0xf6: {  	v51 =	vmov s18;
	(v2sf) =	vpush v46, $0xF  }
0xf7: {  	(erf) = vrcp.f32 v51;
	v48, _, _ =	vpop (xrf2)  }
0xf8: {  	s24 =	spop (v2sf);
	(v2sf) =	vpush v48, $0xF  }
0xf9: {  	s14 =	sadd.f32 $9.999999710e-10, s24;
	s25 =	spop (v2sf)  }
0xfa: {  	s18 =	sadd.f32 $9.999999710e-10, s25;
	v50, _, _ =	vpop (xrf2)  }
0xfb: {  	v56 =	vor.u32 s17, v0;
	v53 =	vmov s14;
	v58 =	vpop (erf);
	(v2sf) =	vpush v50, $0xF  }
0xfc: {  	(erf) = vrcp.f32 v53;
	v54 =	vmov s18;
	v52, _, _ =	vpop (xrf2)  }
0xfd: {  	s26 =	spop (v2sf);
	v63 =	vpop (erf);
	(erf) = vrcp.f32 v54;
	(v2sf) =	vpush v52, $0xF  }
0xfe: {  	v12 =	vmul.f32 v58, v12;
	s14 =	sadd.f32 $9.999999710e-10, s26;
	s28 =	spop (v2sf);
	v55, _, _ =	vpop (xrf2)  }
0xff: {  	s17 =	sadd.f32 $9.999999710e-10, s28;
	(v2sf) =	vpush v55, $0xF;
	v57, _, _ =	vpop (xrf2)  }
0x100: {  	v61 =	vor.u32 s15, v0;
	[tilespmem:v56+s8+$0x0] =	vst.idx.msk $0xff, v12;
	v60 =	vmov s14;
	v42 =	vpop (erf);
	(v2sf) =	vpush v57, $0xF  }
0x101: {  	[tilespmem:v56+s9+$0x0] =	vst.idx.msk $0xff, v5;
	(erf) = vrcp.f32 v60;
	v62 =	vmov s17;
	v5 =	vmul.f32 v42, v11  }
0x102: {  	v59 =	vor.u32 s16, v0;
	s29 =	spop (v2sf);
	(erf) = vrcp.f32 v62  }
0x103: {  	s13 =	sshll.u32 s13, $0x7;
	s14 =	sadd.f32 $9.999999710e-10, s29;
	s30 =	spop (v2sf)  }
0x104: {  	s17 =	sadd.s32 $0x180, s13;
	v43 =	vor.u32 s13, v0;
	s15 =	sadd.f32 $9.999999710e-10, s30  }
0x105: {  	v10 =	vmul.f32 v63, v10;
	v46 =	vor.u32 s17, v0;
	v44 =	vmov s14;
	[tilespmem:v61+s8+$0x0] =	vst.idx.msk $0xff, v5;
	v5 =	vpop (erf);
	s31 =	spop (v2sf)  }
0x106: {  	(erf) = vrcp.f32 v44;
	v5 =	vmul.f32 v5, v7;
	v7 =	vpop (erf);
	s14 =	sadd.f32 $9.999999710e-10, s31;
	v45 =	vmov s15  }
0x107: {  	[tilespmem:v59+s8+$0x0] =	vst.idx.msk $0xff, v10;
	v7 =	vmul.f32 v7, v28;
	s18 =	spop (v2sf);
	(erf) = vrcp.f32 v45  }
0x108: {  	s19 =	sadd.s32 $0x100, s13;
	[tilespmem:v59+s9+$0x0] =	vst.idx.msk $0xff, v8;
	s13 =	sadd.s32 $0x80, s13;
	s15 =	sadd.f32 $9.999999710e-10, s18;
	v48 =	vmov s14  }
0x109: {  	[tilespmem:v43+s8+$0x0] =	vst.idx.msk $0xff, v5;
	v5 =	vor.u32 s13, v0;
	(erf) = vrcp.f32 v48  }
0x10a: {  	v47 =	vor.u32 s19, v0;
	[tilespmem:v43+s9+$0x0] =	vst.idx.msk $0xff, v6;
	v6 =	vpop (erf);
	s20 =	spop (v2sf);
	v49 =	vmov s15  }
0x10b: {  	[tilespmem:v46+s8+$0x0] =	vst.idx.msk $0xff, v7;
	v6 =	vmul.f32 v6, v14;
	v7 =	vpop (erf);
	s21 =	sadd.f32 $9.999999710e-10, s20;
	(erf) = vrcp.f32 v49  }
0x10c: {  	s12 =	sshll.u32 s12, $0x7;
	[tilespmem:v61+s9+$0x0] =	vst.idx.msk $0xff, v9;
	v7 =	vmul.f32 v7, v27;
	s22 =	spop (v2sf)  }
0x10d: {  	s24 =	sadd.s32 $0x180, s12;
	v50 =	vor.u32 s12, v0;
	[tilespmem:v46+s9+$0x0] =	vst.idx.msk $0xff, v24;
	v51 =	vmov s21;
	s23 =	sadd.f32 $9.999999710e-10, s22  }
0x10e: {  	[tilespmem:v5+s8+$0x0] =	vst.idx.msk $0xff, v7;
	v7 =	vor.u32 s24, v0;
	(erf) = vrcp.f32 v51;
	s25 =	spop (v2sf)  }
0x10f: {  	[tilespmem:v47+s8+$0x0] =	vst.idx.msk $0xff, v6;
	v6 =	vpop (erf);
	s26 =	sadd.f32 $9.999999710e-10, s25;
	s28 =	spop (v2sf);
	v52 =	vmov s23  }
0x110: {  	s29 =	sadd.s32 $0x100, s12;
	[tilespmem:v47+s9+$0x0] =	vst.idx.msk $0xff, v13;
	v6 =	vmul.f32 v6, v25;
	v53 =	vpop (erf);
	s13 =	sadd.f32 $9.999999710e-10, s28;
	(erf) = vrcp.f32 v52  }
0x111: {  	v54 =	vor.u32 s29, v0;
	s12 =	sadd.s32 $0x80, s12;
	[tilespmem:v5+s9+$0x0] =	vst.idx.msk $0xff, v22;
	v5 =	vmul.f32 v53, v23;
	v55 =	vmov s26  }
0x112: {  	[tilespmem:v50+s8+$0x0] =	vst.idx.msk $0xff, v6;
	v6 =	vor.u32 s12, v0;
	v57 =	vpop (erf);
	(erf) = vrcp.f32 v55;
	v56 =	vmov s13  }
0x113: {  	[tilespmem:v7+s8+$0x0] =	vst.idx.msk $0xff, v5;
	v5 =	vmul.f32 v57, v19;
	(erf) = vrcp.f32 v56  }
0x114: {  	s11 =	sshll.u32 s11, $0x7;
	[tilespmem:v50+s9+$0x0] =	vst.idx.msk $0xff, v21;
	v58 =	vpop (erf)  }
0x115: {  	v59 =	vor.u32 s11, v0;
	[tilespmem:v7+s9+$0x0] =	vst.idx.msk $0xff, v18;
	v7 =	vmul.f32 v58, v26  }
0x116: {  	s30 =	sadd.s32 $0x180, s11;
	[tilespmem:v54+s8+$0x0] =	vst.idx.msk $0xff, v5  }
0x117: {  	[tilespmem:v6+s8+$0x0] =	vst.idx.msk $0xff, v7;
	v7 =	vor.u32 s30, v0;
	v5 =	vpop (erf)  }
0x118: {  	s31 =	sadd.s32 $0x100, s11;
	[tilespmem:v54+s9+$0x0] =	vst.idx.msk $0xff, v16;
	v5 =	vmul.f32 v5, v17  }
0x119: {  	s11 =	sadd.s32 $0x80, s11;
	[tilespmem:v6+s9+$0x0] =	vst.idx.msk $0xff, v20;
	v6 =	vor.u32 s31, v0;
	v60 =	vpop (erf)  }
0x11a: {  	v61 =	vor.u32 s11, v0;
	[tilespmem:v59+s8+$0x0] =	vst.idx.msk $0xff, v5;
	v5 =	vmul.f32 v60, v34  }
0x11b: {  	[tilespmem:v59+s9+$0x0] =	vst.idx.msk $0xff, v15;
	v62 =	vpop (erf)  }
0x11c: {  	v63 =	vpop (erf);
	[tilespmem:v7+s8+$0x0] =	vst.idx.msk $0xff, v5;
	v5 =	vmul.f32 v62, v30  }
0x11d: {  	[tilespmem:v7+s9+$0x0] =	vst.idx.msk $0xff, v31;
	v7 =	vmul.f32 v63, v33  }
0x11e: {  	[tilespmem:v6+s8+$0x0] =	vst.idx.msk $0xff, v5  }
0x11f: {  	[tilespmem:v61+s8+$0x0] =	vst.idx.msk $0xff, v7  }
0x120: {  	[tilespmem:v6+s9+$0x0] =	vst.idx.msk $0xff, v29  }
0x121: {  	[tilespmem:v61+s9+$0x0] =	vst.idx.msk $0xff, v32  }
0x122: {  	[hbm4b:s4+s2] =	stream.linear.scatter [tilespmem:s9], [sflag:$0x1], $0x6000, $0x38;
	[tilespmem:$0x12000] =	vst v63  }
0x123: {  	s10 =	sadd.s32 $0x1, s10;
	_ =	swait.ge [sflag:s7], $0x6000  }
0x124: {  	p0 =	sne.s32 s10, s6;
	[sflag:s7] =	ssyncset.done $0x0  }
.Ltmp1:
0x125: {  	[sflag:s7] =	ssyncadd.s32 $0xFFFFA000;
	(pc) =	sbr.rel @p0 .LBB2_1-.Ltmp1, $4  }
0x126: {  	[hbm4b:s5+s2] =	stream.linear.scatter [tilespmem:s8], [sflag:$0x1], $0x6000, $0x38;
	[tilespmem:$0x12000] =	vst v63  }
0x127: {  	_ =	swait.ge [sflag:s7], $0x6000  }
0x128: {  	[sflag:s7] =	ssyncset.done $0x0  }
0x129: {  	[sflag:s7] =	ssyncadd.s32 $0xFFFFA000  }
0x12a: {  	_ =	sfence.sel $0x180000  }
0x12b: {  	[bflag:$0x0] =	sbarrier.arrive $0xFFFF  }
0x12c: {  	p0 =	sne.s32 s0, $0x0;
	_ =	strace $0x9000004A  }
0x12d: {  	s0 =	sadd.s32 @!p0 $0x100000, s1;
	[bflag:$0x2] =	sbarrier.arrive $0xFFFF  }
0x12e: {  	[sflag:s0] =	ssyncadd.tile.s32 @!p0 $0x1;
	_ =	shalt  }
.Lfunc_end2:
_tile_overlayer_lowered:
.L_overlay_start_2:
0x12f: {  	(tag) =	ssettag $0x2  }
0x130: {  	s0 =	rddreg [dreg:$0x0];
	s2 =	stileid.u32  }
0x131: {  	s1 =	rddreg [dreg:$0x1];
	p0 =	sne.s32 s2, $0x0  }
0x132: {  	s3 =	rddreg [dreg:$0x2];
	[bflag:$0x3] =	sbarrier.arrive $0xFFFF;
	s2 =	simm.s32 @!p0 $0x1C01  }
0x133: {  	[timem:s3], [sflag:s2] =	dma.local @!p0 [hbm:s0], s1  }
0x134: {  	s0 =	simm.s32 @!p0 $0x1  }
0x135: {  	_ =	swait.ge @!p0 [sflag:s0], s1  }
0x136: {  	s1 =	ssub.s32 @!p0 $0x0, s1;
	[sflag:s0] =	ssyncset.done @!p0 $0x0  }
0x137: {  	[sflag:s0] =	ssyncadd.s32 @!p0 s1  }
0x138: {  	[bflag:$0x3] =	sbarrier.arrive $0xFFFF  }
0x139: {  	_ =	shalt  }

</sc_bundles>
